<compile_context>
chip_gen: v7x
topology: tpu7x:2x2x1
jax: 0.10.2.dev20260603
libtpu: 0.0.44.dev20260713+nightly
codegen_flags: <defaults>
</compile_context>

<pallas_src>
import functools

import jax
import jax.numpy as jnp
from jax import lax
from jax.experimental import pallas as pl
from jax.experimental.pallas import tpu as pltpu
from jax.experimental.pallas import tpu_sc as plsc

BATCH = 16384
EMBED_DIM = 32
SDAE_DIM = 16
OUT_DIM = EMBED_DIM + SDAE_DIM

_INFO = plsc.get_sparse_core_info()
_NC = _INFO.num_cores
_NS = _INFO.num_subcores
_NW = _NC * _NS
_BPW = BATCH // _NW
_NSG = _BPW // 16

_mesh = plsc.VectorSubcoreMesh(core_axis_name="c", subcore_axis_name="s")


@functools.partial(
    pl.kernel,
    mesh=_mesh,
    out_type=jax.ShapeDtypeStruct((OUT_DIM, BATCH), jnp.float32),
    compiler_params=pltpu.CompilerParams(needs_layout_passes=False),
    scratch_types=[
        pltpu.VMEM((_BPW,), jnp.int32),
        pltpu.VMEM((_BPW,), jnp.int32),
        pltpu.VMEM((8, EMBED_DIM, 128), jnp.float32),
        pltpu.VMEM((8, EMBED_DIM, 128), jnp.float32),
        pltpu.VMEM((SDAE_DIM, _BPW), jnp.float32),
        pltpu.VMEM((SDAE_DIM, _BPW), jnp.float32),
        pltpu.VMEM((OUT_DIM, _BPW), jnp.float32),
        pltpu.SemaphoreType.DMA,
        pltpu.SemaphoreType.DMA,
    ],
)
def _gmf_sc(uidx_hbm, iidx_hbm, usdt_hbm, isdt_hbm, utt_hbm, itt_hbm,
            outt_hbm, uidx_v, iidx_v, uslab_v, islab_v, usd_v, isd_v,
            out_v, gsem0, gsem1):
    wid = lax.axis_index("s") * _NC + lax.axis_index("c")
    base = wid * _BPW

    pltpu.sync_copy(uidx_hbm.at[pl.ds(base, _BPW)], uidx_v)
    pltpu.sync_copy(iidx_hbm.at[pl.ds(base, _BPW)], iidx_v)
    pltpu.sync_copy(usdt_hbm.at[:, pl.ds(base, _BPW)], usd_v)
    pltpu.sync_copy(isdt_hbm.at[:, pl.ds(base, _BPW)], isd_v)

    d_lo = lax.iota(jnp.int32, 16)
    d_hi = d_lo + 16
    sems = (gsem0, gsem1)

    def sg_body(sg, carry):
        u16 = uidx_v[pl.ds(sg * 16, 16)]
        i16 = iidx_v[pl.ds(sg * 16, 16)]
        su16 = u16 & ~jnp.int32(127)
        si16 = i16 & ~jnp.int32(127)
        cu16 = u16 & jnp.int32(127)
        ci16 = i16 & jnp.int32(127)

        def fire(q):
            p = q & 1
            copies = []
            for s in range(4):
                k = q * 4 + s
                slot = p * 4 + s
                su = pl.multiple_of(su16[k], 128)
                si = pl.multiple_of(si16[k], 128)
                copies.append(pltpu.async_copy(
                    utt_hbm.at[:, pl.ds(su, 128)], uslab_v.at[slot], sems[p]))
                copies.append(pltpu.async_copy(
                    itt_hbm.at[:, pl.ds(si, 128)], islab_v.at[slot], sems[p]))
            return copies

        def extract(q):
            p = q & 1
            for s in range(4):
                k = q * 4 + s
                slot = jnp.full((16,), p * 4 + s, jnp.int32)
                cu = jnp.full((16,), cu16[k], jnp.int32)
                ci = jnp.full((16,), ci16[k], jnp.int32)
                col = jnp.full((16,), sg * 16 + k, jnp.int32)
                u_lo = plsc.load_gather(uslab_v, [slot, d_lo, cu])
                u_hi = plsc.load_gather(uslab_v, [slot, d_hi, cu])
                i_lo = plsc.load_gather(islab_v, [slot, d_lo, ci])
                i_hi = plsc.load_gather(islab_v, [slot, d_hi, ci])
                plsc.store_scatter(out_v, [d_lo, col], u_lo * i_lo)
                plsc.store_scatter(out_v, [d_hi, col], u_hi * i_hi)

        c0 = fire(0)
        c1 = fire(1)
        for d in range(SDAE_DIM):
            out_v[EMBED_DIM + d, pl.ds(sg * 16, 16)] = (
                usd_v[d, pl.ds(sg * 16, 16)] * isd_v[d, pl.ds(sg * 16, 16)])
        for cpy in c0:
            cpy.wait()
        extract(0)
        c2 = fire(2)
        for cpy in c1:
            cpy.wait()
        extract(1)
        c3 = fire(3)
        for cpy in c2:
            cpy.wait()
        extract(2)
        for cpy in c3:
            cpy.wait()
        extract(3)
        return carry

    lax.fori_loop(0, _NSG, sg_body, None)

    pltpu.sync_copy(out_v, outt_hbm.at[:, pl.ds(base, _BPW)])


def kernel(user_indices, item_indices, user_sdae_feat, item_sdae_feat,
           user_table, item_table):
    uidx = user_indices.astype(jnp.int32)
    iidx = item_indices.astype(jnp.int32)
    out_t = _gmf_sc(uidx, iidx, user_sdae_feat.T, item_sdae_feat.T,
                    user_table.T, item_table.T)
    return out_t.T

# --- scband reference (transcript-rebuilt; emitter-appended) ---
"""Pipeline reference for scband-gmf-53506702573888 (READ-ONLY COPY).

The authoritative reference and input builder live on the scoring server;
editing this copy changes nothing except your own understanding.
"""

import jax, jax.numpy as jnp
import numpy as np

NUM_USERS = 1000000
NUM_ITEMS = 1000000
EMBED_DIM = 32
SDAE_DIM = 16
BATCH = 16384


def setup_inputs(seed: int = 0) -> dict:
    key = jax.random.key(seed)
    k1, k2, k3, k4, k5, k6 = jax.random.split(key, 6)
    user_indices = jax.random.randint(k1, (BATCH,), 0, NUM_USERS, dtype=jnp.int64 if jax.config.jax_enable_x64 else jnp.int32)
    item_indices = jax.random.randint(k2, (BATCH,), 0, NUM_ITEMS, dtype=jnp.int64 if jax.config.jax_enable_x64 else jnp.int32)
    user_sdae_feat = jax.random.normal(k3, (BATCH, SDAE_DIM), dtype=jnp.float32)
    item_sdae_feat = jax.random.normal(k4, (BATCH, SDAE_DIM), dtype=jnp.float32)
    user_table = jax.random.normal(k5, (NUM_USERS, EMBED_DIM), dtype=jnp.float32) * 0.01
    item_table = jax.random.normal(k6, (NUM_ITEMS, EMBED_DIM), dtype=jnp.float32) * 0.01
    return {
        "user_indices": user_indices,
        "item_indices": item_indices,
        "user_sdae_feat": user_sdae_feat,
        "item_sdae_feat": item_sdae_feat,
        "user_table": user_table,
        "item_table": item_table,
    }


def reference(user_indices, item_indices, user_sdae_feat, item_sdae_feat, user_table, item_table):
    user_embed = jnp.take(user_table, user_indices, axis=0)
    item_embed = jnp.take(item_table, item_indices, axis=0)
    user_embed = jnp.concatenate([user_embed, user_sdae_feat], axis=-1)
    item_embed = jnp.concatenate([item_embed, item_sdae_feat], axis=-1)
    output = user_embed * item_embed
    return output

if __name__ == "__main__":
    import jax
    _d = setup_inputs()
    print(jax.jit(kernel)(*tuple(_d.values())))

</pallas_src>

<mosaic_0001>
#map = affine_map<(d0, d1) -> (0)>
#map1 = affine_map<(d0, d1) -> (0, 0)>
module attributes {stable_mosaic.version = 14 : i64} {
  func.func @_gmf_sc(%arg0: i32, %arg1: i32, %arg2: memref<16384xi32, #tpu.memory_space<hbm>>, %arg3: memref<16384xi32, #tpu.memory_space<hbm>>, %arg4: memref<16x16384xf32, #tpu.memory_space<hbm>>, %arg5: memref<16x16384xf32, #tpu.memory_space<hbm>>, %arg6: memref<32x1000000xf32, #tpu.memory_space<hbm>>, %arg7: memref<32x1000000xf32, #tpu.memory_space<hbm>>, %arg8: memref<48x16384xf32, #tpu.memory_space<hbm>>, %arg9: memref<512xi32, #tpu.memory_space<vmem>>, %arg10: memref<512xi32, #tpu.memory_space<vmem>>, %arg11: memref<8x32x128xf32, #tpu.memory_space<vmem>>, %arg12: memref<8x32x128xf32, #tpu.memory_space<vmem>>, %arg13: memref<16x512xf32, #tpu.memory_space<vmem>>, %arg14: memref<16x512xf32, #tpu.memory_space<vmem>>, %arg15: memref<48x512xf32, #tpu.memory_space<vmem>>, %arg16: memref<!tpu.dma_semaphore, #tpu.memory_space<semaphore_mem>>, %arg17: memref<!tpu.dma_semaphore, #tpu.memory_space<semaphore_mem>>) attributes {dimension_semantics = [#tpu.dimension_semantics<core_parallel>, #tpu.dimension_semantics<subcore_parallel>], iteration_bounds = array<i64: 2, 16>, scalar_prefetch = 0 : i64, scratch_operands = 9 : i64, tpu.core_type = #tpu.core_type<sc_vector_subcore>, window_params = [{transform_indices = #map}, {transform_indices = #map}, {transform_indices = #map1}, {transform_indices = #map1}, {transform_indices = #map1}, {transform_indices = #map1}, {transform_indices = #map1}]} {
    %mul3A = arith.constant 2 : i32
    %mul3A_0 = arith.muli %arg1, %mul3A : i32
    %add3A = arith.addi %mul3A_0, %arg0 : i32
    %mul3A_1 = arith.constant 512 : i32
    %mul3A_2 = arith.muli %add3A, %mul3A_1 : i32
    "tpu.region"() ({
      %run_scoped3A = tpu.sem_alloc : memref<!tpu.dma_semaphore, #tpu.memory_space<semaphore_mem>>
      %dma_start3A = tpu.memref_slice %arg2[%mul3A_2] : memref<16384xi32, #tpu.memory_space<hbm>> -> memref<512xi32, #tpu.memory_space<hbm>>
      %dma_start3A_10 = tpu.memref_slice %arg2[%mul3A_2] : memref<16384xi32, #tpu.memory_space<hbm>> -> memref<512xi32, #tpu.memory_space<hbm>>
      tpu.enqueue_dma source(%dma_start3A_10 : memref<512xi32, #tpu.memory_space<hbm>>) target(%arg9 : memref<512xi32, #tpu.memory_space<vmem>>) target_semaphore(%run_scoped3A : memref<!tpu.dma_semaphore, #tpu.memory_space<semaphore_mem>>)
      %dma_wait3A = tpu.memref_slice %arg2[%mul3A_2] : memref<16384xi32, #tpu.memory_space<hbm>> -> memref<512xi32, #tpu.memory_space<hbm>>
      %dma_wait3A_11 = tpu.memref_slice %arg2[%mul3A_2] : memref<16384xi32, #tpu.memory_space<hbm>> -> memref<512xi32, #tpu.memory_space<hbm>>
      tpu.wait_dma2 semaphore(%run_scoped3A : memref<!tpu.dma_semaphore, #tpu.memory_space<semaphore_mem>>) src(%dma_wait3A_11 : memref<512xi32, #tpu.memory_space<hbm>>) dst(%arg9 : memref<512xi32, #tpu.memory_space<vmem>>)
      tpu.yield
    }) : () -> ()
    "tpu.region"() ({
      %run_scoped3A = tpu.sem_alloc : memref<!tpu.dma_semaphore, #tpu.memory_space<semaphore_mem>>
      %dma_start3A = tpu.memref_slice %arg3[%mul3A_2] : memref<16384xi32, #tpu.memory_space<hbm>> -> memref<512xi32, #tpu.memory_space<hbm>>
      %dma_start3A_10 = tpu.memref_slice %arg3[%mul3A_2] : memref<16384xi32, #tpu.memory_space<hbm>> -> memref<512xi32, #tpu.memory_space<hbm>>
      tpu.enqueue_dma source(%dma_start3A_10 : memref<512xi32, #tpu.memory_space<hbm>>) target(%arg10 : memref<512xi32, #tpu.memory_space<vmem>>) target_semaphore(%run_scoped3A : memref<!tpu.dma_semaphore, #tpu.memory_space<semaphore_mem>>)
      %dma_wait3A = tpu.memref_slice %arg3[%mul3A_2] : memref<16384xi32, #tpu.memory_space<hbm>> -> memref<512xi32, #tpu.memory_space<hbm>>
      %dma_wait3A_11 = tpu.memref_slice %arg3[%mul3A_2] : memref<16384xi32, #tpu.memory_space<hbm>> -> memref<512xi32, #tpu.memory_space<hbm>>
      tpu.wait_dma2 semaphore(%run_scoped3A : memref<!tpu.dma_semaphore, #tpu.memory_space<semaphore_mem>>) src(%dma_wait3A_11 : memref<512xi32, #tpu.memory_space<hbm>>) dst(%arg10 : memref<512xi32, #tpu.memory_space<vmem>>)
      tpu.yield
    }) : () -> ()
    "tpu.region"() ({
      %run_scoped3A = tpu.sem_alloc : memref<!tpu.dma_semaphore, #tpu.memory_space<semaphore_mem>>
      %dma_start3A = arith.constant 0 : i32
      %dma_start3A_10 = tpu.memref_slice %arg4[%dma_start3A, %mul3A_2] : memref<16x16384xf32, #tpu.memory_space<hbm>> -> memref<16x512xf32, #tpu.memory_space<hbm>>
      %dma_start3A_11 = arith.constant 0 : i32
      %dma_start3A_12 = tpu.memref_slice %arg4[%dma_start3A_11, %mul3A_2] : memref<16x16384xf32, #tpu.memory_space<hbm>> -> memref<16x512xf32, #tpu.memory_space<hbm>>
      tpu.enqueue_dma source(%dma_start3A_12 : memref<16x512xf32, #tpu.memory_space<hbm>>) target(%arg13 : memref<16x512xf32, #tpu.memory_space<vmem>>) target_semaphore(%run_scoped3A : memref<!tpu.dma_semaphore, #tpu.memory_space<semaphore_mem>>)
      %dma_wait3A = arith.constant 0 : i32
      %dma_wait3A_13 = tpu.memref_slice %arg4[%dma_wait3A, %mul3A_2] : memref<16x16384xf32, #tpu.memory_space<hbm>> -> memref<16x512xf32, #tpu.memory_space<hbm>>
      %dma_wait3A_14 = arith.constant 0 : i32
      %dma_wait3A_15 = tpu.memref_slice %arg4[%dma_wait3A_14, %mul3A_2] : memref<16x16384xf32, #tpu.memory_space<hbm>> -> memref<16x512xf32, #tpu.memory_space<hbm>>
      tpu.wait_dma2 semaphore(%run_scoped3A : memref<!tpu.dma_semaphore, #tpu.memory_space<semaphore_mem>>) src(%dma_wait3A_15 : memref<16x512xf32, #tpu.memory_space<hbm>>) dst(%arg13 : memref<16x512xf32, #tpu.memory_space<vmem>>)
      tpu.yield
    }) : () -> ()
    "tpu.region"() ({
      %run_scoped3A = tpu.sem_alloc : memref<!tpu.dma_semaphore, #tpu.memory_space<semaphore_mem>>
      %dma_start3A = arith.constant 0 : i32
      %dma_start3A_10 = tpu.memref_slice %arg5[%dma_start3A, %mul3A_2] : memref<16x16384xf32, #tpu.memory_space<hbm>> -> memref<16x512xf32, #tpu.memory_space<hbm>>
      %dma_start3A_11 = arith.constant 0 : i32
      %dma_start3A_12 = tpu.memref_slice %arg5[%dma_start3A_11, %mul3A_2] : memref<16x16384xf32, #tpu.memory_space<hbm>> -> memref<16x512xf32, #tpu.memory_space<hbm>>
      tpu.enqueue_dma source(%dma_start3A_12 : memref<16x512xf32, #tpu.memory_space<hbm>>) target(%arg14 : memref<16x512xf32, #tpu.memory_space<vmem>>) target_semaphore(%run_scoped3A : memref<!tpu.dma_semaphore, #tpu.memory_space<semaphore_mem>>)
      %dma_wait3A = arith.constant 0 : i32
      %dma_wait3A_13 = tpu.memref_slice %arg5[%dma_wait3A, %mul3A_2] : memref<16x16384xf32, #tpu.memory_space<hbm>> -> memref<16x512xf32, #tpu.memory_space<hbm>>
      %dma_wait3A_14 = arith.constant 0 : i32
      %dma_wait3A_15 = tpu.memref_slice %arg5[%dma_wait3A_14, %mul3A_2] : memref<16x16384xf32, #tpu.memory_space<hbm>> -> memref<16x512xf32, #tpu.memory_space<hbm>>
      tpu.wait_dma2 semaphore(%run_scoped3A : memref<!tpu.dma_semaphore, #tpu.memory_space<semaphore_mem>>) src(%dma_wait3A_15 : memref<16x512xf32, #tpu.memory_space<hbm>>) dst(%arg14 : memref<16x512xf32, #tpu.memory_space<vmem>>)
      tpu.yield
    }) : () -> ()
    %iota3A = tpu.iota {dimensions = array<i32: 0>} : vector<16xi32>
    %add3A_3 = arith.constant 16 : i32
    %add3A_4 = vector.broadcast %add3A_3 : i32 to vector<16xi32>
    %add3A_5 = arith.addi %iota3A, %add3A_4 : vector<16xi32>
    %scan3A = arith.constant 0 : i32
    %scan3A_6 = arith.constant 32 : i32
    %scan3A_7 = arith.addi %scan3A, %scan3A_6 : i32
    %scan3A_8 = arith.constant 1 : i32
    scf.for %scan3A_10 = %scan3A to %scan3A_7 step %scan3A_8  : i32 {
      %mul3A_11 = arith.constant 16 : i32
      %mul3A_12 = arith.muli %scan3A_10, %mul3A_11 : i32
      %get3A = arith.index_cast %mul3A_12 : i32 to index
      %get3A_13 = tpu.vector_load %arg9[%get3A] {strides = array<i32>} : memref<512xi32, #tpu.memory_space<vmem>>, vector<16xi32>,
      %mul3A_14 = arith.constant 16 : i32
      %mul3A_15 = arith.muli %scan3A_10, %mul3A_14 : i32
      %get3A_16 = arith.index_cast %mul3A_15 : i32 to index
      %get3A_17 = tpu.vector_load %arg10[%get3A_16] {strides = array<i32>} : memref<512xi32, #tpu.memory_space<vmem>>, vector<16xi32>,
      %not3A = arith.constant 127 : i32
      %not3A_18 = arith.constant -1 : i32
      %not3A_19 = arith.xori %not3A, %not3A_18 : i32
      %and3A = vector.broadcast %not3A_19 : i32 to vector<16xi32>
      %and3A_20 = arith.andi %get3A_13, %and3A : vector<16xi32>
      %not3A_21 = arith.constant 127 : i32
      %not3A_22 = arith.constant -1 : i32
      %not3A_23 = arith.xori %not3A_21, %not3A_22 : i32
      %and3A_24 = vector.broadcast %not3A_23 : i32 to vector<16xi32>
      %and3A_25 = arith.andi %get3A_17, %and3A_24 : vector<16xi32>
      %and3A_26 = arith.constant 127 : i32
      %and3A_27 = vector.broadcast %and3A_26 : i32 to vector<16xi32>
      %and3A_28 = arith.andi %get3A_13, %and3A_27 : vector<16xi32>
      %and3A_29 = arith.constant 127 : i32
      %and3A_30 = vector.broadcast %and3A_29 : i32 to vector<16xi32>
      %and3A_31 = arith.andi %get3A_17, %and3A_30 : vector<16xi32>
      %slice3A = vector.extract_strided_slice %and3A_20 {offsets = [0], sizes = [1], strides = [1]} : vector<16xi32> to vector<1xi32>
      %squeeze3A = vector.extract %slice3A[0] : i32 from vector<1xi32>
      %multiple_of3A = tpu.assume_multiple %squeeze3A, 128 : i32
      %slice3A_32 = vector.extract_strided_slice %and3A_25 {offsets = [0], sizes = [1], strides = [1]} : vector<16xi32> to vector<1xi32>
      %squeeze3A_33 = vector.extract %slice3A_32[0] : i32 from vector<1xi32>
      %multiple_of3A_34 = tpu.assume_multiple %squeeze3A_33, 128 : i32
      %dma_start3A = arith.constant 0 : i32
      %dma_start3A_35 = arith.constant 0 : i32
      %dma_start3A_36 = arith.constant 0 : i32
      %dma_start3A_37 = tpu.memref_slice %arg11[%dma_start3A, %dma_start3A_35, %dma_start3A_36] : memref<8x32x128xf32, #tpu.memory_space<vmem>> -> memref<1x32x128xf32, #tpu.memory_space<vmem>>
      %dma_start3A_38 = tpu.memref_squeeze %dma_start3A_37 : memref<1x32x128xf32, #tpu.memory_space<vmem>> -> memref<32x128xf32, #tpu.memory_space<vmem>>
      %dma_start3A_39 = arith.constant 0 : i32
      %dma_start3A_40 = tpu.memref_slice %arg6[%dma_start3A_39, %multiple_of3A] : memref<32x1000000xf32, #tpu.memory_space<hbm>> -> memref<32x128xf32, #tpu.memory_space<hbm>>
      %dma_start3A_41 = arith.constant 0 : i32
      %dma_start3A_42 = arith.constant 0 : i32
      %dma_start3A_43 = tpu.memref_slice %arg11[%dma_start3A, %dma_start3A_41, %dma_start3A_42] : memref<8x32x128xf32, #tpu.memory_space<vmem>> -> memref<1x32x128xf32, #tpu.memory_space<vmem>>
      %dma_start3A_44 = tpu.memref_squeeze %dma_start3A_43 : memref<1x32x128xf32, #tpu.memory_space<vmem>> -> memref<32x128xf32, #tpu.memory_space<vmem>>
      %dma_start3A_45 = arith.constant 0 : i32
      %dma_start3A_46 = tpu.memref_slice %arg6[%dma_start3A_45, %multiple_of3A] : memref<32x1000000xf32, #tpu.memory_space<hbm>> -> memref<32x128xf32, #tpu.memory_space<hbm>>
      tpu.enqueue_dma source(%dma_start3A_46 : memref<32x128xf32, #tpu.memory_space<hbm>>) target(%dma_start3A_44 : memref<32x128xf32, #tpu.memory_space<vmem>>) target_semaphore(%arg16 : memref<!tpu.dma_semaphore, #tpu.memory_space<semaphore_mem>>)
      %dma_start3A_47 = arith.constant 0 : i32
      %dma_start3A_48 = arith.constant 0 : i32
      %dma_start3A_49 = arith.constant 0 : i32
      %dma_start3A_50 = tpu.memref_slice %arg12[%dma_start3A_47, %dma_start3A_48, %dma_start3A_49] : memref<8x32x128xf32, #tpu.memory_space<vmem>> -> memref<1x32x128xf32, #tpu.memory_space<vmem>>
      %dma_start3A_51 = tpu.memref_squeeze %dma_start3A_50 : memref<1x32x128xf32, #tpu.memory_space<vmem>> -> memref<32x128xf32, #tpu.memory_space<vmem>>
      %dma_start3A_52 = arith.constant 0 : i32
      %dma_start3A_53 = tpu.memref_slice %arg7[%dma_start3A_52, %multiple_of3A_34] : memref<32x1000000xf32, #tpu.memory_space<hbm>> -> memref<32x128xf32, #tpu.memory_space<hbm>>
      %dma_start3A_54 = arith.constant 0 : i32
      %dma_start3A_55 = arith.constant 0 : i32
      %dma_start3A_56 = tpu.memref_slice %arg12[%dma_start3A_47, %dma_start3A_54, %dma_start3A_55] : memref<8x32x128xf32, #tpu.memory_space<vmem>> -> memref<1x32x128xf32, #tpu.memory_space<vmem>>
      %dma_start3A_57 = tpu.memref_squeeze %dma_start3A_56 : memref<1x32x128xf32, #tpu.memory_space<vmem>> -> memref<32x128xf32, #tpu.memory_space<vmem>>
      %dma_start3A_58 = arith.constant 0 : i32
      %dma_start3A_59 = tpu.memref_slice %arg7[%dma_start3A_58, %multiple_of3A_34] : memref<32x1000000xf32, #tpu.memory_space<hbm>> -> memref<32x128xf32, #tpu.memory_space<hbm>>
      tpu.enqueue_dma source(%dma_start3A_59 : memref<32x128xf32, #tpu.memory_space<hbm>>) target(%dma_start3A_57 : memref<32x128xf32, #tpu.memory_space<vmem>>) target_semaphore(%arg16 : memref<!tpu.dma_semaphore, #tpu.memory_space<semaphore_mem>>)
      %slice3A_60 = vector.extract_strided_slice %and3A_20 {offsets = [1], sizes = [1], strides = [1]} : vector<16xi32> to vector<1xi32>
      %squeeze3A_61 = vector.extract %slice3A_60[0] : i32 from vector<1xi32>
      %multiple_of3A_62 = tpu.assume_multiple %squeeze3A_61, 128 : i32
      %slice3A_63 = vector.extract_strided_slice %and3A_25 {offsets = [1], sizes = [1], strides = [1]} : vector<16xi32> to vector<1xi32>
      %squeeze3A_64 = vector.extract %slice3A_63[0] : i32 from vector<1xi32>
      %multiple_of3A_65 = tpu.assume_multiple %squeeze3A_64, 128 : i32
      %dma_start3A_66 = arith.constant 1 : i32
      %dma_start3A_67 = arith.constant 0 : i32
      %dma_start3A_68 = arith.constant 0 : i32
      %dma_start3A_69 = tpu.memref_slice %arg11[%dma_start3A_66, %dma_start3A_67, %dma_start3A_68] : memref<8x32x128xf32, #tpu.memory_space<vmem>> -> memref<1x32x128xf32, #tpu.memory_space<vmem>>
      %dma_start3A_70 = tpu.memref_squeeze %dma_start3A_69 : memref<1x32x128xf32, #tpu.memory_space<vmem>> -> memref<32x128xf32, #tpu.memory_space<vmem>>
      %dma_start3A_71 = arith.constant 0 : i32
      %dma_start3A_72 = tpu.memref_slice %arg6[%dma_start3A_71, %multiple_of3A_62] : memref<32x1000000xf32, #tpu.memory_space<hbm>> -> memref<32x128xf32, #tpu.memory_space<hbm>>
      %dma_start3A_73 = arith.constant 0 : i32
      %dma_start3A_74 = arith.constant 0 : i32
      %dma_start3A_75 = tpu.memref_slice %arg11[%dma_start3A_66, %dma_start3A_73, %dma_start3A_74] : memref<8x32x128xf32, #tpu.memory_space<vmem>> -> memref<1x32x128xf32, #tpu.memory_space<vmem>>
      %dma_start3A_76 = tpu.memref_squeeze %dma_start3A_75 : memref<1x32x128xf32, #tpu.memory_space<vmem>> -> memref<32x128xf32, #tpu.memory_space<vmem>>
      %dma_start3A_77 = arith.constant 0 : i32
      %dma_start3A_78 = tpu.memref_slice %arg6[%dma_start3A_77, %multiple_of3A_62] : memref<32x1000000xf32, #tpu.memory_space<hbm>> -> memref<32x128xf32, #tpu.memory_space<hbm>>
      tpu.enqueue_dma source(%dma_start3A_78 : memref<32x128xf32, #tpu.memory_space<hbm>>) target(%dma_start3A_76 : memref<32x128xf32, #tpu.memory_space<vmem>>) target_semaphore(%arg16 : memref<!tpu.dma_semaphore, #tpu.memory_space<semaphore_mem>>)
      %dma_start3A_79 = arith.constant 1 : i32
      %dma_start3A_80 = arith.constant 0 : i32
      %dma_start3A_81 = arith.constant 0 : i32
      %dma_start3A_82 = tpu.memref_slice %arg12[%dma_start3A_79, %dma_start3A_80, %dma_start3A_81] : memref<8x32x128xf32, #tpu.memory_space<vmem>> -> memref<1x32x128xf32, #tpu.memory_space<vmem>>
      %dma_start3A_83 = tpu.memref_squeeze %dma_start3A_82 : memref<1x32x128xf32, #tpu.memory_space<vmem>> -> memref<32x128xf32, #tpu.memory_space<vmem>>
      %dma_start3A_84 = arith.constant 0 : i32
      %dma_start3A_85 = tpu.memref_slice %arg7[%dma_start3A_84, %multiple_of3A_65] : memref<32x1000000xf32, #tpu.memory_space<hbm>> -> memref<32x128xf32, #tpu.memory_space<hbm>>
      %dma_start3A_86 = arith.constant 0 : i32
      %dma_start3A_87 = arith.constant 0 : i32
      %dma_start3A_88 = tpu.memref_slice %arg12[%dma_start3A_79, %dma_start3A_86, %dma_start3A_87] : memref<8x32x128xf32, #tpu.memory_space<vmem>> -> memref<1x32x128xf32, #tpu.memory_space<vmem>>
      %dma_start3A_89 = tpu.memref_squeeze %dma_start3A_88 : memref<1x32x128xf32, #tpu.memory_space<vmem>> -> memref<32x128xf32, #tpu.memory_space<vmem>>
      %dma_start3A_90 = arith.constant 0 : i32
      %dma_start3A_91 = tpu.memref_slice %arg7[%dma_start3A_90, %multiple_of3A_65] : memref<32x1000000xf32, #tpu.memory_space<hbm>> -> memref<32x128xf32, #tpu.memory_space<hbm>>
      tpu.enqueue_dma source(%dma_start3A_91 : memref<32x128xf32, #tpu.memory_space<hbm>>) target(%dma_start3A_89 : memref<32x128xf32, #tpu.memory_space<vmem>>) target_semaphore(%arg16 : memref<!tpu.dma_semaphore, #tpu.memory_space<semaphore_mem>>)
      %slice3A_92 = vector.extract_strided_slice %and3A_20 {offsets = [2], sizes = [1], strides = [1]} : vector<16xi32> to vector<1xi32>
      %squeeze3A_93 = vector.extract %slice3A_92[0] : i32 from vector<1xi32>
      %multiple_of3A_94 = tpu.assume_multiple %squeeze3A_93, 128 : i32
      %slice3A_95 = vector.extract_strided_slice %and3A_25 {offsets = [2], sizes = [1], strides = [1]} : vector<16xi32> to vector<1xi32>
      %squeeze3A_96 = vector.extract %slice3A_95[0] : i32 from vector<1xi32>
      %multiple_of3A_97 = tpu.assume_multiple %squeeze3A_96, 128 : i32
      %dma_start3A_98 = arith.constant 2 : i32
      %dma_start3A_99 = arith.constant 0 : i32
      %dma_start3A_100 = arith.constant 0 : i32
      %dma_start3A_101 = tpu.memref_slice %arg11[%dma_start3A_98, %dma_start3A_99, %dma_start3A_100] : memref<8x32x128xf32, #tpu.memory_space<vmem>> -> memref<1x32x128xf32, #tpu.memory_space<vmem>>
      %dma_start3A_102 = tpu.memref_squeeze %dma_start3A_101 : memref<1x32x128xf32, #tpu.memory_space<vmem>> -> memref<32x128xf32, #tpu.memory_space<vmem>>
      %dma_start3A_103 = arith.constant 0 : i32
      %dma_start3A_104 = tpu.memref_slice %arg6[%dma_start3A_103, %multiple_of3A_94] : memref<32x1000000xf32, #tpu.memory_space<hbm>> -> memref<32x128xf32, #tpu.memory_space<hbm>>
      %dma_start3A_105 = arith.constant 0 : i32
      %dma_start3A_106 = arith.constant 0 : i32
      %dma_start3A_107 = tpu.memref_slice %arg11[%dma_start3A_98, %dma_start3A_105, %dma_start3A_106] : memref<8x32x128xf32, #tpu.memory_space<vmem>> -> memref<1x32x128xf32, #tpu.memory_space<vmem>>
      %dma_start3A_108 = tpu.memref_squeeze %dma_start3A_107 : memref<1x32x128xf32, #tpu.memory_space<vmem>> -> memref<32x128xf32, #tpu.memory_space<vmem>>
      %dma_start3A_109 = arith.constant 0 : i32
      %dma_start3A_110 = tpu.memref_slice %arg6[%dma_start3A_109, %multiple_of3A_94] : memref<32x1000000xf32, #tpu.memory_space<hbm>> -> memref<32x128xf32, #tpu.memory_space<hbm>>
      tpu.enqueue_dma source(%dma_start3A_110 : memref<32x128xf32, #tpu.memory_space<hbm>>) target(%dma_start3A_108 : memref<32x128xf32, #tpu.memory_space<vmem>>) target_semaphore(%arg16 : memref<!tpu.dma_semaphore, #tpu.memory_space<semaphore_mem>>)
      %dma_start3A_111 = arith.constant 2 : i32
      %dma_start3A_112 = arith.constant 0 : i32
      %dma_start3A_113 = arith.constant 0 : i32
      %dma_start3A_114 = tpu.memref_slice %arg12[%dma_start3A_111, %dma_start3A_112, %dma_start3A_113] : memref<8x32x128xf32, #tpu.memory_space<vmem>> -> memref<1x32x128xf32, #tpu.memory_space<vmem>>
      %dma_start3A_115 = tpu.memref_squeeze %dma_start3A_114 : memref<1x32x128xf32, #tpu.memory_space<vmem>> -> memref<32x128xf32, #tpu.memory_space<vmem>>
      %dma_start3A_116 = arith.constant 0 : i32
      %dma_start3A_117 = tpu.memref_slice %arg7[%dma_start3A_116, %multiple_of3A_97] : memref<32x1000000xf32, #tpu.memory_space<hbm>> -> memref<32x128xf32, #tpu.memory_space<hbm>>
      %dma_start3A_118 = arith.constant 0 : i32
      %dma_start3A_119 = arith.constant 0 : i32
      %dma_start3A_120 = tpu.memref_slice %arg12[%dma_start3A_111, %dma_start3A_118, %dma_start3A_119] : memref<8x32x128xf32, #tpu.memory_space<vmem>> -> memref<1x32x128xf32, #tpu.memory_space<vmem>>
      %dma_start3A_121 = tpu.memref_squeeze %dma_start3A_120 : memref<1x32x128xf32, #tpu.memory_space<vmem>> -> memref<32x128xf32, #tpu.memory_space<vmem>>
      %dma_start3A_122 = arith.constant 0 : i32
      %dma_start3A_123 = tpu.memref_slice %arg7[%dma_start3A_122, %multiple_of3A_97] : memref<32x1000000xf32, #tpu.memory_space<hbm>> -> memref<32x128xf32, #tpu.memory_space<hbm>>
      tpu.enqueue_dma source(%dma_start3A_123 : memref<32x128xf32, #tpu.memory_space<hbm>>) target(%dma_start3A_121 : memref<32x128xf32, #tpu.memory_space<vmem>>) target_semaphore(%arg16 : memref<!tpu.dma_semaphore, #tpu.memory_space<semaphore_mem>>)
      %slice3A_124 = vector.extract_strided_slice %and3A_20 {offsets = [3], sizes = [1], strides = [1]} : vector<16xi32> to vector<1xi32>
      %squeeze3A_125 = vector.extract %slice3A_124[0] : i32 from vector<1xi32>
      %multiple_of3A_126 = tpu.assume_multiple %squeeze3A_125, 128 : i32
      %slice3A_127 = vector.extract_strided_slice %and3A_25 {offsets = [3], sizes = [1], strides = [1]} : vector<16xi32> to vector<1xi32>
      %squeeze3A_128 = vector.extract %slice3A_127[0] : i32 from vector<1xi32>
      %multiple_of3A_129 = tpu.assume_multiple %squeeze3A_128, 128 : i32
      %dma_start3A_130 = arith.constant 3 : i32
      %dma_start3A_131 = arith.constant 0 : i32
      %dma_start3A_132 = arith.constant 0 : i32
      %dma_start3A_133 = tpu.memref_slice %arg11[%dma_start3A_130, %dma_start3A_131, %dma_start3A_132] : memref<8x32x128xf32, #tpu.memory_space<vmem>> -> memref<1x32x128xf32, #tpu.memory_space<vmem>>
      %dma_start3A_134 = tpu.memref_squeeze %dma_start3A_133 : memref<1x32x128xf32, #tpu.memory_space<vmem>> -> memref<32x128xf32, #tpu.memory_space<vmem>>
      %dma_start3A_135 = arith.constant 0 : i32
      %dma_start3A_136 = tpu.memref_slice %arg6[%dma_start3A_135, %multiple_of3A_126] : memref<32x1000000xf32, #tpu.memory_space<hbm>> -> memref<32x128xf32, #tpu.memory_space<hbm>>
      %dma_start3A_137 = arith.constant 0 : i32
      %dma_start3A_138 = arith.constant 0 : i32
      %dma_start3A_139 = tpu.memref_slice %arg11[%dma_start3A_130, %dma_start3A_137, %dma_start3A_138] : memref<8x32x128xf32, #tpu.memory_space<vmem>> -> memref<1x32x128xf32, #tpu.memory_space<vmem>>
      %dma_start3A_140 = tpu.memref_squeeze %dma_start3A_139 : memref<1x32x128xf32, #tpu.memory_space<vmem>> -> memref<32x128xf32, #tpu.memory_space<vmem>>
      %dma_start3A_141 = arith.constant 0 : i32
      %dma_start3A_142 = tpu.memref_slice %arg6[%dma_start3A_141, %multiple_of3A_126] : memref<32x1000000xf32, #tpu.memory_space<hbm>> -> memref<32x128xf32, #tpu.memory_space<hbm>>
      tpu.enqueue_dma source(%dma_start3A_142 : memref<32x128xf32, #tpu.memory_space<hbm>>) target(%dma_start3A_140 : memref<32x128xf32, #tpu.memory_space<vmem>>) target_semaphore(%arg16 : memref<!tpu.dma_semaphore, #tpu.memory_space<semaphore_mem>>)
      %dma_start3A_143 = arith.constant 3 : i32
      %dma_start3A_144 = arith.constant 0 : i32
      %dma_start3A_145 = arith.constant 0 : i32
      %dma_start3A_146 = tpu.memref_slice %arg12[%dma_start3A_143, %dma_start3A_144, %dma_start3A_145] : memref<8x32x128xf32, #tpu.memory_space<vmem>> -> memref<1x32x128xf32, #tpu.memory_space<vmem>>
      %dma_start3A_147 = tpu.memref_squeeze %dma_start3A_146 : memref<1x32x128xf32, #tpu.memory_space<vmem>> -> memref<32x128xf32, #tpu.memory_space<vmem>>
      %dma_start3A_148 = arith.constant 0 : i32
      %dma_start3A_149 = tpu.memref_slice %arg7[%dma_start3A_148, %multiple_of3A_129] : memref<32x1000000xf32, #tpu.memory_space<hbm>> -> memref<32x128xf32, #tpu.memory_space<hbm>>
      %dma_start3A_150 = arith.constant 0 : i32
      %dma_start3A_151 = arith.constant 0 : i32
      %dma_start3A_152 = tpu.memref_slice %arg12[%dma_start3A_143, %dma_start3A_150, %dma_start3A_151] : memref<8x32x128xf32, #tpu.memory_space<vmem>> -> memref<1x32x128xf32, #tpu.memory_space<vmem>>
      %dma_start3A_153 = tpu.memref_squeeze %dma_start3A_152 : memref<1x32x128xf32, #tpu.memory_space<vmem>> -> memref<32x128xf32, #tpu.memory_space<vmem>>
      %dma_start3A_154 = arith.constant 0 : i32
      %dma_start3A_155 = tpu.memref_slice %arg7[%dma_start3A_154, %multiple_of3A_129] : memref<32x1000000xf32, #tpu.memory_space<hbm>> -> memref<32x128xf32, #tpu.memory_space<hbm>>
      tpu.enqueue_dma source(%dma_start3A_155 : memref<32x128xf32, #tpu.memory_space<hbm>>) target(%dma_start3A_153 : memref<32x128xf32, #tpu.memory_space<vmem>>) target_semaphore(%arg16 : memref<!tpu.dma_semaphore, #tpu.memory_space<semaphore_mem>>)
      %slice3A_156 = vector.extract_strided_slice %and3A_20 {offsets = [4], sizes = [1], strides = [1]} : vector<16xi32> to vector<1xi32>
      %squeeze3A_157 = vector.extract %slice3A_156[0] : i32 from vector<1xi32>
      %multiple_of3A_158 = tpu.assume_multiple %squeeze3A_157, 128 : i32
      %slice3A_159 = vector.extract_strided_slice %and3A_25 {offsets = [4], sizes = [1], strides = [1]} : vector<16xi32> to vector<1xi32>
      %squeeze3A_160 = vector.extract %slice3A_159[0] : i32 from vector<1xi32>
      %multiple_of3A_161 = tpu.assume_multiple %squeeze3A_160, 128 : i32
      %dma_start3A_162 = arith.constant 4 : i32
      %dma_start3A_163 = arith.constant 0 : i32
      %dma_start3A_164 = arith.constant 0 : i32
      %dma_start3A_165 = tpu.memref_slice %arg11[%dma_start3A_162, %dma_start3A_163, %dma_start3A_164] : memref<8x32x128xf32, #tpu.memory_space<vmem>> -> memref<1x32x128xf32, #tpu.memory_space<vmem>>
      %dma_start3A_166 = tpu.memref_squeeze %dma_start3A_165 : memref<1x32x128xf32, #tpu.memory_space<vmem>> -> memref<32x128xf32, #tpu.memory_space<vmem>>
      %dma_start3A_167 = arith.constant 0 : i32
      %dma_start3A_168 = tpu.memref_slice %arg6[%dma_start3A_167, %multiple_of3A_158] : memref<32x1000000xf32, #tpu.memory_space<hbm>> -> memref<32x128xf32, #tpu.memory_space<hbm>>
      %dma_start3A_169 = arith.constant 0 : i32
      %dma_start3A_170 = arith.constant 0 : i32
      %dma_start3A_171 = tpu.memref_slice %arg11[%dma_start3A_162, %dma_start3A_169, %dma_start3A_170] : memref<8x32x128xf32, #tpu.memory_space<vmem>> -> memref<1x32x128xf32, #tpu.memory_space<vmem>>
      %dma_start3A_172 = tpu.memref_squeeze %dma_start3A_171 : memref<1x32x128xf32, #tpu.memory_space<vmem>> -> memref<32x128xf32, #tpu.memory_space<vmem>>
      %dma_start3A_173 = arith.constant 0 : i32
      %dma_start3A_174 = tpu.memref_slice %arg6[%dma_start3A_173, %multiple_of3A_158] : memref<32x1000000xf32, #tpu.memory_space<hbm>> -> memref<32x128xf32, #tpu.memory_space<hbm>>
      tpu.enqueue_dma source(%dma_start3A_174 : memref<32x128xf32, #tpu.memory_space<hbm>>) target(%dma_start3A_172 : memref<32x128xf32, #tpu.memory_space<vmem>>) target_semaphore(%arg17 : memref<!tpu.dma_semaphore, #tpu.memory_space<semaphore_mem>>)
      %dma_start3A_175 = arith.constant 4 : i32
      %dma_start3A_176 = arith.constant 0 : i32
      %dma_start3A_177 = arith.constant 0 : i32
      %dma_start3A_178 = tpu.memref_slice %arg12[%dma_start3A_175, %dma_start3A_176, %dma_start3A_177] : memref<8x32x128xf32, #tpu.memory_space<vmem>> -> memref<1x32x128xf32, #tpu.memory_space<vmem>>
      %dma_start3A_179 = tpu.memref_squeeze %dma_start3A_178 : memref<1x32x128xf32, #tpu.memory_space<vmem>> -> memref<32x128xf32, #tpu.memory_space<vmem>>
      %dma_start3A_180 = arith.constant 0 : i32
      %dma_start3A_181 = tpu.memref_slice %arg7[%dma_start3A_180, %multiple_of3A_161] : memref<32x1000000xf32, #tpu.memory_space<hbm>> -> memref<32x128xf32, #tpu.memory_space<hbm>>
      %dma_start3A_182 = arith.constant 0 : i32
      %dma_start3A_183 = arith.constant 0 : i32
      %dma_start3A_184 = tpu.memref_slice %arg12[%dma_start3A_175, %dma_start3A_182, %dma_start3A_183] : memref<8x32x128xf32, #tpu.memory_space<vmem>> -> memref<1x32x128xf32, #tpu.memory_space<vmem>>
      %dma_start3A_185 = tpu.memref_squeeze %dma_start3A_184 : memref<1x32x128xf32, #tpu.memory_space<vmem>> -> memref<32x128xf32, #tpu.memory_space<vmem>>
      %dma_start3A_186 = arith.constant 0 : i32
      %dma_start3A_187 = tpu.memref_slice %arg7[%dma_start3A_186, %multiple_of3A_161] : memref<32x1000000xf32, #tpu.memory_space<hbm>> -> memref<32x128xf32, #tpu.memory_space<hbm>>
      tpu.enqueue_dma source(%dma_start3A_187 : memref<32x128xf32, #tpu.memory_space<hbm>>) target(%dma_start3A_185 : memref<32x128xf32, #tpu.memory_space<vmem>>) target_semaphore(%arg17 : memref<!tpu.dma_semaphore, #tpu.memory_space<semaphore_mem>>)
      %slice3A_188 = vector.extract_strided_slice %and3A_20 {offsets = [5], sizes = [1], strides = [1]} : vector<16xi32> to vector<1xi32>
      %squeeze3A_189 = vector.extract %slice3A_188[0] : i32 from vector<1xi32>
      %multiple_of3A_190 = tpu.assume_multiple %squeeze3A_189, 128 : i32
      %slice3A_191 = vector.extract_strided_slice %and3A_25 {offsets = [5], sizes = [1], strides = [1]} : vector<16xi32> to vector<1xi32>
      %squeeze3A_192 = vector.extract %slice3A_191[0] : i32 from vector<1xi32>
      %multiple_of3A_193 = tpu.assume_multiple %squeeze3A_192, 128 : i32
      %dma_start3A_194 = arith.constant 5 : i32
      %dma_start3A_195 = arith.constant 0 : i32
      %dma_start3A_196 = arith.constant 0 : i32
      %dma_start3A_197 = tpu.memref_slice %arg11[%dma_start3A_194, %dma_start3A_195, %dma_start3A_196] : memref<8x32x128xf32, #tpu.memory_space<vmem>> -> memref<1x32x128xf32, #tpu.memory_space<vmem>>
      %dma_start3A_198 = tpu.memref_squeeze %dma_start3A_197 : memref<1x32x128xf32, #tpu.memory_space<vmem>> -> memref<32x128xf32, #tpu.memory_space<vmem>>
      %dma_start3A_199 = arith.constant 0 : i32
      %dma_start3A_200 = tpu.memref_slice %arg6[%dma_start3A_199, %multiple_of3A_190] : memref<32x1000000xf32, #tpu.memory_space<hbm>> -> memref<32x128xf32, #tpu.memory_space<hbm>>
      %dma_start3A_201 = arith.constant 0 : i32
      %dma_start3A_202 = arith.constant 0 : i32
      %dma_start3A_203 = tpu.memref_slice %arg11[%dma_start3A_194, %dma_start3A_201, %dma_start3A_202] : memref<8x32x128xf32, #tpu.memory_space<vmem>> -> memref<1x32x128xf32, #tpu.memory_space<vmem>>
      %dma_start3A_204 = tpu.memref_squeeze %dma_start3A_203 : memref<1x32x128xf32, #tpu.memory_space<vmem>> -> memref<32x128xf32, #tpu.memory_space<vmem>>
      %dma_start3A_205 = arith.constant 0 : i32
      %dma_start3A_206 = tpu.memref_slice %arg6[%dma_start3A_205, %multiple_of3A_190] : memref<32x1000000xf32, #tpu.memory_space<hbm>> -> memref<32x128xf32, #tpu.memory_space<hbm>>
      tpu.enqueue_dma source(%dma_start3A_206 : memref<32x128xf32, #tpu.memory_space<hbm>>) target(%dma_start3A_204 : memref<32x128xf32, #tpu.memory_space<vmem>>) target_semaphore(%arg17 : memref<!tpu.dma_semaphore, #tpu.memory_space<semaphore_mem>>)
      %dma_start3A_207 = arith.constant 5 : i32
      %dma_start3A_208 = arith.constant 0 : i32
      %dma_start3A_209 = arith.constant 0 : i32
      %dma_start3A_210 = tpu.memref_slice %arg12[%dma_start3A_207, %dma_start3A_208, %dma_start3A_209] : memref<8x32x128xf32, #tpu.memory_space<vmem>> -> memref<1x32x128xf32, #tpu.memory_space<vmem>>
      %dma_start3A_211 = tpu.memref_squeeze %dma_start3A_210 : memref<1x32x128xf32, #tpu.memory_space<vmem>> -> memref<32x128xf32, #tpu.memory_space<vmem>>
      %dma_start3A_212 = arith.constant 0 : i32
      %dma_start3A_213 = tpu.memref_slice %arg7[%dma_start3A_212, %multiple_of3A_193] : memref<32x1000000xf32, #tpu.memory_space<hbm>> -> memref<32x128xf32, #tpu.memory_space<hbm>>
      %dma_start3A_214 = arith.constant 0 : i32
      %dma_start3A_215 = arith.constant 0 : i32
      %dma_start3A_216 = tpu.memref_slice %arg12[%dma_start3A_207, %dma_start3A_214, %dma_start3A_215] : memref<8x32x128xf32, #tpu.memory_space<vmem>> -> memref<1x32x128xf32, #tpu.memory_space<vmem>>
      %dma_start3A_217 = tpu.memref_squeeze %dma_start3A_216 : memref<1x32x128xf32, #tpu.memory_space<vmem>> -> memref<32x128xf32, #tpu.memory_space<vmem>>
      %dma_start3A_218 = arith.constant 0 : i32
      %dma_start3A_219 = tpu.memref_slice %arg7[%dma_start3A_218, %multiple_of3A_193] : memref<32x1000000xf32, #tpu.memory_space<hbm>> -> memref<32x128xf32, #tpu.memory_space<hbm>>
      tpu.enqueue_dma source(%dma_start3A_219 : memref<32x128xf32, #tpu.memory_space<hbm>>) target(%dma_start3A_217 : memref<32x128xf32, #tpu.memory_space<vmem>>) target_semaphore(%arg17 : memref<!tpu.dma_semaphore, #tpu.memory_space<semaphore_mem>>)
      %slice3A_220 = vector.extract_strided_slice %and3A_20 {offsets = [6], sizes = [1], strides = [1]} : vector<16xi32> to vector<1xi32>
      %squeeze3A_221 = vector.extract %slice3A_220[0] : i32 from vector<1xi32>
      %multiple_of3A_222 = tpu.assume_multiple %squeeze3A_221, 128 : i32
      %slice3A_223 = vector.extract_strided_slice %and3A_25 {offsets = [6], sizes = [1], strides = [1]} : vector<16xi32> to vector<1xi32>
      %squeeze3A_224 = vector.extract %slice3A_223[0] : i32 from vector<1xi32>
      %multiple_of3A_225 = tpu.assume_multiple %squeeze3A_224, 128 : i32
      %dma_start3A_226 = arith.constant 6 : i32
      %dma_start3A_227 = arith.constant 0 : i32
      %dma_start3A_228 = arith.constant 0 : i32
      %dma_start3A_229 = tpu.memref_slice %arg11[%dma_start3A_226, %dma_start3A_227, %dma_start3A_228] : memref<8x32x128xf32, #tpu.memory_space<vmem>> -> memref<1x32x128xf32, #tpu.memory_space<vmem>>
      %dma_start3A_230 = tpu.memref_squeeze %dma_start3A_229 : memref<1x32x128xf32, #tpu.memory_space<vmem>> -> memref<32x128xf32, #tpu.memory_space<vmem>>
      %dma_start3A_231 = arith.constant 0 : i32
      %dma_start3A_232 = tpu.memref_slice %arg6[%dma_start3A_231, %multiple_of3A_222] : memref<32x1000000xf32, #tpu.memory_space<hbm>> -> memref<32x128xf32, #tpu.memory_space<hbm>>
      %dma_start3A_233 = arith.constant 0 : i32
      %dma_start3A_234 = arith.constant 0 : i32
      %dma_start3A_235 = tpu.memref_slice %arg11[%dma_start3A_226, %dma_start3A_233, %dma_start3A_234] : memref<8x32x128xf32, #tpu.memory_space<vmem>> -> memref<1x32x128xf32, #tpu.memory_space<vmem>>
      %dma_start3A_236 = tpu.memref_squeeze %dma_start3A_235 : memref<1x32x128xf32, #tpu.memory_space<vmem>> -> memref<32x128xf32, #tpu.memory_space<vmem>>
      %dma_start3A_237 = arith.constant 0 : i32
      %dma_start3A_238 = tpu.memref_slice %arg6[%dma_start3A_237, %multiple_of3A_222] : memref<32x1000000xf32, #tpu.memory_space<hbm>> -> memref<32x128xf32, #tpu.memory_space<hbm>>
      tpu.enqueue_dma source(%dma_start3A_238 : memref<32x128xf32, #tpu.memory_space<hbm>>) target(%dma_start3A_236 : memref<32x128xf32, #tpu.memory_space<vmem>>) target_semaphore(%arg17 : memref<!tpu.dma_semaphore, #tpu.memory_space<semaphore_mem>>)
      %dma_start3A_239 = arith.constant 6 : i32
      %dma_start3A_240 = arith.constant 0 : i32
      %dma_start3A_241 = arith.constant 0 : i32
      %dma_start3A_242 = tpu.memref_slice %arg12[%dma_start3A_239, %dma_start3A_240, %dma_start3A_241] : memref<8x32x128xf32, #tpu.memory_space<vmem>> -> memref<1x32x128xf32, #tpu.memory_space<vmem>>
      %dma_start3A_243 = tpu.memref_squeeze %dma_start3A_242 : memref<1x32x128xf32, #tpu.memory_space<vmem>> -> memref<32x128xf32, #tpu.memory_space<vmem>>
      %dma_start3A_244 = arith.constant 0 : i32
      %dma_start3A_245 = tpu.memref_slice %arg7[%dma_start3A_244, %multiple_of3A_225] : memref<32x1000000xf32, #tpu.memory_space<hbm>> -> memref<32x128xf32, #tpu.memory_space<hbm>>
      %dma_start3A_246 = arith.constant 0 : i32
      %dma_start3A_247 = arith.constant 0 : i32
      %dma_start3A_248 = tpu.memref_slice %arg12[%dma_start3A_239, %dma_start3A_246, %dma_start3A_247] : memref<8x32x128xf32, #tpu.memory_space<vmem>> -> memref<1x32x128xf32, #tpu.memory_space<vmem>>
      %dma_start3A_249 = tpu.memref_squeeze %dma_start3A_248 : memref<1x32x128xf32, #tpu.memory_space<vmem>> -> memref<32x128xf32, #tpu.memory_space<vmem>>
      %dma_start3A_250 = arith.constant 0 : i32
      %dma_start3A_251 = tpu.memref_slice %arg7[%dma_start3A_250, %multiple_of3A_225] : memref<32x1000000xf32, #tpu.memory_space<hbm>> -> memref<32x128xf32, #tpu.memory_space<hbm>>
      tpu.enqueue_dma source(%dma_start3A_251 : memref<32x128xf32, #tpu.memory_space<hbm>>) target(%dma_start3A_249 : memref<32x128xf32, #tpu.memory_space<vmem>>) target_semaphore(%arg17 : memref<!tpu.dma_semaphore, #tpu.memory_space<semaphore_mem>>)
      %slice3A_252 = vector.extract_strided_slice %and3A_20 {offsets = [7], sizes = [1], strides = [1]} : vector<16xi32> to vector<1xi32>
      %squeeze3A_253 = vector.extract %slice3A_252[0] : i32 from vector<1xi32>
      %multiple_of3A_254 = tpu.assume_multiple %squeeze3A_253, 128 : i32
      %slice3A_255 = vector.extract_strided_slice %and3A_25 {offsets = [7], sizes = [1], strides = [1]} : vector<16xi32> to vector<1xi32>
      %squeeze3A_256 = vector.extract %slice3A_255[0] : i32 from vector<1xi32>
      %multiple_of3A_257 = tpu.assume_multiple %squeeze3A_256, 128 : i32
      %dma_start3A_258 = arith.constant 7 : i32
      %dma_start3A_259 = arith.constant 0 : i32
      %dma_start3A_260 = arith.constant 0 : i32
      %dma_start3A_261 = tpu.memref_slice %arg11[%dma_start3A_258, %dma_start3A_259, %dma_start3A_260] : memref<8x32x128xf32, #tpu.memory_space<vmem>> -> memref<1x32x128xf32, #tpu.memory_space<vmem>>
      %dma_start3A_262 = tpu.memref_squeeze %dma_start3A_261 : memref<1x32x128xf32, #tpu.memory_space<vmem>> -> memref<32x128xf32, #tpu.memory_space<vmem>>
      %dma_start3A_263 = arith.constant 0 : i32
      %dma_start3A_264 = tpu.memref_slice %arg6[%dma_start3A_263, %multiple_of3A_254] : memref<32x1000000xf32, #tpu.memory_space<hbm>> -> memref<32x128xf32, #tpu.memory_space<hbm>>
      %dma_start3A_265 = arith.constant 0 : i32
      %dma_start3A_266 = arith.constant 0 : i32
      %dma_start3A_267 = tpu.memref_slice %arg11[%dma_start3A_258, %dma_start3A_265, %dma_start3A_266] : memref<8x32x128xf32, #tpu.memory_space<vmem>> -> memref<1x32x128xf32, #tpu.memory_space<vmem>>
      %dma_start3A_268 = tpu.memref_squeeze %dma_start3A_267 : memref<1x32x128xf32, #tpu.memory_space<vmem>> -> memref<32x128xf32, #tpu.memory_space<vmem>>
      %dma_start3A_269 = arith.constant 0 : i32
      %dma_start3A_270 = tpu.memref_slice %arg6[%dma_start3A_269, %multiple_of3A_254] : memref<32x1000000xf32, #tpu.memory_space<hbm>> -> memref<32x128xf32, #tpu.memory_space<hbm>>
      tpu.enqueue_dma source(%dma_start3A_270 : memref<32x128xf32, #tpu.memory_space<hbm>>) target(%dma_start3A_268 : memref<32x128xf32, #tpu.memory_space<vmem>>) target_semaphore(%arg17 : memref<!tpu.dma_semaphore, #tpu.memory_space<semaphore_mem>>)
      %dma_start3A_271 = arith.constant 7 : i32
      %dma_start3A_272 = arith.constant 0 : i32
      %dma_start3A_273 = arith.constant 0 : i32
      %dma_start3A_274 = tpu.memref_slice %arg12[%dma_start3A_271, %dma_start3A_272, %dma_start3A_273] : memref<8x32x128xf32, #tpu.memory_space<vmem>> -> memref<1x32x128xf32, #tpu.memory_space<vmem>>
      %dma_start3A_275 = tpu.memref_squeeze %dma_start3A_274 : memref<1x32x128xf32, #tpu.memory_space<vmem>> -> memref<32x128xf32, #tpu.memory_space<vmem>>
      %dma_start3A_276 = arith.constant 0 : i32
      %dma_start3A_277 = tpu.memref_slice %arg7[%dma_start3A_276, %multiple_of3A_257] : memref<32x1000000xf32, #tpu.memory_space<hbm>> -> memref<32x128xf32, #tpu.memory_space<hbm>>
      %dma_start3A_278 = arith.constant 0 : i32
      %dma_start3A_279 = arith.constant 0 : i32
      %dma_start3A_280 = tpu.memref_slice %arg12[%dma_start3A_271, %dma_start3A_278, %dma_start3A_279] : memref<8x32x128xf32, #tpu.memory_space<vmem>> -> memref<1x32x128xf32, #tpu.memory_space<vmem>>
      %dma_start3A_281 = tpu.memref_squeeze %dma_start3A_280 : memref<1x32x128xf32, #tpu.memory_space<vmem>> -> memref<32x128xf32, #tpu.memory_space<vmem>>
      %dma_start3A_282 = arith.constant 0 : i32
      %dma_start3A_283 = tpu.memref_slice %arg7[%dma_start3A_282, %multiple_of3A_257] : memref<32x1000000xf32, #tpu.memory_space<hbm>> -> memref<32x128xf32, #tpu.memory_space<hbm>>
      tpu.enqueue_dma source(%dma_start3A_283 : memref<32x128xf32, #tpu.memory_space<hbm>>) target(%dma_start3A_281 : memref<32x128xf32, #tpu.memory_space<vmem>>) target_semaphore(%arg17 : memref<!tpu.dma_semaphore, #tpu.memory_space<semaphore_mem>>)
      %mul3A_284 = arith.constant 16 : i32
      %mul3A_285 = arith.muli %scan3A_10, %mul3A_284 : i32
      %get3A_286 = arith.constant 0 : i32
      %get3A_287 = arith.index_cast %get3A_286 : i32 to index
      %get3A_288 = arith.index_cast %mul3A_285 : i32 to index
      %get3A_289 = tpu.vector_load %arg13[%get3A_287, %get3A_288] {strides = array<i32>} : memref<16x512xf32, #tpu.memory_space<vmem>>, vector<16xf32>,
      %mul3A_290 = arith.constant 16 : i32
      %mul3A_291 = arith.muli %scan3A_10, %mul3A_290 : i32
      %get3A_292 = arith.constant 0 : i32
      %get3A_293 = arith.index_cast %get3A_292 : i32 to index
      %get3A_294 = arith.index_cast %mul3A_291 : i32 to index
      %get3A_295 = tpu.vector_load %arg14[%get3A_293, %get3A_294] {strides = array<i32>} : memref<16x512xf32, #tpu.memory_space<vmem>>, vector<16xf32>,
      %mul3A_296 = arith.mulf %get3A_289, %get3A_295 : vector<16xf32>
      %mul3A_297 = arith.constant 16 : i32
      %mul3A_298 = arith.muli %scan3A_10, %mul3A_297 : i32
      %swap3A = arith.constant 32 : i32
      %swap3A_299 = arith.index_cast %swap3A : i32 to index
      %swap3A_300 = arith.index_cast %mul3A_298 : i32 to index
      %swap3A_301 = tpu.vector_load %arg15[%swap3A_299, %swap3A_300] {strides = array<i32>} : memref<48x512xf32, #tpu.memory_space<vmem>>, vector<16xf32>,
      tpu.vector_store %arg15[%swap3A_299, %swap3A_300], %mul3A_296 {strides = array<i32>} : memref<48x512xf32, #tpu.memory_space<vmem>>, vector<16xf32>,
      %mul3A_302 = arith.constant 16 : i32
      %mul3A_303 = arith.muli %scan3A_10, %mul3A_302 : i32
      %get3A_304 = arith.constant 1 : i32
      %get3A_305 = arith.index_cast %get3A_304 : i32 to index
      %get3A_306 = arith.index_cast %mul3A_303 : i32 to index
      %get3A_307 = tpu.vector_load %arg13[%get3A_305, %get3A_306] {strides = array<i32>} : memref<16x512xf32, #tpu.memory_space<vmem>>, vector<16xf32>,
      %mul3A_308 = arith.constant 16 : i32
      %mul3A_309 = arith.muli %scan3A_10, %mul3A_308 : i32
      %get3A_310 = arith.constant 1 : i32
      %get3A_311 = arith.index_cast %get3A_310 : i32 to index
      %get3A_312 = arith.index_cast %mul3A_309 : i32 to index
      %get3A_313 = tpu.vector_load %arg14[%get3A_311, %get3A_312] {strides = array<i32>} : memref<16x512xf32, #tpu.memory_space<vmem>>, vector<16xf32>,
      %mul3A_314 = arith.mulf %get3A_307, %get3A_313 : vector<16xf32>
      %mul3A_315 = arith.constant 16 : i32
      %mul3A_316 = arith.muli %scan3A_10, %mul3A_315 : i32
      %swap3A_317 = arith.constant 33 : i32
      %swap3A_318 = arith.index_cast %swap3A_317 : i32 to index
      %swap3A_319 = arith.index_cast %mul3A_316 : i32 to index
      %swap3A_320 = tpu.vector_load %arg15[%swap3A_318, %swap3A_319] {strides = array<i32>} : memref<48x512xf32, #tpu.memory_space<vmem>>, vector<16xf32>,
      tpu.vector_store %arg15[%swap3A_318, %swap3A_319], %mul3A_314 {strides = array<i32>} : memref<48x512xf32, #tpu.memory_space<vmem>>, vector<16xf32>,
      %mul3A_321 = arith.constant 16 : i32
      %mul3A_322 = arith.muli %scan3A_10, %mul3A_321 : i32
      %get3A_323 = arith.constant 2 : i32
      %get3A_324 = arith.index_cast %get3A_323 : i32 to index
      %get3A_325 = arith.index_cast %mul3A_322 : i32 to index
      %get3A_326 = tpu.vector_load %arg13[%get3A_324, %get3A_325] {strides = array<i32>} : memref<16x512xf32, #tpu.memory_space<vmem>>, vector<16xf32>,
      %mul3A_327 = arith.constant 16 : i32
      %mul3A_328 = arith.muli %scan3A_10, %mul3A_327 : i32
      %get3A_329 = arith.constant 2 : i32
      %get3A_330 = arith.index_cast %get3A_329 : i32 to index
      %get3A_331 = arith.index_cast %mul3A_328 : i32 to index
      %get3A_332 = tpu.vector_load %arg14[%get3A_330, %get3A_331] {strides = array<i32>} : memref<16x512xf32, #tpu.memory_space<vmem>>, vector<16xf32>,
      %mul3A_333 = arith.mulf %get3A_326, %get3A_332 : vector<16xf32>
      %mul3A_334 = arith.constant 16 : i32
      %mul3A_335 = arith.muli %scan3A_10, %mul3A_334 : i32
      %swap3A_336 = arith.constant 34 : i32
      %swap3A_337 = arith.index_cast %swap3A_336 : i32 to index
      %swap3A_338 = arith.index_cast %mul3A_335 : i32 to index
      %swap3A_339 = tpu.vector_load %arg15[%swap3A_337, %swap3A_338] {strides = array<i32>} : memref<48x512xf32, #tpu.memory_space<vmem>>, vector<16xf32>,
      tpu.vector_store %arg15[%swap3A_337, %swap3A_338], %mul3A_333 {strides = array<i32>} : memref<48x512xf32, #tpu.memory_space<vmem>>, vector<16xf32>,
      %mul3A_340 = arith.constant 16 : i32
      %mul3A_341 = arith.muli %scan3A_10, %mul3A_340 : i32
      %get3A_342 = arith.constant 3 : i32
      %get3A_343 = arith.index_cast %get3A_342 : i32 to index
      %get3A_344 = arith.index_cast %mul3A_341 : i32 to index
      %get3A_345 = tpu.vector_load %arg13[%get3A_343, %get3A_344] {strides = array<i32>} : memref<16x512xf32, #tpu.memory_space<vmem>>, vector<16xf32>,
      %mul3A_346 = arith.constant 16 : i32
      %mul3A_347 = arith.muli %scan3A_10, %mul3A_346 : i32
      %get3A_348 = arith.constant 3 : i32
      %get3A_349 = arith.index_cast %get3A_348 : i32 to index
      %get3A_350 = arith.index_cast %mul3A_347 : i32 to index
      %get3A_351 = tpu.vector_load %arg14[%get3A_349, %get3A_350] {strides = array<i32>} : memref<16x512xf32, #tpu.memory_space<vmem>>, vector<16xf32>,
      %mul3A_352 = arith.mulf %get3A_345, %get3A_351 : vector<16xf32>
      %mul3A_353 = arith.constant 16 : i32
      %mul3A_354 = arith.muli %scan3A_10, %mul3A_353 : i32
      %swap3A_355 = arith.constant 35 : i32
      %swap3A_356 = arith.index_cast %swap3A_355 : i32 to index
      %swap3A_357 = arith.index_cast %mul3A_354 : i32 to index
      %swap3A_358 = tpu.vector_load %arg15[%swap3A_356, %swap3A_357] {strides = array<i32>} : memref<48x512xf32, #tpu.memory_space<vmem>>, vector<16xf32>,
      tpu.vector_store %arg15[%swap3A_356, %swap3A_357], %mul3A_352 {strides = array<i32>} : memref<48x512xf32, #tpu.memory_space<vmem>>, vector<16xf32>,
      %mul3A_359 = arith.constant 16 : i32
      %mul3A_360 = arith.muli %scan3A_10, %mul3A_359 : i32
      %get3A_361 = arith.constant 4 : i32
      %get3A_362 = arith.index_cast %get3A_361 : i32 to index
      %get3A_363 = arith.index_cast %mul3A_360 : i32 to index
      %get3A_364 = tpu.vector_load %arg13[%get3A_362, %get3A_363] {strides = array<i32>} : memref<16x512xf32, #tpu.memory_space<vmem>>, vector<16xf32>,
      %mul3A_365 = arith.constant 16 : i32
      %mul3A_366 = arith.muli %scan3A_10, %mul3A_365 : i32
      %get3A_367 = arith.constant 4 : i32
      %get3A_368 = arith.index_cast %get3A_367 : i32 to index
      %get3A_369 = arith.index_cast %mul3A_366 : i32 to index
      %get3A_370 = tpu.vector_load %arg14[%get3A_368, %get3A_369] {strides = array<i32>} : memref<16x512xf32, #tpu.memory_space<vmem>>, vector<16xf32>,
      %mul3A_371 = arith.mulf %get3A_364, %get3A_370 : vector<16xf32>
      %mul3A_372 = arith.constant 16 : i32
      %mul3A_373 = arith.muli %scan3A_10, %mul3A_372 : i32
      %swap3A_374 = arith.constant 36 : i32
      %swap3A_375 = arith.index_cast %swap3A_374 : i32 to index
      %swap3A_376 = arith.index_cast %mul3A_373 : i32 to index
      %swap3A_377 = tpu.vector_load %arg15[%swap3A_375, %swap3A_376] {strides = array<i32>} : memref<48x512xf32, #tpu.memory_space<vmem>>, vector<16xf32>,
      tpu.vector_store %arg15[%swap3A_375, %swap3A_376], %mul3A_371 {strides = array<i32>} : memref<48x512xf32, #tpu.memory_space<vmem>>, vector<16xf32>,
      %mul3A_378 = arith.constant 16 : i32
      %mul3A_379 = arith.muli %scan3A_10, %mul3A_378 : i32
      %get3A_380 = arith.constant 5 : i32
      %get3A_381 = arith.index_cast %get3A_380 : i32 to index
      %get3A_382 = arith.index_cast %mul3A_379 : i32 to index
      %get3A_383 = tpu.vector_load %arg13[%get3A_381, %get3A_382] {strides = array<i32>} : memref<16x512xf32, #tpu.memory_space<vmem>>, vector<16xf32>,
      %mul3A_384 = arith.constant 16 : i32
      %mul3A_385 = arith.muli %scan3A_10, %mul3A_384 : i32
      %get3A_386 = arith.constant 5 : i32
      %get3A_387 = arith.index_cast %get3A_386 : i32 to index
      %get3A_388 = arith.index_cast %mul3A_385 : i32 to index
      %get3A_389 = tpu.vector_load %arg14[%get3A_387, %get3A_388] {strides = array<i32>} : memref<16x512xf32, #tpu.memory_space<vmem>>, vector<16xf32>,
      %mul3A_390 = arith.mulf %get3A_383, %get3A_389 : vector<16xf32>
      %mul3A_391 = arith.constant 16 : i32
      %mul3A_392 = arith.muli %scan3A_10, %mul3A_391 : i32
      %swap3A_393 = arith.constant 37 : i32
      %swap3A_394 = arith.index_cast %swap3A_393 : i32 to index
      %swap3A_395 = arith.index_cast %mul3A_392 : i32 to index
      %swap3A_396 = tpu.vector_load %arg15[%swap3A_394, %swap3A_395] {strides = array<i32>} : memref<48x512xf32, #tpu.memory_space<vmem>>, vector<16xf32>,
      tpu.vector_store %arg15[%swap3A_394, %swap3A_395], %mul3A_390 {strides = array<i32>} : memref<48x512xf32, #tpu.memory_space<vmem>>, vector<16xf32>,
      %mul3A_397 = arith.constant 16 : i32
      %mul3A_398 = arith.muli %scan3A_10, %mul3A_397 : i32
      %get3A_399 = arith.constant 6 : i32
      %get3A_400 = arith.index_cast %get3A_399 : i32 to index
      %get3A_401 = arith.index_cast %mul3A_398 : i32 to index
      %get3A_402 = tpu.vector_load %arg13[%get3A_400, %get3A_401] {strides = array<i32>} : memref<16x512xf32, #tpu.memory_space<vmem>>, vector<16xf32>,
      %mul3A_403 = arith.constant 16 : i32
      %mul3A_404 = arith.muli %scan3A_10, %mul3A_403 : i32
      %get3A_405 = arith.constant 6 : i32
      %get3A_406 = arith.index_cast %get3A_405 : i32 to index
      %get3A_407 = arith.index_cast %mul3A_404 : i32 to index
      %get3A_408 = tpu.vector_load %arg14[%get3A_406, %get3A_407] {strides = array<i32>} : memref<16x512xf32, #tpu.memory_space<vmem>>, vector<16xf32>,
      %mul3A_409 = arith.mulf %get3A_402, %get3A_408 : vector<16xf32>
      %mul3A_410 = arith.constant 16 : i32
      %mul3A_411 = arith.muli %scan3A_10, %mul3A_410 : i32
      %swap3A_412 = arith.constant 38 : i32
      %swap3A_413 = arith.index_cast %swap3A_412 : i32 to index
      %swap3A_414 = arith.index_cast %mul3A_411 : i32 to index
      %swap3A_415 = tpu.vector_load %arg15[%swap3A_413, %swap3A_414] {strides = array<i32>} : memref<48x512xf32, #tpu.memory_space<vmem>>, vector<16xf32>,
      tpu.vector_store %arg15[%swap3A_413, %swap3A_414], %mul3A_409 {strides = array<i32>} : memref<48x512xf32, #tpu.memory_space<vmem>>, vector<16xf32>,
      %mul3A_416 = arith.constant 16 : i32
      %mul3A_417 = arith.muli %scan3A_10, %mul3A_416 : i32
      %get3A_418 = arith.constant 7 : i32
      %get3A_419 = arith.index_cast %get3A_418 : i32 to index
      %get3A_420 = arith.index_cast %mul3A_417 : i32 to index
      %get3A_421 = tpu.vector_load %arg13[%get3A_419, %get3A_420] {strides = array<i32>} : memref<16x512xf32, #tpu.memory_space<vmem>>, vector<16xf32>,
      %mul3A_422 = arith.constant 16 : i32
      %mul3A_423 = arith.muli %scan3A_10, %mul3A_422 : i32
      %get3A_424 = arith.constant 7 : i32
      %get3A_425 = arith.index_cast %get3A_424 : i32 to index
      %get3A_426 = arith.index_cast %mul3A_423 : i32 to index
      %get3A_427 = tpu.vector_load %arg14[%get3A_425, %get3A_426] {strides = array<i32>} : memref<16x512xf32, #tpu.memory_space<vmem>>, vector<16xf32>,
      %mul3A_428 = arith.mulf %get3A_421, %get3A_427 : vector<16xf32>
      %mul3A_429 = arith.constant 16 : i32
      %mul3A_430 = arith.muli %scan3A_10, %mul3A_429 : i32
      %swap3A_431 = arith.constant 39 : i32
      %swap3A_432 = arith.index_cast %swap3A_431 : i32 to index
      %swap3A_433 = arith.index_cast %mul3A_430 : i32 to index
      %swap3A_434 = tpu.vector_load %arg15[%swap3A_432, %swap3A_433] {strides = array<i32>} : memref<48x512xf32, #tpu.memory_space<vmem>>, vector<16xf32>,
      tpu.vector_store %arg15[%swap3A_432, %swap3A_433], %mul3A_428 {strides = array<i32>} : memref<48x512xf32, #tpu.memory_space<vmem>>, vector<16xf32>,
      %mul3A_435 = arith.constant 16 : i32
      %mul3A_436 = arith.muli %scan3A_10, %mul3A_435 : i32
      %get3A_437 = arith.constant 8 : i32
      %get3A_438 = arith.index_cast %get3A_437 : i32 to index
      %get3A_439 = arith.index_cast %mul3A_436 : i32 to index
      %get3A_440 = tpu.vector_load %arg13[%get3A_438, %get3A_439] {strides = array<i32>} : memref<16x512xf32, #tpu.memory_space<vmem>>, vector<16xf32>,
      %mul3A_441 = arith.constant 16 : i32
      %mul3A_442 = arith.muli %scan3A_10, %mul3A_441 : i32
      %get3A_443 = arith.constant 8 : i32
      %get3A_444 = arith.index_cast %get3A_443 : i32 to index
      %get3A_445 = arith.index_cast %mul3A_442 : i32 to index
      %get3A_446 = tpu.vector_load %arg14[%get3A_444, %get3A_445] {strides = array<i32>} : memref<16x512xf32, #tpu.memory_space<vmem>>, vector<16xf32>,
      %mul3A_447 = arith.mulf %get3A_440, %get3A_446 : vector<16xf32>
      %mul3A_448 = arith.constant 16 : i32
      %mul3A_449 = arith.muli %scan3A_10, %mul3A_448 : i32
      %swap3A_450 = arith.constant 40 : i32
      %swap3A_451 = arith.index_cast %swap3A_450 : i32 to index
      %swap3A_452 = arith.index_cast %mul3A_449 : i32 to index
      %swap3A_453 = tpu.vector_load %arg15[%swap3A_451, %swap3A_452] {strides = array<i32>} : memref<48x512xf32, #tpu.memory_space<vmem>>, vector<16xf32>,
      tpu.vector_store %arg15[%swap3A_451, %swap3A_452], %mul3A_447 {strides = array<i32>} : memref<48x512xf32, #tpu.memory_space<vmem>>, vector<16xf32>,
      %mul3A_454 = arith.constant 16 : i32
      %mul3A_455 = arith.muli %scan3A_10, %mul3A_454 : i32
      %get3A_456 = arith.constant 9 : i32
      %get3A_457 = arith.index_cast %get3A_456 : i32 to index
      %get3A_458 = arith.index_cast %mul3A_455 : i32 to index
      %get3A_459 = tpu.vector_load %arg13[%get3A_457, %get3A_458] {strides = array<i32>} : memref<16x512xf32, #tpu.memory_space<vmem>>, vector<16xf32>,
      %mul3A_460 = arith.constant 16 : i32
      %mul3A_461 = arith.muli %scan3A_10, %mul3A_460 : i32
      %get3A_462 = arith.constant 9 : i32
      %get3A_463 = arith.index_cast %get3A_462 : i32 to index
      %get3A_464 = arith.index_cast %mul3A_461 : i32 to index
      %get3A_465 = tpu.vector_load %arg14[%get3A_463, %get3A_464] {strides = array<i32>} : memref<16x512xf32, #tpu.memory_space<vmem>>, vector<16xf32>,
      %mul3A_466 = arith.mulf %get3A_459, %get3A_465 : vector<16xf32>
      %mul3A_467 = arith.constant 16 : i32
      %mul3A_468 = arith.muli %scan3A_10, %mul3A_467 : i32
      %swap3A_469 = arith.constant 41 : i32
      %swap3A_470 = arith.index_cast %swap3A_469 : i32 to index
      %swap3A_471 = arith.index_cast %mul3A_468 : i32 to index
      %swap3A_472 = tpu.vector_load %arg15[%swap3A_470, %swap3A_471] {strides = array<i32>} : memref<48x512xf32, #tpu.memory_space<vmem>>, vector<16xf32>,
      tpu.vector_store %arg15[%swap3A_470, %swap3A_471], %mul3A_466 {strides = array<i32>} : memref<48x512xf32, #tpu.memory_space<vmem>>, vector<16xf32>,
      %mul3A_473 = arith.constant 16 : i32
      %mul3A_474 = arith.muli %scan3A_10, %mul3A_473 : i32
      %get3A_475 = arith.constant 10 : i32
      %get3A_476 = arith.index_cast %get3A_475 : i32 to index
      %get3A_477 = arith.index_cast %mul3A_474 : i32 to index
      %get3A_478 = tpu.vector_load %arg13[%get3A_476, %get3A_477] {strides = array<i32>} : memref<16x512xf32, #tpu.memory_space<vmem>>, vector<16xf32>,
      %mul3A_479 = arith.constant 16 : i32
      %mul3A_480 = arith.muli %scan3A_10, %mul3A_479 : i32
      %get3A_481 = arith.constant 10 : i32
      %get3A_482 = arith.index_cast %get3A_481 : i32 to index
      %get3A_483 = arith.index_cast %mul3A_480 : i32 to index
      %get3A_484 = tpu.vector_load %arg14[%get3A_482, %get3A_483] {strides = array<i32>} : memref<16x512xf32, #tpu.memory_space<vmem>>, vector<16xf32>,
      %mul3A_485 = arith.mulf %get3A_478, %get3A_484 : vector<16xf32>
      %mul3A_486 = arith.constant 16 : i32
      %mul3A_487 = arith.muli %scan3A_10, %mul3A_486 : i32
      %swap3A_488 = arith.constant 42 : i32
      %swap3A_489 = arith.index_cast %swap3A_488 : i32 to index
      %swap3A_490 = arith.index_cast %mul3A_487 : i32 to index
      %swap3A_491 = tpu.vector_load %arg15[%swap3A_489, %swap3A_490] {strides = array<i32>} : memref<48x512xf32, #tpu.memory_space<vmem>>, vector<16xf32>,
      tpu.vector_store %arg15[%swap3A_489, %swap3A_490], %mul3A_485 {strides = array<i32>} : memref<48x512xf32, #tpu.memory_space<vmem>>, vector<16xf32>,
      %mul3A_492 = arith.constant 16 : i32
      %mul3A_493 = arith.muli %scan3A_10, %mul3A_492 : i32
      %get3A_494 = arith.constant 11 : i32
      %get3A_495 = arith.index_cast %get3A_494 : i32 to index
      %get3A_496 = arith.index_cast %mul3A_493 : i32 to index
      %get3A_497 = tpu.vector_load %arg13[%get3A_495, %get3A_496] {strides = array<i32>} : memref<16x512xf32, #tpu.memory_space<vmem>>, vector<16xf32>,
      %mul3A_498 = arith.constant 16 : i32
      %mul3A_499 = arith.muli %scan3A_10, %mul3A_498 : i32
      %get3A_500 = arith.constant 11 : i32
      %get3A_501 = arith.index_cast %get3A_500 : i32 to index
      %get3A_502 = arith.index_cast %mul3A_499 : i32 to index
      %get3A_503 = tpu.vector_load %arg14[%get3A_501, %get3A_502] {strides = array<i32>} : memref<16x512xf32, #tpu.memory_space<vmem>>, vector<16xf32>,
      %mul3A_504 = arith.mulf %get3A_497, %get3A_503 : vector<16xf32>
      %mul3A_505 = arith.constant 16 : i32
      %mul3A_506 = arith.muli %scan3A_10, %mul3A_505 : i32
      %swap3A_507 = arith.constant 43 : i32
      %swap3A_508 = arith.index_cast %swap3A_507 : i32 to index
      %swap3A_509 = arith.index_cast %mul3A_506 : i32 to index
      %swap3A_510 = tpu.vector_load %arg15[%swap3A_508, %swap3A_509] {strides = array<i32>} : memref<48x512xf32, #tpu.memory_space<vmem>>, vector<16xf32>,
      tpu.vector_store %arg15[%swap3A_508, %swap3A_509], %mul3A_504 {strides = array<i32>} : memref<48x512xf32, #tpu.memory_space<vmem>>, vector<16xf32>,
      %mul3A_511 = arith.constant 16 : i32
      %mul3A_512 = arith.muli %scan3A_10, %mul3A_511 : i32
      %get3A_513 = arith.constant 12 : i32
      %get3A_514 = arith.index_cast %get3A_513 : i32 to index
      %get3A_515 = arith.index_cast %mul3A_512 : i32 to index
      %get3A_516 = tpu.vector_load %arg13[%get3A_514, %get3A_515] {strides = array<i32>} : memref<16x512xf32, #tpu.memory_space<vmem>>, vector<16xf32>,
      %mul3A_517 = arith.constant 16 : i32
      %mul3A_518 = arith.muli %scan3A_10, %mul3A_517 : i32
      %get3A_519 = arith.constant 12 : i32
      %get3A_520 = arith.index_cast %get3A_519 : i32 to index
      %get3A_521 = arith.index_cast %mul3A_518 : i32 to index
      %get3A_522 = tpu.vector_load %arg14[%get3A_520, %get3A_521] {strides = array<i32>} : memref<16x512xf32, #tpu.memory_space<vmem>>, vector<16xf32>,
      %mul3A_523 = arith.mulf %get3A_516, %get3A_522 : vector<16xf32>
      %mul3A_524 = arith.constant 16 : i32
      %mul3A_525 = arith.muli %scan3A_10, %mul3A_524 : i32
      %swap3A_526 = arith.constant 44 : i32
      %swap3A_527 = arith.index_cast %swap3A_526 : i32 to index
      %swap3A_528 = arith.index_cast %mul3A_525 : i32 to index
      %swap3A_529 = tpu.vector_load %arg15[%swap3A_527, %swap3A_528] {strides = array<i32>} : memref<48x512xf32, #tpu.memory_space<vmem>>, vector<16xf32>,
      tpu.vector_store %arg15[%swap3A_527, %swap3A_528], %mul3A_523 {strides = array<i32>} : memref<48x512xf32, #tpu.memory_space<vmem>>, vector<16xf32>,
      %mul3A_530 = arith.constant 16 : i32
      %mul3A_531 = arith.muli %scan3A_10, %mul3A_530 : i32
      %get3A_532 = arith.constant 13 : i32
      %get3A_533 = arith.index_cast %get3A_532 : i32 to index
      %get3A_534 = arith.index_cast %mul3A_531 : i32 to index
      %get3A_535 = tpu.vector_load %arg13[%get3A_533, %get3A_534] {strides = array<i32>} : memref<16x512xf32, #tpu.memory_space<vmem>>, vector<16xf32>,
      %mul3A_536 = arith.constant 16 : i32
      %mul3A_537 = arith.muli %scan3A_10, %mul3A_536 : i32
      %get3A_538 = arith.constant 13 : i32
      %get3A_539 = arith.index_cast %get3A_538 : i32 to index
      %get3A_540 = arith.index_cast %mul3A_537 : i32 to index
      %get3A_541 = tpu.vector_load %arg14[%get3A_539, %get3A_540] {strides = array<i32>} : memref<16x512xf32, #tpu.memory_space<vmem>>, vector<16xf32>,
      %mul3A_542 = arith.mulf %get3A_535, %get3A_541 : vector<16xf32>
      %mul3A_543 = arith.constant 16 : i32
      %mul3A_544 = arith.muli %scan3A_10, %mul3A_543 : i32
      %swap3A_545 = arith.constant 45 : i32
      %swap3A_546 = arith.index_cast %swap3A_545 : i32 to index
      %swap3A_547 = arith.index_cast %mul3A_544 : i32 to index
      %swap3A_548 = tpu.vector_load %arg15[%swap3A_546, %swap3A_547] {strides = array<i32>} : memref<48x512xf32, #tpu.memory_space<vmem>>, vector<16xf32>,
      tpu.vector_store %arg15[%swap3A_546, %swap3A_547], %mul3A_542 {strides = array<i32>} : memref<48x512xf32, #tpu.memory_space<vmem>>, vector<16xf32>,
      %mul3A_549 = arith.constant 16 : i32
      %mul3A_550 = arith.muli %scan3A_10, %mul3A_549 : i32
      %get3A_551 = arith.constant 14 : i32
      %get3A_552 = arith.index_cast %get3A_551 : i32 to index
      %get3A_553 = arith.index_cast %mul3A_550 : i32 to index
      %get3A_554 = tpu.vector_load %arg13[%get3A_552, %get3A_553] {strides = array<i32>} : memref<16x512xf32, #tpu.memory_space<vmem>>, vector<16xf32>,
      %mul3A_555 = arith.constant 16 : i32
      %mul3A_556 = arith.muli %scan3A_10, %mul3A_555 : i32
      %get3A_557 = arith.constant 14 : i32
      %get3A_558 = arith.index_cast %get3A_557 : i32 to index
      %get3A_559 = arith.index_cast %mul3A_556 : i32 to index
      %get3A_560 = tpu.vector_load %arg14[%get3A_558, %get3A_559] {strides = array<i32>} : memref<16x512xf32, #tpu.memory_space<vmem>>, vector<16xf32>,
      %mul3A_561 = arith.mulf %get3A_554, %get3A_560 : vector<16xf32>
      %mul3A_562 = arith.constant 16 : i32
      %mul3A_563 = arith.muli %scan3A_10, %mul3A_562 : i32
      %swap3A_564 = arith.constant 46 : i32
      %swap3A_565 = arith.index_cast %swap3A_564 : i32 to index
      %swap3A_566 = arith.index_cast %mul3A_563 : i32 to index
      %swap3A_567 = tpu.vector_load %arg15[%swap3A_565, %swap3A_566] {strides = array<i32>} : memref<48x512xf32, #tpu.memory_space<vmem>>, vector<16xf32>,
      tpu.vector_store %arg15[%swap3A_565, %swap3A_566], %mul3A_561 {strides = array<i32>} : memref<48x512xf32, #tpu.memory_space<vmem>>, vector<16xf32>,
      %mul3A_568 = arith.constant 16 : i32
      %mul3A_569 = arith.muli %scan3A_10, %mul3A_568 : i32
      %get3A_570 = arith.constant 15 : i32
      %get3A_571 = arith.index_cast %get3A_570 : i32 to index
      %get3A_572 = arith.index_cast %mul3A_569 : i32 to index
      %get3A_573 = tpu.vector_load %arg13[%get3A_571, %get3A_572] {strides = array<i32>} : memref<16x512xf32, #tpu.memory_space<vmem>>, vector<16xf32>,
      %mul3A_574 = arith.constant 16 : i32
      %mul3A_575 = arith.muli %scan3A_10, %mul3A_574 : i32
      %get3A_576 = arith.constant 15 : i32
      %get3A_577 = arith.index_cast %get3A_576 : i32 to index
      %get3A_578 = arith.index_cast %mul3A_575 : i32 to index
      %get3A_579 = tpu.vector_load %arg14[%get3A_577, %get3A_578] {strides = array<i32>} : memref<16x512xf32, #tpu.memory_space<vmem>>, vector<16xf32>,
      %mul3A_580 = arith.mulf %get3A_573, %get3A_579 : vector<16xf32>
      %mul3A_581 = arith.constant 16 : i32
      %mul3A_582 = arith.muli %scan3A_10, %mul3A_581 : i32
      %swap3A_583 = arith.constant 47 : i32
      %swap3A_584 = arith.index_cast %swap3A_583 : i32 to index
      %swap3A_585 = arith.index_cast %mul3A_582 : i32 to index
      %swap3A_586 = tpu.vector_load %arg15[%swap3A_584, %swap3A_585] {strides = array<i32>} : memref<48x512xf32, #tpu.memory_space<vmem>>, vector<16xf32>,
      tpu.vector_store %arg15[%swap3A_584, %swap3A_585], %mul3A_580 {strides = array<i32>} : memref<48x512xf32, #tpu.memory_space<vmem>>, vector<16xf32>,
      %dma_wait3A = arith.constant 0 : i32
      %dma_wait3A_587 = arith.constant 0 : i32
      %dma_wait3A_588 = arith.constant 0 : i32
      %dma_wait3A_589 = tpu.memref_slice %arg11[%dma_wait3A, %dma_wait3A_587, %dma_wait3A_588] : memref<8x32x128xf32, #tpu.memory_space<vmem>> -> memref<1x32x128xf32, #tpu.memory_space<vmem>>
      %dma_wait3A_590 = tpu.memref_squeeze %dma_wait3A_589 : memref<1x32x128xf32, #tpu.memory_space<vmem>> -> memref<32x128xf32, #tpu.memory_space<vmem>>
      %dma_wait3A_591 = arith.constant 0 : i32
      %dma_wait3A_592 = tpu.memref_slice %arg6[%dma_wait3A_591, %multiple_of3A] : memref<32x1000000xf32, #tpu.memory_space<hbm>> -> memref<32x128xf32, #tpu.memory_space<hbm>>
      %dma_wait3A_593 = arith.constant 0 : i32
      %dma_wait3A_594 = arith.constant 0 : i32
      %dma_wait3A_595 = tpu.memref_slice %arg11[%dma_wait3A, %dma_wait3A_593, %dma_wait3A_594] : memref<8x32x128xf32, #tpu.memory_space<vmem>> -> memref<1x32x128xf32, #tpu.memory_space<vmem>>
      %dma_wait3A_596 = tpu.memref_squeeze %dma_wait3A_595 : memref<1x32x128xf32, #tpu.memory_space<vmem>> -> memref<32x128xf32, #tpu.memory_space<vmem>>
      %dma_wait3A_597 = arith.constant 0 : i32
      %dma_wait3A_598 = tpu.memref_slice %arg6[%dma_wait3A_597, %multiple_of3A] : memref<32x1000000xf32, #tpu.memory_space<hbm>> -> memref<32x128xf32, #tpu.memory_space<hbm>>
      tpu.wait_dma2 semaphore(%arg16 : memref<!tpu.dma_semaphore, #tpu.memory_space<semaphore_mem>>) src(%dma_wait3A_598 : memref<32x128xf32, #tpu.memory_space<hbm>>) dst(%dma_wait3A_596 : memref<32x128xf32, #tpu.memory_space<vmem>>)
      %dma_wait3A_599 = arith.constant 0 : i32
      %dma_wait3A_600 = arith.constant 0 : i32
      %dma_wait3A_601 = arith.constant 0 : i32
      %dma_wait3A_602 = tpu.memref_slice %arg12[%dma_wait3A_599, %dma_wait3A_600, %dma_wait3A_601] : memref<8x32x128xf32, #tpu.memory_space<vmem>> -> memref<1x32x128xf32, #tpu.memory_space<vmem>>
      %dma_wait3A_603 = tpu.memref_squeeze %dma_wait3A_602 : memref<1x32x128xf32, #tpu.memory_space<vmem>> -> memref<32x128xf32, #tpu.memory_space<vmem>>
      %dma_wait3A_604 = arith.constant 0 : i32
      %dma_wait3A_605 = tpu.memref_slice %arg7[%dma_wait3A_604, %multiple_of3A_34] : memref<32x1000000xf32, #tpu.memory_space<hbm>> -> memref<32x128xf32, #tpu.memory_space<hbm>>
      %dma_wait3A_606 = arith.constant 0 : i32
      %dma_wait3A_607 = arith.constant 0 : i32
      %dma_wait3A_608 = tpu.memref_slice %arg12[%dma_wait3A_599, %dma_wait3A_606, %dma_wait3A_607] : memref<8x32x128xf32, #tpu.memory_space<vmem>> -> memref<1x32x128xf32, #tpu.memory_space<vmem>>
      %dma_wait3A_609 = tpu.memref_squeeze %dma_wait3A_608 : memref<1x32x128xf32, #tpu.memory_space<vmem>> -> memref<32x128xf32, #tpu.memory_space<vmem>>
      %dma_wait3A_610 = arith.constant 0 : i32
      %dma_wait3A_611 = tpu.memref_slice %arg7[%dma_wait3A_610, %multiple_of3A_34] : memref<32x1000000xf32, #tpu.memory_space<hbm>> -> memref<32x128xf32, #tpu.memory_space<hbm>>
      tpu.wait_dma2 semaphore(%arg16 : memref<!tpu.dma_semaphore, #tpu.memory_space<semaphore_mem>>) src(%dma_wait3A_611 : memref<32x128xf32, #tpu.memory_space<hbm>>) dst(%dma_wait3A_609 : memref<32x128xf32, #tpu.memory_space<vmem>>)
      %dma_wait3A_612 = arith.constant 1 : i32
      %dma_wait3A_613 = arith.constant 0 : i32
      %dma_wait3A_614 = arith.constant 0 : i32
      %dma_wait3A_615 = tpu.memref_slice %arg11[%dma_wait3A_612, %dma_wait3A_613, %dma_wait3A_614] : memref<8x32x128xf32, #tpu.memory_space<vmem>> -> memref<1x32x128xf32, #tpu.memory_space<vmem>>
      %dma_wait3A_616 = tpu.memref_squeeze %dma_wait3A_615 : memref<1x32x128xf32, #tpu.memory_space<vmem>> -> memref<32x128xf32, #tpu.memory_space<vmem>>
      %dma_wait3A_617 = arith.constant 0 : i32
      %dma_wait3A_618 = tpu.memref_slice %arg6[%dma_wait3A_617, %multiple_of3A_62] : memref<32x1000000xf32, #tpu.memory_space<hbm>> -> memref<32x128xf32, #tpu.memory_space<hbm>>
      %dma_wait3A_619 = arith.constant 0 : i32
      %dma_wait3A_620 = arith.constant 0 : i32
      %dma_wait3A_621 = tpu.memref_slice %arg11[%dma_wait3A_612, %dma_wait3A_619, %dma_wait3A_620] : memref<8x32x128xf32, #tpu.memory_space<vmem>> -> memref<1x32x128xf32, #tpu.memory_space<vmem>>
      %dma_wait3A_622 = tpu.memref_squeeze %dma_wait3A_621 : memref<1x32x128xf32, #tpu.memory_space<vmem>> -> memref<32x128xf32, #tpu.memory_space<vmem>>
      %dma_wait3A_623 = arith.constant 0 : i32
      %dma_wait3A_624 = tpu.memref_slice %arg6[%dma_wait3A_623, %multiple_of3A_62] : memref<32x1000000xf32, #tpu.memory_space<hbm>> -> memref<32x128xf32, #tpu.memory_space<hbm>>
      tpu.wait_dma2 semaphore(%arg16 : memref<!tpu.dma_semaphore, #tpu.memory_space<semaphore_mem>>) src(%dma_wait3A_624 : memref<32x128xf32, #tpu.memory_space<hbm>>) dst(%dma_wait3A_622 : memref<32x128xf32, #tpu.memory_space<vmem>>)
      %dma_wait3A_625 = arith.constant 1 : i32
      %dma_wait3A_626 = arith.constant 0 : i32
      %dma_wait3A_627 = arith.constant 0 : i32
      %dma_wait3A_628 = tpu.memref_slice %arg12[%dma_wait3A_625, %dma_wait3A_626, %dma_wait3A_627] : memref<8x32x128xf32, #tpu.memory_space<vmem>> -> memref<1x32x128xf32, #tpu.memory_space<vmem>>
      %dma_wait3A_629 = tpu.memref_squeeze %dma_wait3A_628 : memref<1x32x128xf32, #tpu.memory_space<vmem>> -> memref<32x128xf32, #tpu.memory_space<vmem>>
      %dma_wait3A_630 = arith.constant 0 : i32
      %dma_wait3A_631 = tpu.memref_slice %arg7[%dma_wait3A_630, %multiple_of3A_65] : memref<32x1000000xf32, #tpu.memory_space<hbm>> -> memref<32x128xf32, #tpu.memory_space<hbm>>
      %dma_wait3A_632 = arith.constant 0 : i32
      %dma_wait3A_633 = arith.constant 0 : i32
      %dma_wait3A_634 = tpu.memref_slice %arg12[%dma_wait3A_625, %dma_wait3A_632, %dma_wait3A_633] : memref<8x32x128xf32, #tpu.memory_space<vmem>> -> memref<1x32x128xf32, #tpu.memory_space<vmem>>
      %dma_wait3A_635 = tpu.memref_squeeze %dma_wait3A_634 : memref<1x32x128xf32, #tpu.memory_space<vmem>> -> memref<32x128xf32, #tpu.memory_space<vmem>>
      %dma_wait3A_636 = arith.constant 0 : i32
      %dma_wait3A_637 = tpu.memref_slice %arg7[%dma_wait3A_636, %multiple_of3A_65] : memref<32x1000000xf32, #tpu.memory_space<hbm>> -> memref<32x128xf32, #tpu.memory_space<hbm>>
      tpu.wait_dma2 semaphore(%arg16 : memref<!tpu.dma_semaphore, #tpu.memory_space<semaphore_mem>>) src(%dma_wait3A_637 : memref<32x128xf32, #tpu.memory_space<hbm>>) dst(%dma_wait3A_635 : memref<32x128xf32, #tpu.memory_space<vmem>>)
      %dma_wait3A_638 = arith.constant 2 : i32
      %dma_wait3A_639 = arith.constant 0 : i32
      %dma_wait3A_640 = arith.constant 0 : i32
      %dma_wait3A_641 = tpu.memref_slice %arg11[%dma_wait3A_638, %dma_wait3A_639, %dma_wait3A_640] : memref<8x32x128xf32, #tpu.memory_space<vmem>> -> memref<1x32x128xf32, #tpu.memory_space<vmem>>
      %dma_wait3A_642 = tpu.memref_squeeze %dma_wait3A_641 : memref<1x32x128xf32, #tpu.memory_space<vmem>> -> memref<32x128xf32, #tpu.memory_space<vmem>>
      %dma_wait3A_643 = arith.constant 0 : i32
      %dma_wait3A_644 = tpu.memref_slice %arg6[%dma_wait3A_643, %multiple_of3A_94] : memref<32x1000000xf32, #tpu.memory_space<hbm>> -> memref<32x128xf32, #tpu.memory_space<hbm>>
      %dma_wait3A_645 = arith.constant 0 : i32
      %dma_wait3A_646 = arith.constant 0 : i32
      %dma_wait3A_647 = tpu.memref_slice %arg11[%dma_wait3A_638, %dma_wait3A_645, %dma_wait3A_646] : memref<8x32x128xf32, #tpu.memory_space<vmem>> -> memref<1x32x128xf32, #tpu.memory_space<vmem>>
      %dma_wait3A_648 = tpu.memref_squeeze %dma_wait3A_647 : memref<1x32x128xf32, #tpu.memory_space<vmem>> -> memref<32x128xf32, #tpu.memory_space<vmem>>
      %dma_wait3A_649 = arith.constant 0 : i32
      %dma_wait3A_650 = tpu.memref_slice %arg6[%dma_wait3A_649, %multiple_of3A_94] : memref<32x1000000xf32, #tpu.memory_space<hbm>> -> memref<32x128xf32, #tpu.memory_space<hbm>>
      tpu.wait_dma2 semaphore(%arg16 : memref<!tpu.dma_semaphore, #tpu.memory_space<semaphore_mem>>) src(%dma_wait3A_650 : memref<32x128xf32, #tpu.memory_space<hbm>>) dst(%dma_wait3A_648 : memref<32x128xf32, #tpu.memory_space<vmem>>)
      %dma_wait3A_651 = arith.constant 2 : i32
      %dma_wait3A_652 = arith.constant 0 : i32
      %dma_wait3A_653 = arith.constant 0 : i32
      %dma_wait3A_654 = tpu.memref_slice %arg12[%dma_wait3A_651, %dma_wait3A_652, %dma_wait3A_653] : memref<8x32x128xf32, #tpu.memory_space<vmem>> -> memref<1x32x128xf32, #tpu.memory_space<vmem>>
      %dma_wait3A_655 = tpu.memref_squeeze %dma_wait3A_654 : memref<1x32x128xf32, #tpu.memory_space<vmem>> -> memref<32x128xf32, #tpu.memory_space<vmem>>
      %dma_wait3A_656 = arith.constant 0 : i32
      %dma_wait3A_657 = tpu.memref_slice %arg7[%dma_wait3A_656, %multiple_of3A_97] : memref<32x1000000xf32, #tpu.memory_space<hbm>> -> memref<32x128xf32, #tpu.memory_space<hbm>>
      %dma_wait3A_658 = arith.constant 0 : i32
      %dma_wait3A_659 = arith.constant 0 : i32
      %dma_wait3A_660 = tpu.memref_slice %arg12[%dma_wait3A_651, %dma_wait3A_658, %dma_wait3A_659] : memref<8x32x128xf32, #tpu.memory_space<vmem>> -> memref<1x32x128xf32, #tpu.memory_space<vmem>>
      %dma_wait3A_661 = tpu.memref_squeeze %dma_wait3A_660 : memref<1x32x128xf32, #tpu.memory_space<vmem>> -> memref<32x128xf32, #tpu.memory_space<vmem>>
      %dma_wait3A_662 = arith.constant 0 : i32
      %dma_wait3A_663 = tpu.memref_slice %arg7[%dma_wait3A_662, %multiple_of3A_97] : memref<32x1000000xf32, #tpu.memory_space<hbm>> -> memref<32x128xf32, #tpu.memory_space<hbm>>
      tpu.wait_dma2 semaphore(%arg16 : memref<!tpu.dma_semaphore, #tpu.memory_space<semaphore_mem>>) src(%dma_wait3A_663 : memref<32x128xf32, #tpu.memory_space<hbm>>) dst(%dma_wait3A_661 : memref<32x128xf32, #tpu.memory_space<vmem>>)
      %dma_wait3A_664 = arith.constant 3 : i32
      %dma_wait3A_665 = arith.constant 0 : i32
      %dma_wait3A_666 = arith.constant 0 : i32
      %dma_wait3A_667 = tpu.memref_slice %arg11[%dma_wait3A_664, %dma_wait3A_665, %dma_wait3A_666] : memref<8x32x128xf32, #tpu.memory_space<vmem>> -> memref<1x32x128xf32, #tpu.memory_space<vmem>>
      %dma_wait3A_668 = tpu.memref_squeeze %dma_wait3A_667 : memref<1x32x128xf32, #tpu.memory_space<vmem>> -> memref<32x128xf32, #tpu.memory_space<vmem>>
      %dma_wait3A_669 = arith.constant 0 : i32
      %dma_wait3A_670 = tpu.memref_slice %arg6[%dma_wait3A_669, %multiple_of3A_126] : memref<32x1000000xf32, #tpu.memory_space<hbm>> -> memref<32x128xf32, #tpu.memory_space<hbm>>
      %dma_wait3A_671 = arith.constant 0 : i32
      %dma_wait3A_672 = arith.constant 0 : i32
      %dma_wait3A_673 = tpu.memref_slice %arg11[%dma_wait3A_664, %dma_wait3A_671, %dma_wait3A_672] : memref<8x32x128xf32, #tpu.memory_space<vmem>> -> memref<1x32x128xf32, #tpu.memory_space<vmem>>
      %dma_wait3A_674 = tpu.memref_squeeze %dma_wait3A_673 : memref<1x32x128xf32, #tpu.memory_space<vmem>> -> memref<32x128xf32, #tpu.memory_space<vmem>>
      %dma_wait3A_675 = arith.constant 0 : i32
      %dma_wait3A_676 = tpu.memref_slice %arg6[%dma_wait3A_675, %multiple_of3A_126] : memref<32x1000000xf32, #tpu.memory_space<hbm>> -> memref<32x128xf32, #tpu.memory_space<hbm>>
      tpu.wait_dma2 semaphore(%arg16 : memref<!tpu.dma_semaphore, #tpu.memory_space<semaphore_mem>>) src(%dma_wait3A_676 : memref<32x128xf32, #tpu.memory_space<hbm>>) dst(%dma_wait3A_674 : memref<32x128xf32, #tpu.memory_space<vmem>>)
      %dma_wait3A_677 = arith.constant 3 : i32
      %dma_wait3A_678 = arith.constant 0 : i32
      %dma_wait3A_679 = arith.constant 0 : i32
      %dma_wait3A_680 = tpu.memref_slice %arg12[%dma_wait3A_677, %dma_wait3A_678, %dma_wait3A_679] : memref<8x32x128xf32, #tpu.memory_space<vmem>> -> memref<1x32x128xf32, #tpu.memory_space<vmem>>
      %dma_wait3A_681 = tpu.memref_squeeze %dma_wait3A_680 : memref<1x32x128xf32, #tpu.memory_space<vmem>> -> memref<32x128xf32, #tpu.memory_space<vmem>>
      %dma_wait3A_682 = arith.constant 0 : i32
      %dma_wait3A_683 = tpu.memref_slice %arg7[%dma_wait3A_682, %multiple_of3A_129] : memref<32x1000000xf32, #tpu.memory_space<hbm>> -> memref<32x128xf32, #tpu.memory_space<hbm>>
      %dma_wait3A_684 = arith.constant 0 : i32
      %dma_wait3A_685 = arith.constant 0 : i32
      %dma_wait3A_686 = tpu.memref_slice %arg12[%dma_wait3A_677, %dma_wait3A_684, %dma_wait3A_685] : memref<8x32x128xf32, #tpu.memory_space<vmem>> -> memref<1x32x128xf32, #tpu.memory_space<vmem>>
      %dma_wait3A_687 = tpu.memref_squeeze %dma_wait3A_686 : memref<1x32x128xf32, #tpu.memory_space<vmem>> -> memref<32x128xf32, #tpu.memory_space<vmem>>
      %dma_wait3A_688 = arith.constant 0 : i32
      %dma_wait3A_689 = tpu.memref_slice %arg7[%dma_wait3A_688, %multiple_of3A_129] : memref<32x1000000xf32, #tpu.memory_space<hbm>> -> memref<32x128xf32, #tpu.memory_space<hbm>>
      tpu.wait_dma2 semaphore(%arg16 : memref<!tpu.dma_semaphore, #tpu.memory_space<semaphore_mem>>) src(%dma_wait3A_689 : memref<32x128xf32, #tpu.memory_space<hbm>>) dst(%dma_wait3A_687 : memref<32x128xf32, #tpu.memory_space<vmem>>)
      %broadcast_in_dim3A = arith.constant 0 : i32
      %broadcast_in_dim3A_690 = vector.broadcast %broadcast_in_dim3A : i32 to vector<16xi32>
      %slice3A_691 = vector.extract_strided_slice %and3A_28 {offsets = [0], sizes = [1], strides = [1]} : vector<16xi32> to vector<1xi32>
      %squeeze3A_692 = vector.extract %slice3A_691[0] : i32 from vector<1xi32>
      %broadcast_in_dim3A_693 = vector.broadcast %squeeze3A_692 : i32 to vector<16xi32>
      %slice3A_694 = vector.extract_strided_slice %and3A_31 {offsets = [0], sizes = [1], strides = [1]} : vector<16xi32> to vector<1xi32>
      %squeeze3A_695 = vector.extract %slice3A_694[0] : i32 from vector<1xi32>
      %broadcast_in_dim3A_696 = vector.broadcast %squeeze3A_695 : i32 to vector<16xi32>
      %mul3A_697 = arith.constant 16 : i32
      %mul3A_698 = arith.muli %scan3A_10, %mul3A_697 : i32
      %add3A_699 = arith.constant 0 : i32
      %add3A_700 = arith.addi %mul3A_698, %add3A_699 : i32
      %broadcast_in_dim3A_701 = vector.broadcast %add3A_700 : i32 to vector<16xi32>
      %gather3A = tpu.vector_load_idx %arg11[%broadcast_in_dim3A_690, %iota3A, %broadcast_in_dim3A_693] : memref<8x32x128xf32, #tpu.memory_space<vmem>>[vector<16xi32>, vector<16xi32>, vector<16xi32>], vector<16xf32>,
      %gather3A_702 = tpu.vector_load_idx %arg11[%broadcast_in_dim3A_690, %add3A_5, %broadcast_in_dim3A_693] : memref<8x32x128xf32, #tpu.memory_space<vmem>>[vector<16xi32>, vector<16xi32>, vector<16xi32>], vector<16xf32>,
      %gather3A_703 = tpu.vector_load_idx %arg12[%broadcast_in_dim3A_690, %iota3A, %broadcast_in_dim3A_696] : memref<8x32x128xf32, #tpu.memory_space<vmem>>[vector<16xi32>, vector<16xi32>, vector<16xi32>], vector<16xf32>,
      %gather3A_704 = tpu.vector_load_idx %arg12[%broadcast_in_dim3A_690, %add3A_5, %broadcast_in_dim3A_696] : memref<8x32x128xf32, #tpu.memory_space<vmem>>[vector<16xi32>, vector<16xi32>, vector<16xi32>], vector<16xf32>,
      %mul3A_705 = arith.mulf %gather3A, %gather3A_703 : vector<16xf32>
      tpu.vector_store_idx %arg15[%iota3A, %broadcast_in_dim3A_701], %mul3A_705 : memref<48x512xf32, #tpu.memory_space<vmem>>[vector<16xi32>, vector<16xi32>], vector<16xf32>,
      %mul3A_706 = arith.mulf %gather3A_702, %gather3A_704 : vector<16xf32>
      tpu.vector_store_idx %arg15[%add3A_5, %broadcast_in_dim3A_701], %mul3A_706 : memref<48x512xf32, #tpu.memory_space<vmem>>[vector<16xi32>, vector<16xi32>], vector<16xf32>,
      %broadcast_in_dim3A_707 = arith.constant 1 : i32
      %broadcast_in_dim3A_708 = vector.broadcast %broadcast_in_dim3A_707 : i32 to vector<16xi32>
      %slice3A_709 = vector.extract_strided_slice %and3A_28 {offsets = [1], sizes = [1], strides = [1]} : vector<16xi32> to vector<1xi32>
      %squeeze3A_710 = vector.extract %slice3A_709[0] : i32 from vector<1xi32>
      %broadcast_in_dim3A_711 = vector.broadcast %squeeze3A_710 : i32 to vector<16xi32>
      %slice3A_712 = vector.extract_strided_slice %and3A_31 {offsets = [1], sizes = [1], strides = [1]} : vector<16xi32> to vector<1xi32>
      %squeeze3A_713 = vector.extract %slice3A_712[0] : i32 from vector<1xi32>
      %broadcast_in_dim3A_714 = vector.broadcast %squeeze3A_713 : i32 to vector<16xi32>
      %mul3A_715 = arith.constant 16 : i32
      %mul3A_716 = arith.muli %scan3A_10, %mul3A_715 : i32
      %add3A_717 = arith.constant 1 : i32
      %add3A_718 = arith.addi %mul3A_716, %add3A_717 : i32
      %broadcast_in_dim3A_719 = vector.broadcast %add3A_718 : i32 to vector<16xi32>
      %gather3A_720 = tpu.vector_load_idx %arg11[%broadcast_in_dim3A_708, %iota3A, %broadcast_in_dim3A_711] : memref<8x32x128xf32, #tpu.memory_space<vmem>>[vector<16xi32>, vector<16xi32>, vector<16xi32>], vector<16xf32>,
      %gather3A_721 = tpu.vector_load_idx %arg11[%broadcast_in_dim3A_708, %add3A_5, %broadcast_in_dim3A_711] : memref<8x32x128xf32, #tpu.memory_space<vmem>>[vector<16xi32>, vector<16xi32>, vector<16xi32>], vector<16xf32>,
      %gather3A_722 = tpu.vector_load_idx %arg12[%broadcast_in_dim3A_708, %iota3A, %broadcast_in_dim3A_714] : memref<8x32x128xf32, #tpu.memory_space<vmem>>[vector<16xi32>, vector<16xi32>, vector<16xi32>], vector<16xf32>,
      %gather3A_723 = tpu.vector_load_idx %arg12[%broadcast_in_dim3A_708, %add3A_5, %broadcast_in_dim3A_714] : memref<8x32x128xf32, #tpu.memory_space<vmem>>[vector<16xi32>, vector<16xi32>, vector<16xi32>], vector<16xf32>,
      %mul3A_724 = arith.mulf %gather3A_720, %gather3A_722 : vector<16xf32>
      tpu.vector_store_idx %arg15[%iota3A, %broadcast_in_dim3A_719], %mul3A_724 : memref<48x512xf32, #tpu.memory_space<vmem>>[vector<16xi32>, vector<16xi32>], vector<16xf32>,
      %mul3A_725 = arith.mulf %gather3A_721, %gather3A_723 : vector<16xf32>
      tpu.vector_store_idx %arg15[%add3A_5, %broadcast_in_dim3A_719], %mul3A_725 : memref<48x512xf32, #tpu.memory_space<vmem>>[vector<16xi32>, vector<16xi32>], vector<16xf32>,
      %broadcast_in_dim3A_726 = arith.constant 2 : i32
      %broadcast_in_dim3A_727 = vector.broadcast %broadcast_in_dim3A_726 : i32 to vector<16xi32>
      %slice3A_728 = vector.extract_strided_slice %and3A_28 {offsets = [2], sizes = [1], strides = [1]} : vector<16xi32> to vector<1xi32>
      %squeeze3A_729 = vector.extract %slice3A_728[0] : i32 from vector<1xi32>
      %broadcast_in_dim3A_730 = vector.broadcast %squeeze3A_729 : i32 to vector<16xi32>
      %slice3A_731 = vector.extract_strided_slice %and3A_31 {offsets = [2], sizes = [1], strides = [1]} : vector<16xi32> to vector<1xi32>
      %squeeze3A_732 = vector.extract %slice3A_731[0] : i32 from vector<1xi32>
      %broadcast_in_dim3A_733 = vector.broadcast %squeeze3A_732 : i32 to vector<16xi32>
      %mul3A_734 = arith.constant 16 : i32
      %mul3A_735 = arith.muli %scan3A_10, %mul3A_734 : i32
      %add3A_736 = arith.constant 2 : i32
      %add3A_737 = arith.addi %mul3A_735, %add3A_736 : i32
      %broadcast_in_dim3A_738 = vector.broadcast %add3A_737 : i32 to vector<16xi32>
      %gather3A_739 = tpu.vector_load_idx %arg11[%broadcast_in_dim3A_727, %iota3A, %broadcast_in_dim3A_730] : memref<8x32x128xf32, #tpu.memory_space<vmem>>[vector<16xi32>, vector<16xi32>, vector<16xi32>], vector<16xf32>,
      %gather3A_740 = tpu.vector_load_idx %arg11[%broadcast_in_dim3A_727, %add3A_5, %broadcast_in_dim3A_730] : memref<8x32x128xf32, #tpu.memory_space<vmem>>[vector<16xi32>, vector<16xi32>, vector<16xi32>], vector<16xf32>,
      %gather3A_741 = tpu.vector_load_idx %arg12[%broadcast_in_dim3A_727, %iota3A, %broadcast_in_dim3A_733] : memref<8x32x128xf32, #tpu.memory_space<vmem>>[vector<16xi32>, vector<16xi32>, vector<16xi32>], vector<16xf32>,
      %gather3A_742 = tpu.vector_load_idx %arg12[%broadcast_in_dim3A_727, %add3A_5, %broadcast_in_dim3A_733] : memref<8x32x128xf32, #tpu.memory_space<vmem>>[vector<16xi32>, vector<16xi32>, vector<16xi32>], vector<16xf32>,
      %mul3A_743 = arith.mulf %gather3A_739, %gather3A_741 : vector<16xf32>
      tpu.vector_store_idx %arg15[%iota3A, %broadcast_in_dim3A_738], %mul3A_743 : memref<48x512xf32, #tpu.memory_space<vmem>>[vector<16xi32>, vector<16xi32>], vector<16xf32>,
      %mul3A_744 = arith.mulf %gather3A_740, %gather3A_742 : vector<16xf32>
      tpu.vector_store_idx %arg15[%add3A_5, %broadcast_in_dim3A_738], %mul3A_744 : memref<48x512xf32, #tpu.memory_space<vmem>>[vector<16xi32>, vector<16xi32>], vector<16xf32>,
      %broadcast_in_dim3A_745 = arith.constant 3 : i32
      %broadcast_in_dim3A_746 = vector.broadcast %broadcast_in_dim3A_745 : i32 to vector<16xi32>
      %slice3A_747 = vector.extract_strided_slice %and3A_28 {offsets = [3], sizes = [1], strides = [1]} : vector<16xi32> to vector<1xi32>
      %squeeze3A_748 = vector.extract %slice3A_747[0] : i32 from vector<1xi32>
      %broadcast_in_dim3A_749 = vector.broadcast %squeeze3A_748 : i32 to vector<16xi32>
      %slice3A_750 = vector.extract_strided_slice %and3A_31 {offsets = [3], sizes = [1], strides = [1]} : vector<16xi32> to vector<1xi32>
      %squeeze3A_751 = vector.extract %slice3A_750[0] : i32 from vector<1xi32>
      %broadcast_in_dim3A_752 = vector.broadcast %squeeze3A_751 : i32 to vector<16xi32>
      %mul3A_753 = arith.constant 16 : i32
      %mul3A_754 = arith.muli %scan3A_10, %mul3A_753 : i32
      %add3A_755 = arith.constant 3 : i32
      %add3A_756 = arith.addi %mul3A_754, %add3A_755 : i32
      %broadcast_in_dim3A_757 = vector.broadcast %add3A_756 : i32 to vector<16xi32>
      %gather3A_758 = tpu.vector_load_idx %arg11[%broadcast_in_dim3A_746, %iota3A, %broadcast_in_dim3A_749] : memref<8x32x128xf32, #tpu.memory_space<vmem>>[vector<16xi32>, vector<16xi32>, vector<16xi32>], vector<16xf32>,
      %gather3A_759 = tpu.vector_load_idx %arg11[%broadcast_in_dim3A_746, %add3A_5, %broadcast_in_dim3A_749] : memref<8x32x128xf32, #tpu.memory_space<vmem>>[vector<16xi32>, vector<16xi32>, vector<16xi32>], vector<16xf32>,
      %gather3A_760 = tpu.vector_load_idx %arg12[%broadcast_in_dim3A_746, %iota3A, %broadcast_in_dim3A_752] : memref<8x32x128xf32, #tpu.memory_space<vmem>>[vector<16xi32>, vector<16xi32>, vector<16xi32>], vector<16xf32>,
      %gather3A_761 = tpu.vector_load_idx %arg12[%broadcast_in_dim3A_746, %add3A_5, %broadcast_in_dim3A_752] : memref<8x32x128xf32, #tpu.memory_space<vmem>>[vector<16xi32>, vector<16xi32>, vector<16xi32>], vector<16xf32>,
      %mul3A_762 = arith.mulf %gather3A_758, %gather3A_760 : vector<16xf32>
      tpu.vector_store_idx %arg15[%iota3A, %broadcast_in_dim3A_757], %mul3A_762 : memref<48x512xf32, #tpu.memory_space<vmem>>[vector<16xi32>, vector<16xi32>], vector<16xf32>,
      %mul3A_763 = arith.mulf %gather3A_759, %gather3A_761 : vector<16xf32>
      tpu.vector_store_idx %arg15[%add3A_5, %broadcast_in_dim3A_757], %mul3A_763 : memref<48x512xf32, #tpu.memory_space<vmem>>[vector<16xi32>, vector<16xi32>], vector<16xf32>,
      %slice3A_764 = vector.extract_strided_slice %and3A_20 {offsets = [8], sizes = [1], strides = [1]} : vector<16xi32> to vector<1xi32>
      %squeeze3A_765 = vector.extract %slice3A_764[0] : i32 from vector<1xi32>
      %multiple_of3A_766 = tpu.assume_multiple %squeeze3A_765, 128 : i32
      %slice3A_767 = vector.extract_strided_slice %and3A_25 {offsets = [8], sizes = [1], strides = [1]} : vector<16xi32> to vector<1xi32>
      %squeeze3A_768 = vector.extract %slice3A_767[0] : i32 from vector<1xi32>
      %multiple_of3A_769 = tpu.assume_multiple %squeeze3A_768, 128 : i32
      %dma_start3A_770 = arith.constant 0 : i32
      %dma_start3A_771 = arith.constant 0 : i32
      %dma_start3A_772 = arith.constant 0 : i32
      %dma_start3A_773 = tpu.memref_slice %arg11[%dma_start3A_770, %dma_start3A_771, %dma_start3A_772] : memref<8x32x128xf32, #tpu.memory_space<vmem>> -> memref<1x32x128xf32, #tpu.memory_space<vmem>>
      %dma_start3A_774 = tpu.memref_squeeze %dma_start3A_773 : memref<1x32x128xf32, #tpu.memory_space<vmem>> -> memref<32x128xf32, #tpu.memory_space<vmem>>
      %dma_start3A_775 = arith.constant 0 : i32
      %dma_start3A_776 = tpu.memref_slice %arg6[%dma_start3A_775, %multiple_of3A_766] : memref<32x1000000xf32, #tpu.memory_space<hbm>> -> memref<32x128xf32, #tpu.memory_space<hbm>>
      %dma_start3A_777 = arith.constant 0 : i32
      %dma_start3A_778 = arith.constant 0 : i32
      %dma_start3A_779 = tpu.memref_slice %arg11[%dma_start3A_770, %dma_start3A_777, %dma_start3A_778] : memref<8x32x128xf32, #tpu.memory_space<vmem>> -> memref<1x32x128xf32, #tpu.memory_space<vmem>>
      %dma_start3A_780 = tpu.memref_squeeze %dma_start3A_779 : memref<1x32x128xf32, #tpu.memory_space<vmem>> -> memref<32x128xf32, #tpu.memory_space<vmem>>
      %dma_start3A_781 = arith.constant 0 : i32
      %dma_start3A_782 = tpu.memref_slice %arg6[%dma_start3A_781, %multiple_of3A_766] : memref<32x1000000xf32, #tpu.memory_space<hbm>> -> memref<32x128xf32, #tpu.memory_space<hbm>>
      tpu.enqueue_dma source(%dma_start3A_782 : memref<32x128xf32, #tpu.memory_space<hbm>>) target(%dma_start3A_780 : memref<32x128xf32, #tpu.memory_space<vmem>>) target_semaphore(%arg16 : memref<!tpu.dma_semaphore, #tpu.memory_space<semaphore_mem>>)
      %dma_start3A_783 = arith.constant 0 : i32
      %dma_start3A_784 = arith.constant 0 : i32
      %dma_start3A_785 = arith.constant 0 : i32
      %dma_start3A_786 = tpu.memref_slice %arg12[%dma_start3A_783, %dma_start3A_784, %dma_start3A_785] : memref<8x32x128xf32, #tpu.memory_space<vmem>> -> memref<1x32x128xf32, #tpu.memory_space<vmem>>
      %dma_start3A_787 = tpu.memref_squeeze %dma_start3A_786 : memref<1x32x128xf32, #tpu.memory_space<vmem>> -> memref<32x128xf32, #tpu.memory_space<vmem>>
      %dma_start3A_788 = arith.constant 0 : i32
      %dma_start3A_789 = tpu.memref_slice %arg7[%dma_start3A_788, %multiple_of3A_769] : memref<32x1000000xf32, #tpu.memory_space<hbm>> -> memref<32x128xf32, #tpu.memory_space<hbm>>
      %dma_start3A_790 = arith.constant 0 : i32
      %dma_start3A_791 = arith.constant 0 : i32
      %dma_start3A_792 = tpu.memref_slice %arg12[%dma_start3A_783, %dma_start3A_790, %dma_start3A_791] : memref<8x32x128xf32, #tpu.memory_space<vmem>> -> memref<1x32x128xf32, #tpu.memory_space<vmem>>
      %dma_start3A_793 = tpu.memref_squeeze %dma_start3A_792 : memref<1x32x128xf32, #tpu.memory_space<vmem>> -> memref<32x128xf32, #tpu.memory_space<vmem>>
      %dma_start3A_794 = arith.constant 0 : i32
      %dma_start3A_795 = tpu.memref_slice %arg7[%dma_start3A_794, %multiple_of3A_769] : memref<32x1000000xf32, #tpu.memory_space<hbm>> -> memref<32x128xf32, #tpu.memory_space<hbm>>
      tpu.enqueue_dma source(%dma_start3A_795 : memref<32x128xf32, #tpu.memory_space<hbm>>) target(%dma_start3A_793 : memref<32x128xf32, #tpu.memory_space<vmem>>) target_semaphore(%arg16 : memref<!tpu.dma_semaphore, #tpu.memory_space<semaphore_mem>>)
      %slice3A_796 = vector.extract_strided_slice %and3A_20 {offsets = [9], sizes = [1], strides = [1]} : vector<16xi32> to vector<1xi32>
      %squeeze3A_797 = vector.extract %slice3A_796[0] : i32 from vector<1xi32>
      %multiple_of3A_798 = tpu.assume_multiple %squeeze3A_797, 128 : i32
      %slice3A_799 = vector.extract_strided_slice %and3A_25 {offsets = [9], sizes = [1], strides = [1]} : vector<16xi32> to vector<1xi32>
      %squeeze3A_800 = vector.extract %slice3A_799[0] : i32 from vector<1xi32>
      %multiple_of3A_801 = tpu.assume_multiple %squeeze3A_800, 128 : i32
      %dma_start3A_802 = arith.constant 1 : i32
      %dma_start3A_803 = arith.constant 0 : i32
      %dma_start3A_804 = arith.constant 0 : i32
      %dma_start3A_805 = tpu.memref_slice %arg11[%dma_start3A_802, %dma_start3A_803, %dma_start3A_804] : memref<8x32x128xf32, #tpu.memory_space<vmem>> -> memref<1x32x128xf32, #tpu.memory_space<vmem>>
      %dma_start3A_806 = tpu.memref_squeeze %dma_start3A_805 : memref<1x32x128xf32, #tpu.memory_space<vmem>> -> memref<32x128xf32, #tpu.memory_space<vmem>>
      %dma_start3A_807 = arith.constant 0 : i32
      %dma_start3A_808 = tpu.memref_slice %arg6[%dma_start3A_807, %multiple_of3A_798] : memref<32x1000000xf32, #tpu.memory_space<hbm>> -> memref<32x128xf32, #tpu.memory_space<hbm>>
      %dma_start3A_809 = arith.constant 0 : i32
      %dma_start3A_810 = arith.constant 0 : i32
      %dma_start3A_811 = tpu.memref_slice %arg11[%dma_start3A_802, %dma_start3A_809, %dma_start3A_810] : memref<8x32x128xf32, #tpu.memory_space<vmem>> -> memref<1x32x128xf32, #tpu.memory_space<vmem>>
      %dma_start3A_812 = tpu.memref_squeeze %dma_start3A_811 : memref<1x32x128xf32, #tpu.memory_space<vmem>> -> memref<32x128xf32, #tpu.memory_space<vmem>>
      %dma_start3A_813 = arith.constant 0 : i32
      %dma_start3A_814 = tpu.memref_slice %arg6[%dma_start3A_813, %multiple_of3A_798] : memref<32x1000000xf32, #tpu.memory_space<hbm>> -> memref<32x128xf32, #tpu.memory_space<hbm>>
      tpu.enqueue_dma source(%dma_start3A_814 : memref<32x128xf32, #tpu.memory_space<hbm>>) target(%dma_start3A_812 : memref<32x128xf32, #tpu.memory_space<vmem>>) target_semaphore(%arg16 : memref<!tpu.dma_semaphore, #tpu.memory_space<semaphore_mem>>)
      %dma_start3A_815 = arith.constant 1 : i32
      %dma_start3A_816 = arith.constant 0 : i32
      %dma_start3A_817 = arith.constant 0 : i32
      %dma_start3A_818 = tpu.memref_slice %arg12[%dma_start3A_815, %dma_start3A_816, %dma_start3A_817] : memref<8x32x128xf32, #tpu.memory_space<vmem>> -> memref<1x32x128xf32, #tpu.memory_space<vmem>>
      %dma_start3A_819 = tpu.memref_squeeze %dma_start3A_818 : memref<1x32x128xf32, #tpu.memory_space<vmem>> -> memref<32x128xf32, #tpu.memory_space<vmem>>
      %dma_start3A_820 = arith.constant 0 : i32
      %dma_start3A_821 = tpu.memref_slice %arg7[%dma_start3A_820, %multiple_of3A_801] : memref<32x1000000xf32, #tpu.memory_space<hbm>> -> memref<32x128xf32, #tpu.memory_space<hbm>>
      %dma_start3A_822 = arith.constant 0 : i32
      %dma_start3A_823 = arith.constant 0 : i32
      %dma_start3A_824 = tpu.memref_slice %arg12[%dma_start3A_815, %dma_start3A_822, %dma_start3A_823] : memref<8x32x128xf32, #tpu.memory_space<vmem>> -> memref<1x32x128xf32, #tpu.memory_space<vmem>>
      %dma_start3A_825 = tpu.memref_squeeze %dma_start3A_824 : memref<1x32x128xf32, #tpu.memory_space<vmem>> -> memref<32x128xf32, #tpu.memory_space<vmem>>
      %dma_start3A_826 = arith.constant 0 : i32
      %dma_start3A_827 = tpu.memref_slice %arg7[%dma_start3A_826, %multiple_of3A_801] : memref<32x1000000xf32, #tpu.memory_space<hbm>> -> memref<32x128xf32, #tpu.memory_space<hbm>>
      tpu.enqueue_dma source(%dma_start3A_827 : memref<32x128xf32, #tpu.memory_space<hbm>>) target(%dma_start3A_825 : memref<32x128xf32, #tpu.memory_space<vmem>>) target_semaphore(%arg16 : memref<!tpu.dma_semaphore, #tpu.memory_space<semaphore_mem>>)
      %slice3A_828 = vector.extract_strided_slice %and3A_20 {offsets = [10], sizes = [1], strides = [1]} : vector<16xi32> to vector<1xi32>
      %squeeze3A_829 = vector.extract %slice3A_828[0] : i32 from vector<1xi32>
      %multiple_of3A_830 = tpu.assume_multiple %squeeze3A_829, 128 : i32
      %slice3A_831 = vector.extract_strided_slice %and3A_25 {offsets = [10], sizes = [1], strides = [1]} : vector<16xi32> to vector<1xi32>
      %squeeze3A_832 = vector.extract %slice3A_831[0] : i32 from vector<1xi32>
      %multiple_of3A_833 = tpu.assume_multiple %squeeze3A_832, 128 : i32
      %dma_start3A_834 = arith.constant 2 : i32
      %dma_start3A_835 = arith.constant 0 : i32
      %dma_start3A_836 = arith.constant 0 : i32
      %dma_start3A_837 = tpu.memref_slice %arg11[%dma_start3A_834, %dma_start3A_835, %dma_start3A_836] : memref<8x32x128xf32, #tpu.memory_space<vmem>> -> memref<1x32x128xf32, #tpu.memory_space<vmem>>
      %dma_start3A_838 = tpu.memref_squeeze %dma_start3A_837 : memref<1x32x128xf32, #tpu.memory_space<vmem>> -> memref<32x128xf32, #tpu.memory_space<vmem>>
      %dma_start3A_839 = arith.constant 0 : i32
      %dma_start3A_840 = tpu.memref_slice %arg6[%dma_start3A_839, %multiple_of3A_830] : memref<32x1000000xf32, #tpu.memory_space<hbm>> -> memref<32x128xf32, #tpu.memory_space<hbm>>
      %dma_start3A_841 = arith.constant 0 : i32
      %dma_start3A_842 = arith.constant 0 : i32
      %dma_start3A_843 = tpu.memref_slice %arg11[%dma_start3A_834, %dma_start3A_841, %dma_start3A_842] : memref<8x32x128xf32, #tpu.memory_space<vmem>> -> memref<1x32x128xf32, #tpu.memory_space<vmem>>
      %dma_start3A_844 = tpu.memref_squeeze %dma_start3A_843 : memref<1x32x128xf32, #tpu.memory_space<vmem>> -> memref<32x128xf32, #tpu.memory_space<vmem>>
      %dma_start3A_845 = arith.constant 0 : i32
      %dma_start3A_846 = tpu.memref_slice %arg6[%dma_start3A_845, %multiple_of3A_830] : memref<32x1000000xf32, #tpu.memory_space<hbm>> -> memref<32x128xf32, #tpu.memory_space<hbm>>
      tpu.enqueue_dma source(%dma_start3A_846 : memref<32x128xf32, #tpu.memory_space<hbm>>) target(%dma_start3A_844 : memref<32x128xf32, #tpu.memory_space<vmem>>) target_semaphore(%arg16 : memref<!tpu.dma_semaphore, #tpu.memory_space<semaphore_mem>>)
      %dma_start3A_847 = arith.constant 2 : i32
      %dma_start3A_848 = arith.constant 0 : i32
      %dma_start3A_849 = arith.constant 0 : i32
      %dma_start3A_850 = tpu.memref_slice %arg12[%dma_start3A_847, %dma_start3A_848, %dma_start3A_849] : memref<8x32x128xf32, #tpu.memory_space<vmem>> -> memref<1x32x128xf32, #tpu.memory_space<vmem>>
      %dma_start3A_851 = tpu.memref_squeeze %dma_start3A_850 : memref<1x32x128xf32, #tpu.memory_space<vmem>> -> memref<32x128xf32, #tpu.memory_space<vmem>>
      %dma_start3A_852 = arith.constant 0 : i32
      %dma_start3A_853 = tpu.memref_slice %arg7[%dma_start3A_852, %multiple_of3A_833] : memref<32x1000000xf32, #tpu.memory_space<hbm>> -> memref<32x128xf32, #tpu.memory_space<hbm>>
      %dma_start3A_854 = arith.constant 0 : i32
      %dma_start3A_855 = arith.constant 0 : i32
      %dma_start3A_856 = tpu.memref_slice %arg12[%dma_start3A_847, %dma_start3A_854, %dma_start3A_855] : memref<8x32x128xf32, #tpu.memory_space<vmem>> -> memref<1x32x128xf32, #tpu.memory_space<vmem>>
      %dma_start3A_857 = tpu.memref_squeeze %dma_start3A_856 : memref<1x32x128xf32, #tpu.memory_space<vmem>> -> memref<32x128xf32, #tpu.memory_space<vmem>>
      %dma_start3A_858 = arith.constant 0 : i32
      %dma_start3A_859 = tpu.memref_slice %arg7[%dma_start3A_858, %multiple_of3A_833] : memref<32x1000000xf32, #tpu.memory_space<hbm>> -> memref<32x128xf32, #tpu.memory_space<hbm>>
      tpu.enqueue_dma source(%dma_start3A_859 : memref<32x128xf32, #tpu.memory_space<hbm>>) target(%dma_start3A_857 : memref<32x128xf32, #tpu.memory_space<vmem>>) target_semaphore(%arg16 : memref<!tpu.dma_semaphore, #tpu.memory_space<semaphore_mem>>)
      %slice3A_860 = vector.extract_strided_slice %and3A_20 {offsets = [11], sizes = [1], strides = [1]} : vector<16xi32> to vector<1xi32>
      %squeeze3A_861 = vector.extract %slice3A_860[0] : i32 from vector<1xi32>
      %multiple_of3A_862 = tpu.assume_multiple %squeeze3A_861, 128 : i32
      %slice3A_863 = vector.extract_strided_slice %and3A_25 {offsets = [11], sizes = [1], strides = [1]} : vector<16xi32> to vector<1xi32>
      %squeeze3A_864 = vector.extract %slice3A_863[0] : i32 from vector<1xi32>
      %multiple_of3A_865 = tpu.assume_multiple %squeeze3A_864, 128 : i32
      %dma_start3A_866 = arith.constant 3 : i32
      %dma_start3A_867 = arith.constant 0 : i32
      %dma_start3A_868 = arith.constant 0 : i32
      %dma_start3A_869 = tpu.memref_slice %arg11[%dma_start3A_866, %dma_start3A_867, %dma_start3A_868] : memref<8x32x128xf32, #tpu.memory_space<vmem>> -> memref<1x32x128xf32, #tpu.memory_space<vmem>>
      %dma_start3A_870 = tpu.memref_squeeze %dma_start3A_869 : memref<1x32x128xf32, #tpu.memory_space<vmem>> -> memref<32x128xf32, #tpu.memory_space<vmem>>
      %dma_start3A_871 = arith.constant 0 : i32
      %dma_start3A_872 = tpu.memref_slice %arg6[%dma_start3A_871, %multiple_of3A_862] : memref<32x1000000xf32, #tpu.memory_space<hbm>> -> memref<32x128xf32, #tpu.memory_space<hbm>>
      %dma_start3A_873 = arith.constant 0 : i32
      %dma_start3A_874 = arith.constant 0 : i32
      %dma_start3A_875 = tpu.memref_slice %arg11[%dma_start3A_866, %dma_start3A_873, %dma_start3A_874] : memref<8x32x128xf32, #tpu.memory_space<vmem>> -> memref<1x32x128xf32, #tpu.memory_space<vmem>>
      %dma_start3A_876 = tpu.memref_squeeze %dma_start3A_875 : memref<1x32x128xf32, #tpu.memory_space<vmem>> -> memref<32x128xf32, #tpu.memory_space<vmem>>
      %dma_start3A_877 = arith.constant 0 : i32
      %dma_start3A_878 = tpu.memref_slice %arg6[%dma_start3A_877, %multiple_of3A_862] : memref<32x1000000xf32, #tpu.memory_space<hbm>> -> memref<32x128xf32, #tpu.memory_space<hbm>>
      tpu.enqueue_dma source(%dma_start3A_878 : memref<32x128xf32, #tpu.memory_space<hbm>>) target(%dma_start3A_876 : memref<32x128xf32, #tpu.memory_space<vmem>>) target_semaphore(%arg16 : memref<!tpu.dma_semaphore, #tpu.memory_space<semaphore_mem>>)
      %dma_start3A_879 = arith.constant 3 : i32
      %dma_start3A_880 = arith.constant 0 : i32
      %dma_start3A_881 = arith.constant 0 : i32
      %dma_start3A_882 = tpu.memref_slice %arg12[%dma_start3A_879, %dma_start3A_880, %dma_start3A_881] : memref<8x32x128xf32, #tpu.memory_space<vmem>> -> memref<1x32x128xf32, #tpu.memory_space<vmem>>
      %dma_start3A_883 = tpu.memref_squeeze %dma_start3A_882 : memref<1x32x128xf32, #tpu.memory_space<vmem>> -> memref<32x128xf32, #tpu.memory_space<vmem>>
      %dma_start3A_884 = arith.constant 0 : i32
      %dma_start3A_885 = tpu.memref_slice %arg7[%dma_start3A_884, %multiple_of3A_865] : memref<32x1000000xf32, #tpu.memory_space<hbm>> -> memref<32x128xf32, #tpu.memory_space<hbm>>
      %dma_start3A_886 = arith.constant 0 : i32
      %dma_start3A_887 = arith.constant 0 : i32
      %dma_start3A_888 = tpu.memref_slice %arg12[%dma_start3A_879, %dma_start3A_886, %dma_start3A_887] : memref<8x32x128xf32, #tpu.memory_space<vmem>> -> memref<1x32x128xf32, #tpu.memory_space<vmem>>
      %dma_start3A_889 = tpu.memref_squeeze %dma_start3A_888 : memref<1x32x128xf32, #tpu.memory_space<vmem>> -> memref<32x128xf32, #tpu.memory_space<vmem>>
      %dma_start3A_890 = arith.constant 0 : i32
      %dma_start3A_891 = tpu.memref_slice %arg7[%dma_start3A_890, %multiple_of3A_865] : memref<32x1000000xf32, #tpu.memory_space<hbm>> -> memref<32x128xf32, #tpu.memory_space<hbm>>
      tpu.enqueue_dma source(%dma_start3A_891 : memref<32x128xf32, #tpu.memory_space<hbm>>) target(%dma_start3A_889 : memref<32x128xf32, #tpu.memory_space<vmem>>) target_semaphore(%arg16 : memref<!tpu.dma_semaphore, #tpu.memory_space<semaphore_mem>>)
      %dma_wait3A_892 = arith.constant 4 : i32
      %dma_wait3A_893 = arith.constant 0 : i32
      %dma_wait3A_894 = arith.constant 0 : i32
      %dma_wait3A_895 = tpu.memref_slice %arg11[%dma_wait3A_892, %dma_wait3A_893, %dma_wait3A_894] : memref<8x32x128xf32, #tpu.memory_space<vmem>> -> memref<1x32x128xf32, #tpu.memory_space<vmem>>
      %dma_wait3A_896 = tpu.memref_squeeze %dma_wait3A_895 : memref<1x32x128xf32, #tpu.memory_space<vmem>> -> memref<32x128xf32, #tpu.memory_space<vmem>>
      %dma_wait3A_897 = arith.constant 0 : i32
      %dma_wait3A_898 = tpu.memref_slice %arg6[%dma_wait3A_897, %multiple_of3A_158] : memref<32x1000000xf32, #tpu.memory_space<hbm>> -> memref<32x128xf32, #tpu.memory_space<hbm>>
      %dma_wait3A_899 = arith.constant 0 : i32
      %dma_wait3A_900 = arith.constant 0 : i32
      %dma_wait3A_901 = tpu.memref_slice %arg11[%dma_wait3A_892, %dma_wait3A_899, %dma_wait3A_900] : memref<8x32x128xf32, #tpu.memory_space<vmem>> -> memref<1x32x128xf32, #tpu.memory_space<vmem>>
      %dma_wait3A_902 = tpu.memref_squeeze %dma_wait3A_901 : memref<1x32x128xf32, #tpu.memory_space<vmem>> -> memref<32x128xf32, #tpu.memory_space<vmem>>
      %dma_wait3A_903 = arith.constant 0 : i32
      %dma_wait3A_904 = tpu.memref_slice %arg6[%dma_wait3A_903, %multiple_of3A_158] : memref<32x1000000xf32, #tpu.memory_space<hbm>> -> memref<32x128xf32, #tpu.memory_space<hbm>>
      tpu.wait_dma2 semaphore(%arg17 : memref<!tpu.dma_semaphore, #tpu.memory_space<semaphore_mem>>) src(%dma_wait3A_904 : memref<32x128xf32, #tpu.memory_space<hbm>>) dst(%dma_wait3A_902 : memref<32x128xf32, #tpu.memory_space<vmem>>)
      %dma_wait3A_905 = arith.constant 4 : i32
      %dma_wait3A_906 = arith.constant 0 : i32
      %dma_wait3A_907 = arith.constant 0 : i32
      %dma_wait3A_908 = tpu.memref_slice %arg12[%dma_wait3A_905, %dma_wait3A_906, %dma_wait3A_907] : memref<8x32x128xf32, #tpu.memory_space<vmem>> -> memref<1x32x128xf32, #tpu.memory_space<vmem>>
      %dma_wait3A_909 = tpu.memref_squeeze %dma_wait3A_908 : memref<1x32x128xf32, #tpu.memory_space<vmem>> -> memref<32x128xf32, #tpu.memory_space<vmem>>
      %dma_wait3A_910 = arith.constant 0 : i32
      %dma_wait3A_911 = tpu.memref_slice %arg7[%dma_wait3A_910, %multiple_of3A_161] : memref<32x1000000xf32, #tpu.memory_space<hbm>> -> memref<32x128xf32, #tpu.memory_space<hbm>>
      %dma_wait3A_912 = arith.constant 0 : i32
      %dma_wait3A_913 = arith.constant 0 : i32
      %dma_wait3A_914 = tpu.memref_slice %arg12[%dma_wait3A_905, %dma_wait3A_912, %dma_wait3A_913] : memref<8x32x128xf32, #tpu.memory_space<vmem>> -> memref<1x32x128xf32, #tpu.memory_space<vmem>>
      %dma_wait3A_915 = tpu.memref_squeeze %dma_wait3A_914 : memref<1x32x128xf32, #tpu.memory_space<vmem>> -> memref<32x128xf32, #tpu.memory_space<vmem>>
      %dma_wait3A_916 = arith.constant 0 : i32
      %dma_wait3A_917 = tpu.memref_slice %arg7[%dma_wait3A_916, %multiple_of3A_161] : memref<32x1000000xf32, #tpu.memory_space<hbm>> -> memref<32x128xf32, #tpu.memory_space<hbm>>
      tpu.wait_dma2 semaphore(%arg17 : memref<!tpu.dma_semaphore, #tpu.memory_space<semaphore_mem>>) src(%dma_wait3A_917 : memref<32x128xf32, #tpu.memory_space<hbm>>) dst(%dma_wait3A_915 : memref<32x128xf32, #tpu.memory_space<vmem>>)
      %dma_wait3A_918 = arith.constant 5 : i32
      %dma_wait3A_919 = arith.constant 0 : i32
      %dma_wait3A_920 = arith.constant 0 : i32
      %dma_wait3A_921 = tpu.memref_slice %arg11[%dma_wait3A_918, %dma_wait3A_919, %dma_wait3A_920] : memref<8x32x128xf32, #tpu.memory_space<vmem>> -> memref<1x32x128xf32, #tpu.memory_space<vmem>>
      %dma_wait3A_922 = tpu.memref_squeeze %dma_wait3A_921 : memref<1x32x128xf32, #tpu.memory_space<vmem>> -> memref<32x128xf32, #tpu.memory_space<vmem>>
      %dma_wait3A_923 = arith.constant 0 : i32
      %dma_wait3A_924 = tpu.memref_slice %arg6[%dma_wait3A_923, %multiple_of3A_190] : memref<32x1000000xf32, #tpu.memory_space<hbm>> -> memref<32x128xf32, #tpu.memory_space<hbm>>
      %dma_wait3A_925 = arith.constant 0 : i32
      %dma_wait3A_926 = arith.constant 0 : i32
      %dma_wait3A_927 = tpu.memref_slice %arg11[%dma_wait3A_918, %dma_wait3A_925, %dma_wait3A_926] : memref<8x32x128xf32, #tpu.memory_space<vmem>> -> memref<1x32x128xf32, #tpu.memory_space<vmem>>
      %dma_wait3A_928 = tpu.memref_squeeze %dma_wait3A_927 : memref<1x32x128xf32, #tpu.memory_space<vmem>> -> memref<32x128xf32, #tpu.memory_space<vmem>>
      %dma_wait3A_929 = arith.constant 0 : i32
      %dma_wait3A_930 = tpu.memref_slice %arg6[%dma_wait3A_929, %multiple_of3A_190] : memref<32x1000000xf32, #tpu.memory_space<hbm>> -> memref<32x128xf32, #tpu.memory_space<hbm>>
      tpu.wait_dma2 semaphore(%arg17 : memref<!tpu.dma_semaphore, #tpu.memory_space<semaphore_mem>>) src(%dma_wait3A_930 : memref<32x128xf32, #tpu.memory_space<hbm>>) dst(%dma_wait3A_928 : memref<32x128xf32, #tpu.memory_space<vmem>>)
      %dma_wait3A_931 = arith.constant 5 : i32
      %dma_wait3A_932 = arith.constant 0 : i32
      %dma_wait3A_933 = arith.constant 0 : i32
      %dma_wait3A_934 = tpu.memref_slice %arg12[%dma_wait3A_931, %dma_wait3A_932, %dma_wait3A_933] : memref<8x32x128xf32, #tpu.memory_space<vmem>> -> memref<1x32x128xf32, #tpu.memory_space<vmem>>
      %dma_wait3A_935 = tpu.memref_squeeze %dma_wait3A_934 : memref<1x32x128xf32, #tpu.memory_space<vmem>> -> memref<32x128xf32, #tpu.memory_space<vmem>>
      %dma_wait3A_936 = arith.constant 0 : i32
      %dma_wait3A_937 = tpu.memref_slice %arg7[%dma_wait3A_936, %multiple_of3A_193] : memref<32x1000000xf32, #tpu.memory_space<hbm>> -> memref<32x128xf32, #tpu.memory_space<hbm>>
      %dma_wait3A_938 = arith.constant 0 : i32
      %dma_wait3A_939 = arith.constant 0 : i32
      %dma_wait3A_940 = tpu.memref_slice %arg12[%dma_wait3A_931, %dma_wait3A_938, %dma_wait3A_939] : memref<8x32x128xf32, #tpu.memory_space<vmem>> -> memref<1x32x128xf32, #tpu.memory_space<vmem>>
      %dma_wait3A_941 = tpu.memref_squeeze %dma_wait3A_940 : memref<1x32x128xf32, #tpu.memory_space<vmem>> -> memref<32x128xf32, #tpu.memory_space<vmem>>
      %dma_wait3A_942 = arith.constant 0 : i32
      %dma_wait3A_943 = tpu.memref_slice %arg7[%dma_wait3A_942, %multiple_of3A_193] : memref<32x1000000xf32, #tpu.memory_space<hbm>> -> memref<32x128xf32, #tpu.memory_space<hbm>>
      tpu.wait_dma2 semaphore(%arg17 : memref<!tpu.dma_semaphore, #tpu.memory_space<semaphore_mem>>) src(%dma_wait3A_943 : memref<32x128xf32, #tpu.memory_space<hbm>>) dst(%dma_wait3A_941 : memref<32x128xf32, #tpu.memory_space<vmem>>)
      %dma_wait3A_944 = arith.constant 6 : i32
      %dma_wait3A_945 = arith.constant 0 : i32
      %dma_wait3A_946 = arith.constant 0 : i32
      %dma_wait3A_947 = tpu.memref_slice %arg11[%dma_wait3A_944, %dma_wait3A_945, %dma_wait3A_946] : memref<8x32x128xf32, #tpu.memory_space<vmem>> -> memref<1x32x128xf32, #tpu.memory_space<vmem>>
      %dma_wait3A_948 = tpu.memref_squeeze %dma_wait3A_947 : memref<1x32x128xf32, #tpu.memory_space<vmem>> -> memref<32x128xf32, #tpu.memory_space<vmem>>
      %dma_wait3A_949 = arith.constant 0 : i32
      %dma_wait3A_950 = tpu.memref_slice %arg6[%dma_wait3A_949, %multiple_of3A_222] : memref<32x1000000xf32, #tpu.memory_space<hbm>> -> memref<32x128xf32, #tpu.memory_space<hbm>>
      %dma_wait3A_951 = arith.constant 0 : i32
      %dma_wait3A_952 = arith.constant 0 : i32
      %dma_wait3A_953 = tpu.memref_slice %arg11[%dma_wait3A_944, %dma_wait3A_951, %dma_wait3A_952] : memref<8x32x128xf32, #tpu.memory_space<vmem>> -> memref<1x32x128xf32, #tpu.memory_space<vmem>>
      %dma_wait3A_954 = tpu.memref_squeeze %dma_wait3A_953 : memref<1x32x128xf32, #tpu.memory_space<vmem>> -> memref<32x128xf32, #tpu.memory_space<vmem>>
      %dma_wait3A_955 = arith.constant 0 : i32
      %dma_wait3A_956 = tpu.memref_slice %arg6[%dma_wait3A_955, %multiple_of3A_222] : memref<32x1000000xf32, #tpu.memory_space<hbm>> -> memref<32x128xf32, #tpu.memory_space<hbm>>
      tpu.wait_dma2 semaphore(%arg17 : memref<!tpu.dma_semaphore, #tpu.memory_space<semaphore_mem>>) src(%dma_wait3A_956 : memref<32x128xf32, #tpu.memory_space<hbm>>) dst(%dma_wait3A_954 : memref<32x128xf32, #tpu.memory_space<vmem>>)
      %dma_wait3A_957 = arith.constant 6 : i32
      %dma_wait3A_958 = arith.constant 0 : i32
      %dma_wait3A_959 = arith.constant 0 : i32
      %dma_wait3A_960 = tpu.memref_slice %arg12[%dma_wait3A_957, %dma_wait3A_958, %dma_wait3A_959] : memref<8x32x128xf32, #tpu.memory_space<vmem>> -> memref<1x32x128xf32, #tpu.memory_space<vmem>>
      %dma_wait3A_961 = tpu.memref_squeeze %dma_wait3A_960 : memref<1x32x128xf32, #tpu.memory_space<vmem>> -> memref<32x128xf32, #tpu.memory_space<vmem>>
      %dma_wait3A_962 = arith.constant 0 : i32
      %dma_wait3A_963 = tpu.memref_slice %arg7[%dma_wait3A_962, %multiple_of3A_225] : memref<32x1000000xf32, #tpu.memory_space<hbm>> -> memref<32x128xf32, #tpu.memory_space<hbm>>
      %dma_wait3A_964 = arith.constant 0 : i32
      %dma_wait3A_965 = arith.constant 0 : i32
      %dma_wait3A_966 = tpu.memref_slice %arg12[%dma_wait3A_957, %dma_wait3A_964, %dma_wait3A_965] : memref<8x32x128xf32, #tpu.memory_space<vmem>> -> memref<1x32x128xf32, #tpu.memory_space<vmem>>
      %dma_wait3A_967 = tpu.memref_squeeze %dma_wait3A_966 : memref<1x32x128xf32, #tpu.memory_space<vmem>> -> memref<32x128xf32, #tpu.memory_space<vmem>>
      %dma_wait3A_968 = arith.constant 0 : i32
      %dma_wait3A_969 = tpu.memref_slice %arg7[%dma_wait3A_968, %multiple_of3A_225] : memref<32x1000000xf32, #tpu.memory_space<hbm>> -> memref<32x128xf32, #tpu.memory_space<hbm>>
      tpu.wait_dma2 semaphore(%arg17 : memref<!tpu.dma_semaphore, #tpu.memory_space<semaphore_mem>>) src(%dma_wait3A_969 : memref<32x128xf32, #tpu.memory_space<hbm>>) dst(%dma_wait3A_967 : memref<32x128xf32, #tpu.memory_space<vmem>>)
      %dma_wait3A_970 = arith.constant 7 : i32
      %dma_wait3A_971 = arith.constant 0 : i32
      %dma_wait3A_972 = arith.constant 0 : i32
      %dma_wait3A_973 = tpu.memref_slice %arg11[%dma_wait3A_970, %dma_wait3A_971, %dma_wait3A_972] : memref<8x32x128xf32, #tpu.memory_space<vmem>> -> memref<1x32x128xf32, #tpu.memory_space<vmem>>
      %dma_wait3A_974 = tpu.memref_squeeze %dma_wait3A_973 : memref<1x32x128xf32, #tpu.memory_space<vmem>> -> memref<32x128xf32, #tpu.memory_space<vmem>>
      %dma_wait3A_975 = arith.constant 0 : i32
      %dma_wait3A_976 = tpu.memref_slice %arg6[%dma_wait3A_975, %multiple_of3A_254] : memref<32x1000000xf32, #tpu.memory_space<hbm>> -> memref<32x128xf32, #tpu.memory_space<hbm>>
      %dma_wait3A_977 = arith.constant 0 : i32
      %dma_wait3A_978 = arith.constant 0 : i32
      %dma_wait3A_979 = tpu.memref_slice %arg11[%dma_wait3A_970, %dma_wait3A_977, %dma_wait3A_978] : memref<8x32x128xf32, #tpu.memory_space<vmem>> -> memref<1x32x128xf32, #tpu.memory_space<vmem>>
      %dma_wait3A_980 = tpu.memref_squeeze %dma_wait3A_979 : memref<1x32x128xf32, #tpu.memory_space<vmem>> -> memref<32x128xf32, #tpu.memory_space<vmem>>
      %dma_wait3A_981 = arith.constant 0 : i32
      %dma_wait3A_982 = tpu.memref_slice %arg6[%dma_wait3A_981, %multiple_of3A_254] : memref<32x1000000xf32, #tpu.memory_space<hbm>> -> memref<32x128xf32, #tpu.memory_space<hbm>>
      tpu.wait_dma2 semaphore(%arg17 : memref<!tpu.dma_semaphore, #tpu.memory_space<semaphore_mem>>) src(%dma_wait3A_982 : memref<32x128xf32, #tpu.memory_space<hbm>>) dst(%dma_wait3A_980 : memref<32x128xf32, #tpu.memory_space<vmem>>)
      %dma_wait3A_983 = arith.constant 7 : i32
      %dma_wait3A_984 = arith.constant 0 : i32
      %dma_wait3A_985 = arith.constant 0 : i32
      %dma_wait3A_986 = tpu.memref_slice %arg12[%dma_wait3A_983, %dma_wait3A_984, %dma_wait3A_985] : memref<8x32x128xf32, #tpu.memory_space<vmem>> -> memref<1x32x128xf32, #tpu.memory_space<vmem>>
      %dma_wait3A_987 = tpu.memref_squeeze %dma_wait3A_986 : memref<1x32x128xf32, #tpu.memory_space<vmem>> -> memref<32x128xf32, #tpu.memory_space<vmem>>
      %dma_wait3A_988 = arith.constant 0 : i32
      %dma_wait3A_989 = tpu.memref_slice %arg7[%dma_wait3A_988, %multiple_of3A_257] : memref<32x1000000xf32, #tpu.memory_space<hbm>> -> memref<32x128xf32, #tpu.memory_space<hbm>>
      %dma_wait3A_990 = arith.constant 0 : i32
      %dma_wait3A_991 = arith.constant 0 : i32
      %dma_wait3A_992 = tpu.memref_slice %arg12[%dma_wait3A_983, %dma_wait3A_990, %dma_wait3A_991] : memref<8x32x128xf32, #tpu.memory_space<vmem>> -> memref<1x32x128xf32, #tpu.memory_space<vmem>>
      %dma_wait3A_993 = tpu.memref_squeeze %dma_wait3A_992 : memref<1x32x128xf32, #tpu.memory_space<vmem>> -> memref<32x128xf32, #tpu.memory_space<vmem>>
      %dma_wait3A_994 = arith.constant 0 : i32
      %dma_wait3A_995 = tpu.memref_slice %arg7[%dma_wait3A_994, %multiple_of3A_257] : memref<32x1000000xf32, #tpu.memory_space<hbm>> -> memref<32x128xf32, #tpu.memory_space<hbm>>
      tpu.wait_dma2 semaphore(%arg17 : memref<!tpu.dma_semaphore, #tpu.memory_space<semaphore_mem>>) src(%dma_wait3A_995 : memref<32x128xf32, #tpu.memory_space<hbm>>) dst(%dma_wait3A_993 : memref<32x128xf32, #tpu.memory_space<vmem>>)
      %broadcast_in_dim3A_996 = arith.constant 4 : i32
      %broadcast_in_dim3A_997 = vector.broadcast %broadcast_in_dim3A_996 : i32 to vector<16xi32>
      %slice3A_998 = vector.extract_strided_slice %and3A_28 {offsets = [4], sizes = [1], strides = [1]} : vector<16xi32> to vector<1xi32>
      %squeeze3A_999 = vector.extract %slice3A_998[0] : i32 from vector<1xi32>
      %broadcast_in_dim3A_1000 = vector.broadcast %squeeze3A_999 : i32 to vector<16xi32>
      %slice3A_1001 = vector.extract_strided_slice %and3A_31 {offsets = [4], sizes = [1], strides = [1]} : vector<16xi32> to vector<1xi32>
      %squeeze3A_1002 = vector.extract %slice3A_1001[0] : i32 from vector<1xi32>
      %broadcast_in_dim3A_1003 = vector.broadcast %squeeze3A_1002 : i32 to vector<16xi32>
      %mul3A_1004 = arith.constant 16 : i32
      %mul3A_1005 = arith.muli %scan3A_10, %mul3A_1004 : i32
      %add3A_1006 = arith.constant 4 : i32
      %add3A_1007 = arith.addi %mul3A_1005, %add3A_1006 : i32
      %broadcast_in_dim3A_1008 = vector.broadcast %add3A_1007 : i32 to vector<16xi32>
      %gather3A_1009 = tpu.vector_load_idx %arg11[%broadcast_in_dim3A_997, %iota3A, %broadcast_in_dim3A_1000] : memref<8x32x128xf32, #tpu.memory_space<vmem>>[vector<16xi32>, vector<16xi32>, vector<16xi32>], vector<16xf32>,
      %gather3A_1010 = tpu.vector_load_idx %arg11[%broadcast_in_dim3A_997, %add3A_5, %broadcast_in_dim3A_1000] : memref<8x32x128xf32, #tpu.memory_space<vmem>>[vector<16xi32>, vector<16xi32>, vector<16xi32>], vector<16xf32>,
      %gather3A_1011 = tpu.vector_load_idx %arg12[%broadcast_in_dim3A_997, %iota3A, %broadcast_in_dim3A_1003] : memref<8x32x128xf32, #tpu.memory_space<vmem>>[vector<16xi32>, vector<16xi32>, vector<16xi32>], vector<16xf32>,
      %gather3A_1012 = tpu.vector_load_idx %arg12[%broadcast_in_dim3A_997, %add3A_5, %broadcast_in_dim3A_1003] : memref<8x32x128xf32, #tpu.memory_space<vmem>>[vector<16xi32>, vector<16xi32>, vector<16xi32>], vector<16xf32>,
      %mul3A_1013 = arith.mulf %gather3A_1009, %gather3A_1011 : vector<16xf32>
      tpu.vector_store_idx %arg15[%iota3A, %broadcast_in_dim3A_1008], %mul3A_1013 : memref<48x512xf32, #tpu.memory_space<vmem>>[vector<16xi32>, vector<16xi32>], vector<16xf32>,
      %mul3A_1014 = arith.mulf %gather3A_1010, %gather3A_1012 : vector<16xf32>
      tpu.vector_store_idx %arg15[%add3A_5, %broadcast_in_dim3A_1008], %mul3A_1014 : memref<48x512xf32, #tpu.memory_space<vmem>>[vector<16xi32>, vector<16xi32>], vector<16xf32>,
      %broadcast_in_dim3A_1015 = arith.constant 5 : i32
      %broadcast_in_dim3A_1016 = vector.broadcast %broadcast_in_dim3A_1015 : i32 to vector<16xi32>
      %slice3A_1017 = vector.extract_strided_slice %and3A_28 {offsets = [5], sizes = [1], strides = [1]} : vector<16xi32> to vector<1xi32>
      %squeeze3A_1018 = vector.extract %slice3A_1017[0] : i32 from vector<1xi32>
      %broadcast_in_dim3A_1019 = vector.broadcast %squeeze3A_1018 : i32 to vector<16xi32>
      %slice3A_1020 = vector.extract_strided_slice %and3A_31 {offsets = [5], sizes = [1], strides = [1]} : vector<16xi32> to vector<1xi32>
      %squeeze3A_1021 = vector.extract %slice3A_1020[0] : i32 from vector<1xi32>
      %broadcast_in_dim3A_1022 = vector.broadcast %squeeze3A_1021 : i32 to vector<16xi32>
      %mul3A_1023 = arith.constant 16 : i32
      %mul3A_1024 = arith.muli %scan3A_10, %mul3A_1023 : i32
      %add3A_1025 = arith.constant 5 : i32
      %add3A_1026 = arith.addi %mul3A_1024, %add3A_1025 : i32
      %broadcast_in_dim3A_1027 = vector.broadcast %add3A_1026 : i32 to vector<16xi32>
      %gather3A_1028 = tpu.vector_load_idx %arg11[%broadcast_in_dim3A_1016, %iota3A, %broadcast_in_dim3A_1019] : memref<8x32x128xf32, #tpu.memory_space<vmem>>[vector<16xi32>, vector<16xi32>, vector<16xi32>], vector<16xf32>,
      %gather3A_1029 = tpu.vector_load_idx %arg11[%broadcast_in_dim3A_1016, %add3A_5, %broadcast_in_dim3A_1019] : memref<8x32x128xf32, #tpu.memory_space<vmem>>[vector<16xi32>, vector<16xi32>, vector<16xi32>], vector<16xf32>,
      %gather3A_1030 = tpu.vector_load_idx %arg12[%broadcast_in_dim3A_1016, %iota3A, %broadcast_in_dim3A_1022] : memref<8x32x128xf32, #tpu.memory_space<vmem>>[vector<16xi32>, vector<16xi32>, vector<16xi32>], vector<16xf32>,
      %gather3A_1031 = tpu.vector_load_idx %arg12[%broadcast_in_dim3A_1016, %add3A_5, %broadcast_in_dim3A_1022] : memref<8x32x128xf32, #tpu.memory_space<vmem>>[vector<16xi32>, vector<16xi32>, vector<16xi32>], vector<16xf32>,
      %mul3A_1032 = arith.mulf %gather3A_1028, %gather3A_1030 : vector<16xf32>
      tpu.vector_store_idx %arg15[%iota3A, %broadcast_in_dim3A_1027], %mul3A_1032 : memref<48x512xf32, #tpu.memory_space<vmem>>[vector<16xi32>, vector<16xi32>], vector<16xf32>,
      %mul3A_1033 = arith.mulf %gather3A_1029, %gather3A_1031 : vector<16xf32>
      tpu.vector_store_idx %arg15[%add3A_5, %broadcast_in_dim3A_1027], %mul3A_1033 : memref<48x512xf32, #tpu.memory_space<vmem>>[vector<16xi32>, vector<16xi32>], vector<16xf32>,
      %broadcast_in_dim3A_1034 = arith.constant 6 : i32
      %broadcast_in_dim3A_1035 = vector.broadcast %broadcast_in_dim3A_1034 : i32 to vector<16xi32>
      %slice3A_1036 = vector.extract_strided_slice %and3A_28 {offsets = [6], sizes = [1], strides = [1]} : vector<16xi32> to vector<1xi32>
      %squeeze3A_1037 = vector.extract %slice3A_1036[0] : i32 from vector<1xi32>
      %broadcast_in_dim3A_1038 = vector.broadcast %squeeze3A_1037 : i32 to vector<16xi32>
      %slice3A_1039 = vector.extract_strided_slice %and3A_31 {offsets = [6], sizes = [1], strides = [1]} : vector<16xi32> to vector<1xi32>
      %squeeze3A_1040 = vector.extract %slice3A_1039[0] : i32 from vector<1xi32>
      %broadcast_in_dim3A_1041 = vector.broadcast %squeeze3A_1040 : i32 to vector<16xi32>
      %mul3A_1042 = arith.constant 16 : i32
      %mul3A_1043 = arith.muli %scan3A_10, %mul3A_1042 : i32
      %add3A_1044 = arith.constant 6 : i32
      %add3A_1045 = arith.addi %mul3A_1043, %add3A_1044 : i32
      %broadcast_in_dim3A_1046 = vector.broadcast %add3A_1045 : i32 to vector<16xi32>
      %gather3A_1047 = tpu.vector_load_idx %arg11[%broadcast_in_dim3A_1035, %iota3A, %broadcast_in_dim3A_1038] : memref<8x32x128xf32, #tpu.memory_space<vmem>>[vector<16xi32>, vector<16xi32>, vector<16xi32>], vector<16xf32>,
      %gather3A_1048 = tpu.vector_load_idx %arg11[%broadcast_in_dim3A_1035, %add3A_5, %broadcast_in_dim3A_1038] : memref<8x32x128xf32, #tpu.memory_space<vmem>>[vector<16xi32>, vector<16xi32>, vector<16xi32>], vector<16xf32>,
      %gather3A_1049 = tpu.vector_load_idx %arg12[%broadcast_in_dim3A_1035, %iota3A, %broadcast_in_dim3A_1041] : memref<8x32x128xf32, #tpu.memory_space<vmem>>[vector<16xi32>, vector<16xi32>, vector<16xi32>], vector<16xf32>,
      %gather3A_1050 = tpu.vector_load_idx %arg12[%broadcast_in_dim3A_1035, %add3A_5, %broadcast_in_dim3A_1041] : memref<8x32x128xf32, #tpu.memory_space<vmem>>[vector<16xi32>, vector<16xi32>, vector<16xi32>], vector<16xf32>,
      %mul3A_1051 = arith.mulf %gather3A_1047, %gather3A_1049 : vector<16xf32>
      tpu.vector_store_idx %arg15[%iota3A, %broadcast_in_dim3A_1046], %mul3A_1051 : memref<48x512xf32, #tpu.memory_space<vmem>>[vector<16xi32>, vector<16xi32>], vector<16xf32>,
      %mul3A_1052 = arith.mulf %gather3A_1048, %gather3A_1050 : vector<16xf32>
      tpu.vector_store_idx %arg15[%add3A_5, %broadcast_in_dim3A_1046], %mul3A_1052 : memref<48x512xf32, #tpu.memory_space<vmem>>[vector<16xi32>, vector<16xi32>], vector<16xf32>,
      %broadcast_in_dim3A_1053 = arith.constant 7 : i32
      %broadcast_in_dim3A_1054 = vector.broadcast %broadcast_in_dim3A_1053 : i32 to vector<16xi32>
      %slice3A_1055 = vector.extract_strided_slice %and3A_28 {offsets = [7], sizes = [1], strides = [1]} : vector<16xi32> to vector<1xi32>
      %squeeze3A_1056 = vector.extract %slice3A_1055[0] : i32 from vector<1xi32>
      %broadcast_in_dim3A_1057 = vector.broadcast %squeeze3A_1056 : i32 to vector<16xi32>
      %slice3A_1058 = vector.extract_strided_slice %and3A_31 {offsets = [7], sizes = [1], strides = [1]} : vector<16xi32> to vector<1xi32>
      %squeeze3A_1059 = vector.extract %slice3A_1058[0] : i32 from vector<1xi32>
      %broadcast_in_dim3A_1060 = vector.broadcast %squeeze3A_1059 : i32 to vector<16xi32>
      %mul3A_1061 = arith.constant 16 : i32
      %mul3A_1062 = arith.muli %scan3A_10, %mul3A_1061 : i32
      %add3A_1063 = arith.constant 7 : i32
      %add3A_1064 = arith.addi %mul3A_1062, %add3A_1063 : i32
      %broadcast_in_dim3A_1065 = vector.broadcast %add3A_1064 : i32 to vector<16xi32>
      %gather3A_1066 = tpu.vector_load_idx %arg11[%broadcast_in_dim3A_1054, %iota3A, %broadcast_in_dim3A_1057] : memref<8x32x128xf32, #tpu.memory_space<vmem>>[vector<16xi32>, vector<16xi32>, vector<16xi32>], vector<16xf32>,
      %gather3A_1067 = tpu.vector_load_idx %arg11[%broadcast_in_dim3A_1054, %add3A_5, %broadcast_in_dim3A_1057] : memref<8x32x128xf32, #tpu.memory_space<vmem>>[vector<16xi32>, vector<16xi32>, vector<16xi32>], vector<16xf32>,
      %gather3A_1068 = tpu.vector_load_idx %arg12[%broadcast_in_dim3A_1054, %iota3A, %broadcast_in_dim3A_1060] : memref<8x32x128xf32, #tpu.memory_space<vmem>>[vector<16xi32>, vector<16xi32>, vector<16xi32>], vector<16xf32>,
      %gather3A_1069 = tpu.vector_load_idx %arg12[%broadcast_in_dim3A_1054, %add3A_5, %broadcast_in_dim3A_1060] : memref<8x32x128xf32, #tpu.memory_space<vmem>>[vector<16xi32>, vector<16xi32>, vector<16xi32>], vector<16xf32>,
      %mul3A_1070 = arith.mulf %gather3A_1066, %gather3A_1068 : vector<16xf32>
      tpu.vector_store_idx %arg15[%iota3A, %broadcast_in_dim3A_1065], %mul3A_1070 : memref<48x512xf32, #tpu.memory_space<vmem>>[vector<16xi32>, vector<16xi32>], vector<16xf32>,
      %mul3A_1071 = arith.mulf %gather3A_1067, %gather3A_1069 : vector<16xf32>
      tpu.vector_store_idx %arg15[%add3A_5, %broadcast_in_dim3A_1065], %mul3A_1071 : memref<48x512xf32, #tpu.memory_space<vmem>>[vector<16xi32>, vector<16xi32>], vector<16xf32>,
      %slice3A_1072 = vector.extract_strided_slice %and3A_20 {offsets = [12], sizes = [1], strides = [1]} : vector<16xi32> to vector<1xi32>
      %squeeze3A_1073 = vector.extract %slice3A_1072[0] : i32 from vector<1xi32>
      %multiple_of3A_1074 = tpu.assume_multiple %squeeze3A_1073, 128 : i32
      %slice3A_1075 = vector.extract_strided_slice %and3A_25 {offsets = [12], sizes = [1], strides = [1]} : vector<16xi32> to vector<1xi32>
      %squeeze3A_1076 = vector.extract %slice3A_1075[0] : i32 from vector<1xi32>
      %multiple_of3A_1077 = tpu.assume_multiple %squeeze3A_1076, 128 : i32
      %dma_start3A_1078 = arith.constant 4 : i32
      %dma_start3A_1079 = arith.constant 0 : i32
      %dma_start3A_1080 = arith.constant 0 : i32
      %dma_start3A_1081 = tpu.memref_slice %arg11[%dma_start3A_1078, %dma_start3A_1079, %dma_start3A_1080] : memref<8x32x128xf32, #tpu.memory_space<vmem>> -> memref<1x32x128xf32, #tpu.memory_space<vmem>>
      %dma_start3A_1082 = tpu.memref_squeeze %dma_start3A_1081 : memref<1x32x128xf32, #tpu.memory_space<vmem>> -> memref<32x128xf32, #tpu.memory_space<vmem>>
      %dma_start3A_1083 = arith.constant 0 : i32
      %dma_start3A_1084 = tpu.memref_slice %arg6[%dma_start3A_1083, %multiple_of3A_1074] : memref<32x1000000xf32, #tpu.memory_space<hbm>> -> memref<32x128xf32, #tpu.memory_space<hbm>>
      %dma_start3A_1085 = arith.constant 0 : i32
      %dma_start3A_1086 = arith.constant 0 : i32
      %dma_start3A_1087 = tpu.memref_slice %arg11[%dma_start3A_1078, %dma_start3A_1085, %dma_start3A_1086] : memref<8x32x128xf32, #tpu.memory_space<vmem>> -> memref<1x32x128xf32, #tpu.memory_space<vmem>>
      %dma_start3A_1088 = tpu.memref_squeeze %dma_start3A_1087 : memref<1x32x128xf32, #tpu.memory_space<vmem>> -> memref<32x128xf32, #tpu.memory_space<vmem>>
      %dma_start3A_1089 = arith.constant 0 : i32
      %dma_start3A_1090 = tpu.memref_slice %arg6[%dma_start3A_1089, %multiple_of3A_1074] : memref<32x1000000xf32, #tpu.memory_space<hbm>> -> memref<32x128xf32, #tpu.memory_space<hbm>>
      tpu.enqueue_dma source(%dma_start3A_1090 : memref<32x128xf32, #tpu.memory_space<hbm>>) target(%dma_start3A_1088 : memref<32x128xf32, #tpu.memory_space<vmem>>) target_semaphore(%arg17 : memref<!tpu.dma_semaphore, #tpu.memory_space<semaphore_mem>>)
      %dma_start3A_1091 = arith.constant 4 : i32
      %dma_start3A_1092 = arith.constant 0 : i32
      %dma_start3A_1093 = arith.constant 0 : i32
      %dma_start3A_1094 = tpu.memref_slice %arg12[%dma_start3A_1091, %dma_start3A_1092, %dma_start3A_1093] : memref<8x32x128xf32, #tpu.memory_space<vmem>> -> memref<1x32x128xf32, #tpu.memory_space<vmem>>
      %dma_start3A_1095 = tpu.memref_squeeze %dma_start3A_1094 : memref<1x32x128xf32, #tpu.memory_space<vmem>> -> memref<32x128xf32, #tpu.memory_space<vmem>>
      %dma_start3A_1096 = arith.constant 0 : i32
      %dma_start3A_1097 = tpu.memref_slice %arg7[%dma_start3A_1096, %multiple_of3A_1077] : memref<32x1000000xf32, #tpu.memory_space<hbm>> -> memref<32x128xf32, #tpu.memory_space<hbm>>
      %dma_start3A_1098 = arith.constant 0 : i32
      %dma_start3A_1099 = arith.constant 0 : i32
      %dma_start3A_1100 = tpu.memref_slice %arg12[%dma_start3A_1091, %dma_start3A_1098, %dma_start3A_1099] : memref<8x32x128xf32, #tpu.memory_space<vmem>> -> memref<1x32x128xf32, #tpu.memory_space<vmem>>
      %dma_start3A_1101 = tpu.memref_squeeze %dma_start3A_1100 : memref<1x32x128xf32, #tpu.memory_space<vmem>> -> memref<32x128xf32, #tpu.memory_space<vmem>>
      %dma_start3A_1102 = arith.constant 0 : i32
      %dma_start3A_1103 = tpu.memref_slice %arg7[%dma_start3A_1102, %multiple_of3A_1077] : memref<32x1000000xf32, #tpu.memory_space<hbm>> -> memref<32x128xf32, #tpu.memory_space<hbm>>
      tpu.enqueue_dma source(%dma_start3A_1103 : memref<32x128xf32, #tpu.memory_space<hbm>>) target(%dma_start3A_1101 : memref<32x128xf32, #tpu.memory_space<vmem>>) target_semaphore(%arg17 : memref<!tpu.dma_semaphore, #tpu.memory_space<semaphore_mem>>)
      %slice3A_1104 = vector.extract_strided_slice %and3A_20 {offsets = [13], sizes = [1], strides = [1]} : vector<16xi32> to vector<1xi32>
      %squeeze3A_1105 = vector.extract %slice3A_1104[0] : i32 from vector<1xi32>
      %multiple_of3A_1106 = tpu.assume_multiple %squeeze3A_1105, 128 : i32
      %slice3A_1107 = vector.extract_strided_slice %and3A_25 {offsets = [13], sizes = [1], strides = [1]} : vector<16xi32> to vector<1xi32>
      %squeeze3A_1108 = vector.extract %slice3A_1107[0] : i32 from vector<1xi32>
      %multiple_of3A_1109 = tpu.assume_multiple %squeeze3A_1108, 128 : i32
      %dma_start3A_1110 = arith.constant 5 : i32
      %dma_start3A_1111 = arith.constant 0 : i32
      %dma_start3A_1112 = arith.constant 0 : i32
      %dma_start3A_1113 = tpu.memref_slice %arg11[%dma_start3A_1110, %dma_start3A_1111, %dma_start3A_1112] : memref<8x32x128xf32, #tpu.memory_space<vmem>> -> memref<1x32x128xf32, #tpu.memory_space<vmem>>
      %dma_start3A_1114 = tpu.memref_squeeze %dma_start3A_1113 : memref<1x32x128xf32, #tpu.memory_space<vmem>> -> memref<32x128xf32, #tpu.memory_space<vmem>>
      %dma_start3A_1115 = arith.constant 0 : i32
      %dma_start3A_1116 = tpu.memref_slice %arg6[%dma_start3A_1115, %multiple_of3A_1106] : memref<32x1000000xf32, #tpu.memory_space<hbm>> -> memref<32x128xf32, #tpu.memory_space<hbm>>
      %dma_start3A_1117 = arith.constant 0 : i32
      %dma_start3A_1118 = arith.constant 0 : i32
      %dma_start3A_1119 = tpu.memref_slice %arg11[%dma_start3A_1110, %dma_start3A_1117, %dma_start3A_1118] : memref<8x32x128xf32, #tpu.memory_space<vmem>> -> memref<1x32x128xf32, #tpu.memory_space<vmem>>
      %dma_start3A_1120 = tpu.memref_squeeze %dma_start3A_1119 : memref<1x32x128xf32, #tpu.memory_space<vmem>> -> memref<32x128xf32, #tpu.memory_space<vmem>>
      %dma_start3A_1121 = arith.constant 0 : i32
      %dma_start3A_1122 = tpu.memref_slice %arg6[%dma_start3A_1121, %multiple_of3A_1106] : memref<32x1000000xf32, #tpu.memory_space<hbm>> -> memref<32x128xf32, #tpu.memory_space<hbm>>
      tpu.enqueue_dma source(%dma_start3A_1122 : memref<32x128xf32, #tpu.memory_space<hbm>>) target(%dma_start3A_1120 : memref<32x128xf32, #tpu.memory_space<vmem>>) target_semaphore(%arg17 : memref<!tpu.dma_semaphore, #tpu.memory_space<semaphore_mem>>)
      %dma_start3A_1123 = arith.constant 5 : i32
      %dma_start3A_1124 = arith.constant 0 : i32
      %dma_start3A_1125 = arith.constant 0 : i32
      %dma_start3A_1126 = tpu.memref_slice %arg12[%dma_start3A_1123, %dma_start3A_1124, %dma_start3A_1125] : memref<8x32x128xf32, #tpu.memory_space<vmem>> -> memref<1x32x128xf32, #tpu.memory_space<vmem>>
      %dma_start3A_1127 = tpu.memref_squeeze %dma_start3A_1126 : memref<1x32x128xf32, #tpu.memory_space<vmem>> -> memref<32x128xf32, #tpu.memory_space<vmem>>
      %dma_start3A_1128 = arith.constant 0 : i32
      %dma_start3A_1129 = tpu.memref_slice %arg7[%dma_start3A_1128, %multiple_of3A_1109] : memref<32x1000000xf32, #tpu.memory_space<hbm>> -> memref<32x128xf32, #tpu.memory_space<hbm>>
      %dma_start3A_1130 = arith.constant 0 : i32
      %dma_start3A_1131 = arith.constant 0 : i32
      %dma_start3A_1132 = tpu.memref_slice %arg12[%dma_start3A_1123, %dma_start3A_1130, %dma_start3A_1131] : memref<8x32x128xf32, #tpu.memory_space<vmem>> -> memref<1x32x128xf32, #tpu.memory_space<vmem>>
      %dma_start3A_1133 = tpu.memref_squeeze %dma_start3A_1132 : memref<1x32x128xf32, #tpu.memory_space<vmem>> -> memref<32x128xf32, #tpu.memory_space<vmem>>
      %dma_start3A_1134 = arith.constant 0 : i32
      %dma_start3A_1135 = tpu.memref_slice %arg7[%dma_start3A_1134, %multiple_of3A_1109] : memref<32x1000000xf32, #tpu.memory_space<hbm>> -> memref<32x128xf32, #tpu.memory_space<hbm>>
      tpu.enqueue_dma source(%dma_start3A_1135 : memref<32x128xf32, #tpu.memory_space<hbm>>) target(%dma_start3A_1133 : memref<32x128xf32, #tpu.memory_space<vmem>>) target_semaphore(%arg17 : memref<!tpu.dma_semaphore, #tpu.memory_space<semaphore_mem>>)
      %slice3A_1136 = vector.extract_strided_slice %and3A_20 {offsets = [14], sizes = [1], strides = [1]} : vector<16xi32> to vector<1xi32>
      %squeeze3A_1137 = vector.extract %slice3A_1136[0] : i32 from vector<1xi32>
      %multiple_of3A_1138 = tpu.assume_multiple %squeeze3A_1137, 128 : i32
      %slice3A_1139 = vector.extract_strided_slice %and3A_25 {offsets = [14], sizes = [1], strides = [1]} : vector<16xi32> to vector<1xi32>
      %squeeze3A_1140 = vector.extract %slice3A_1139[0] : i32 from vector<1xi32>
      %multiple_of3A_1141 = tpu.assume_multiple %squeeze3A_1140, 128 : i32
      %dma_start3A_1142 = arith.constant 6 : i32
      %dma_start3A_1143 = arith.constant 0 : i32
      %dma_start3A_1144 = arith.constant 0 : i32
      %dma_start3A_1145 = tpu.memref_slice %arg11[%dma_start3A_1142, %dma_start3A_1143, %dma_start3A_1144] : memref<8x32x128xf32, #tpu.memory_space<vmem>> -> memref<1x32x128xf32, #tpu.memory_space<vmem>>
      %dma_start3A_1146 = tpu.memref_squeeze %dma_start3A_1145 : memref<1x32x128xf32, #tpu.memory_space<vmem>> -> memref<32x128xf32, #tpu.memory_space<vmem>>
      %dma_start3A_1147 = arith.constant 0 : i32
      %dma_start3A_1148 = tpu.memref_slice %arg6[%dma_start3A_1147, %multiple_of3A_1138] : memref<32x1000000xf32, #tpu.memory_space<hbm>> -> memref<32x128xf32, #tpu.memory_space<hbm>>
      %dma_start3A_1149 = arith.constant 0 : i32
      %dma_start3A_1150 = arith.constant 0 : i32
      %dma_start3A_1151 = tpu.memref_slice %arg11[%dma_start3A_1142, %dma_start3A_1149, %dma_start3A_1150] : memref<8x32x128xf32, #tpu.memory_space<vmem>> -> memref<1x32x128xf32, #tpu.memory_space<vmem>>
      %dma_start3A_1152 = tpu.memref_squeeze %dma_start3A_1151 : memref<1x32x128xf32, #tpu.memory_space<vmem>> -> memref<32x128xf32, #tpu.memory_space<vmem>>
      %dma_start3A_1153 = arith.constant 0 : i32
      %dma_start3A_1154 = tpu.memref_slice %arg6[%dma_start3A_1153, %multiple_of3A_1138] : memref<32x1000000xf32, #tpu.memory_space<hbm>> -> memref<32x128xf32, #tpu.memory_space<hbm>>
      tpu.enqueue_dma source(%dma_start3A_1154 : memref<32x128xf32, #tpu.memory_space<hbm>>) target(%dma_start3A_1152 : memref<32x128xf32, #tpu.memory_space<vmem>>) target_semaphore(%arg17 : memref<!tpu.dma_semaphore, #tpu.memory_space<semaphore_mem>>)
      %dma_start3A_1155 = arith.constant 6 : i32
      %dma_start3A_1156 = arith.constant 0 : i32
      %dma_start3A_1157 = arith.constant 0 : i32
      %dma_start3A_1158 = tpu.memref_slice %arg12[%dma_start3A_1155, %dma_start3A_1156, %dma_start3A_1157] : memref<8x32x128xf32, #tpu.memory_space<vmem>> -> memref<1x32x128xf32, #tpu.memory_space<vmem>>
      %dma_start3A_1159 = tpu.memref_squeeze %dma_start3A_1158 : memref<1x32x128xf32, #tpu.memory_space<vmem>> -> memref<32x128xf32, #tpu.memory_space<vmem>>
      %dma_start3A_1160 = arith.constant 0 : i32
      %dma_start3A_1161 = tpu.memref_slice %arg7[%dma_start3A_1160, %multiple_of3A_1141] : memref<32x1000000xf32, #tpu.memory_space<hbm>> -> memref<32x128xf32, #tpu.memory_space<hbm>>
      %dma_start3A_1162 = arith.constant 0 : i32
      %dma_start3A_1163 = arith.constant 0 : i32
      %dma_start3A_1164 = tpu.memref_slice %arg12[%dma_start3A_1155, %dma_start3A_1162, %dma_start3A_1163] : memref<8x32x128xf32, #tpu.memory_space<vmem>> -> memref<1x32x128xf32, #tpu.memory_space<vmem>>
      %dma_start3A_1165 = tpu.memref_squeeze %dma_start3A_1164 : memref<1x32x128xf32, #tpu.memory_space<vmem>> -> memref<32x128xf32, #tpu.memory_space<vmem>>
      %dma_start3A_1166 = arith.constant 0 : i32
      %dma_start3A_1167 = tpu.memref_slice %arg7[%dma_start3A_1166, %multiple_of3A_1141] : memref<32x1000000xf32, #tpu.memory_space<hbm>> -> memref<32x128xf32, #tpu.memory_space<hbm>>
      tpu.enqueue_dma source(%dma_start3A_1167 : memref<32x128xf32, #tpu.memory_space<hbm>>) target(%dma_start3A_1165 : memref<32x128xf32, #tpu.memory_space<vmem>>) target_semaphore(%arg17 : memref<!tpu.dma_semaphore, #tpu.memory_space<semaphore_mem>>)
      %slice3A_1168 = vector.extract_strided_slice %and3A_20 {offsets = [15], sizes = [1], strides = [1]} : vector<16xi32> to vector<1xi32>
      %squeeze3A_1169 = vector.extract %slice3A_1168[0] : i32 from vector<1xi32>
      %multiple_of3A_1170 = tpu.assume_multiple %squeeze3A_1169, 128 : i32
      %slice3A_1171 = vector.extract_strided_slice %and3A_25 {offsets = [15], sizes = [1], strides = [1]} : vector<16xi32> to vector<1xi32>
      %squeeze3A_1172 = vector.extract %slice3A_1171[0] : i32 from vector<1xi32>
      %multiple_of3A_1173 = tpu.assume_multiple %squeeze3A_1172, 128 : i32
      %dma_start3A_1174 = arith.constant 7 : i32
      %dma_start3A_1175 = arith.constant 0 : i32
      %dma_start3A_1176 = arith.constant 0 : i32
      %dma_start3A_1177 = tpu.memref_slice %arg11[%dma_start3A_1174, %dma_start3A_1175, %dma_start3A_1176] : memref<8x32x128xf32, #tpu.memory_space<vmem>> -> memref<1x32x128xf32, #tpu.memory_space<vmem>>
      %dma_start3A_1178 = tpu.memref_squeeze %dma_start3A_1177 : memref<1x32x128xf32, #tpu.memory_space<vmem>> -> memref<32x128xf32, #tpu.memory_space<vmem>>
      %dma_start3A_1179 = arith.constant 0 : i32
      %dma_start3A_1180 = tpu.memref_slice %arg6[%dma_start3A_1179, %multiple_of3A_1170] : memref<32x1000000xf32, #tpu.memory_space<hbm>> -> memref<32x128xf32, #tpu.memory_space<hbm>>
      %dma_start3A_1181 = arith.constant 0 : i32
      %dma_start3A_1182 = arith.constant 0 : i32
      %dma_start3A_1183 = tpu.memref_slice %arg11[%dma_start3A_1174, %dma_start3A_1181, %dma_start3A_1182] : memref<8x32x128xf32, #tpu.memory_space<vmem>> -> memref<1x32x128xf32, #tpu.memory_space<vmem>>
      %dma_start3A_1184 = tpu.memref_squeeze %dma_start3A_1183 : memref<1x32x128xf32, #tpu.memory_space<vmem>> -> memref<32x128xf32, #tpu.memory_space<vmem>>
      %dma_start3A_1185 = arith.constant 0 : i32
      %dma_start3A_1186 = tpu.memref_slice %arg6[%dma_start3A_1185, %multiple_of3A_1170] : memref<32x1000000xf32, #tpu.memory_space<hbm>> -> memref<32x128xf32, #tpu.memory_space<hbm>>
      tpu.enqueue_dma source(%dma_start3A_1186 : memref<32x128xf32, #tpu.memory_space<hbm>>) target(%dma_start3A_1184 : memref<32x128xf32, #tpu.memory_space<vmem>>) target_semaphore(%arg17 : memref<!tpu.dma_semaphore, #tpu.memory_space<semaphore_mem>>)
      %dma_start3A_1187 = arith.constant 7 : i32
      %dma_start3A_1188 = arith.constant 0 : i32
      %dma_start3A_1189 = arith.constant 0 : i32
      %dma_start3A_1190 = tpu.memref_slice %arg12[%dma_start3A_1187, %dma_start3A_1188, %dma_start3A_1189] : memref<8x32x128xf32, #tpu.memory_space<vmem>> -> memref<1x32x128xf32, #tpu.memory_space<vmem>>
      %dma_start3A_1191 = tpu.memref_squeeze %dma_start3A_1190 : memref<1x32x128xf32, #tpu.memory_space<vmem>> -> memref<32x128xf32, #tpu.memory_space<vmem>>
      %dma_start3A_1192 = arith.constant 0 : i32
      %dma_start3A_1193 = tpu.memref_slice %arg7[%dma_start3A_1192, %multiple_of3A_1173] : memref<32x1000000xf32, #tpu.memory_space<hbm>> -> memref<32x128xf32, #tpu.memory_space<hbm>>
      %dma_start3A_1194 = arith.constant 0 : i32
      %dma_start3A_1195 = arith.constant 0 : i32
      %dma_start3A_1196 = tpu.memref_slice %arg12[%dma_start3A_1187, %dma_start3A_1194, %dma_start3A_1195] : memref<8x32x128xf32, #tpu.memory_space<vmem>> -> memref<1x32x128xf32, #tpu.memory_space<vmem>>
      %dma_start3A_1197 = tpu.memref_squeeze %dma_start3A_1196 : memref<1x32x128xf32, #tpu.memory_space<vmem>> -> memref<32x128xf32, #tpu.memory_space<vmem>>
      %dma_start3A_1198 = arith.constant 0 : i32
      %dma_start3A_1199 = tpu.memref_slice %arg7[%dma_start3A_1198, %multiple_of3A_1173] : memref<32x1000000xf32, #tpu.memory_space<hbm>> -> memref<32x128xf32, #tpu.memory_space<hbm>>
      tpu.enqueue_dma source(%dma_start3A_1199 : memref<32x128xf32, #tpu.memory_space<hbm>>) target(%dma_start3A_1197 : memref<32x128xf32, #tpu.memory_space<vmem>>) target_semaphore(%arg17 : memref<!tpu.dma_semaphore, #tpu.memory_space<semaphore_mem>>)
      %dma_wait3A_1200 = arith.constant 0 : i32
      %dma_wait3A_1201 = arith.constant 0 : i32
      %dma_wait3A_1202 = arith.constant 0 : i32
      %dma_wait3A_1203 = tpu.memref_slice %arg11[%dma_wait3A_1200, %dma_wait3A_1201, %dma_wait3A_1202] : memref<8x32x128xf32, #tpu.memory_space<vmem>> -> memref<1x32x128xf32, #tpu.memory_space<vmem>>
      %dma_wait3A_1204 = tpu.memref_squeeze %dma_wait3A_1203 : memref<1x32x128xf32, #tpu.memory_space<vmem>> -> memref<32x128xf32, #tpu.memory_space<vmem>>
      %dma_wait3A_1205 = arith.constant 0 : i32
      %dma_wait3A_1206 = tpu.memref_slice %arg6[%dma_wait3A_1205, %multiple_of3A_766] : memref<32x1000000xf32, #tpu.memory_space<hbm>> -> memref<32x128xf32, #tpu.memory_space<hbm>>
      %dma_wait3A_1207 = arith.constant 0 : i32
      %dma_wait3A_1208 = arith.constant 0 : i32
      %dma_wait3A_1209 = tpu.memref_slice %arg11[%dma_wait3A_1200, %dma_wait3A_1207, %dma_wait3A_1208] : memref<8x32x128xf32, #tpu.memory_space<vmem>> -> memref<1x32x128xf32, #tpu.memory_space<vmem>>
      %dma_wait3A_1210 = tpu.memref_squeeze %dma_wait3A_1209 : memref<1x32x128xf32, #tpu.memory_space<vmem>> -> memref<32x128xf32, #tpu.memory_space<vmem>>
      %dma_wait3A_1211 = arith.constant 0 : i32
      %dma_wait3A_1212 = tpu.memref_slice %arg6[%dma_wait3A_1211, %multiple_of3A_766] : memref<32x1000000xf32, #tpu.memory_space<hbm>> -> memref<32x128xf32, #tpu.memory_space<hbm>>
      tpu.wait_dma2 semaphore(%arg16 : memref<!tpu.dma_semaphore, #tpu.memory_space<semaphore_mem>>) src(%dma_wait3A_1212 : memref<32x128xf32, #tpu.memory_space<hbm>>) dst(%dma_wait3A_1210 : memref<32x128xf32, #tpu.memory_space<vmem>>)
      %dma_wait3A_1213 = arith.constant 0 : i32
      %dma_wait3A_1214 = arith.constant 0 : i32
      %dma_wait3A_1215 = arith.constant 0 : i32
      %dma_wait3A_1216 = tpu.memref_slice %arg12[%dma_wait3A_1213, %dma_wait3A_1214, %dma_wait3A_1215] : memref<8x32x128xf32, #tpu.memory_space<vmem>> -> memref<1x32x128xf32, #tpu.memory_space<vmem>>
      %dma_wait3A_1217 = tpu.memref_squeeze %dma_wait3A_1216 : memref<1x32x128xf32, #tpu.memory_space<vmem>> -> memref<32x128xf32, #tpu.memory_space<vmem>>
      %dma_wait3A_1218 = arith.constant 0 : i32
      %dma_wait3A_1219 = tpu.memref_slice %arg7[%dma_wait3A_1218, %multiple_of3A_769] : memref<32x1000000xf32, #tpu.memory_space<hbm>> -> memref<32x128xf32, #tpu.memory_space<hbm>>
      %dma_wait3A_1220 = arith.constant 0 : i32
      %dma_wait3A_1221 = arith.constant 0 : i32
      %dma_wait3A_1222 = tpu.memref_slice %arg12[%dma_wait3A_1213, %dma_wait3A_1220, %dma_wait3A_1221] : memref<8x32x128xf32, #tpu.memory_space<vmem>> -> memref<1x32x128xf32, #tpu.memory_space<vmem>>
      %dma_wait3A_1223 = tpu.memref_squeeze %dma_wait3A_1222 : memref<1x32x128xf32, #tpu.memory_space<vmem>> -> memref<32x128xf32, #tpu.memory_space<vmem>>
      %dma_wait3A_1224 = arith.constant 0 : i32
      %dma_wait3A_1225 = tpu.memref_slice %arg7[%dma_wait3A_1224, %multiple_of3A_769] : memref<32x1000000xf32, #tpu.memory_space<hbm>> -> memref<32x128xf32, #tpu.memory_space<hbm>>
      tpu.wait_dma2 semaphore(%arg16 : memref<!tpu.dma_semaphore, #tpu.memory_space<semaphore_mem>>) src(%dma_wait3A_1225 : memref<32x128xf32, #tpu.memory_space<hbm>>) dst(%dma_wait3A_1223 : memref<32x128xf32, #tpu.memory_space<vmem>>)
      %dma_wait3A_1226 = arith.constant 1 : i32
      %dma_wait3A_1227 = arith.constant 0 : i32
      %dma_wait3A_1228 = arith.constant 0 : i32
      %dma_wait3A_1229 = tpu.memref_slice %arg11[%dma_wait3A_1226, %dma_wait3A_1227, %dma_wait3A_1228] : memref<8x32x128xf32, #tpu.memory_space<vmem>> -> memref<1x32x128xf32, #tpu.memory_space<vmem>>
      %dma_wait3A_1230 = tpu.memref_squeeze %dma_wait3A_1229 : memref<1x32x128xf32, #tpu.memory_space<vmem>> -> memref<32x128xf32, #tpu.memory_space<vmem>>
      %dma_wait3A_1231 = arith.constant 0 : i32
      %dma_wait3A_1232 = tpu.memref_slice %arg6[%dma_wait3A_1231, %multiple_of3A_798] : memref<32x1000000xf32, #tpu.memory_space<hbm>> -> memref<32x128xf32, #tpu.memory_space<hbm>>
      %dma_wait3A_1233 = arith.constant 0 : i32
      %dma_wait3A_1234 = arith.constant 0 : i32
      %dma_wait3A_1235 = tpu.memref_slice %arg11[%dma_wait3A_1226, %dma_wait3A_1233, %dma_wait3A_1234] : memref<8x32x128xf32, #tpu.memory_space<vmem>> -> memref<1x32x128xf32, #tpu.memory_space<vmem>>
      %dma_wait3A_1236 = tpu.memref_squeeze %dma_wait3A_1235 : memref<1x32x128xf32, #tpu.memory_space<vmem>> -> memref<32x128xf32, #tpu.memory_space<vmem>>
      %dma_wait3A_1237 = arith.constant 0 : i32
      %dma_wait3A_1238 = tpu.memref_slice %arg6[%dma_wait3A_1237, %multiple_of3A_798] : memref<32x1000000xf32, #tpu.memory_space<hbm>> -> memref<32x128xf32, #tpu.memory_space<hbm>>
      tpu.wait_dma2 semaphore(%arg16 : memref<!tpu.dma_semaphore, #tpu.memory_space<semaphore_mem>>) src(%dma_wait3A_1238 : memref<32x128xf32, #tpu.memory_space<hbm>>) dst(%dma_wait3A_1236 : memref<32x128xf32, #tpu.memory_space<vmem>>)
      %dma_wait3A_1239 = arith.constant 1 : i32
      %dma_wait3A_1240 = arith.constant 0 : i32
      %dma_wait3A_1241 = arith.constant 0 : i32
      %dma_wait3A_1242 = tpu.memref_slice %arg12[%dma_wait3A_1239, %dma_wait3A_1240, %dma_wait3A_1241] : memref<8x32x128xf32, #tpu.memory_space<vmem>> -> memref<1x32x128xf32, #tpu.memory_space<vmem>>
      %dma_wait3A_1243 = tpu.memref_squeeze %dma_wait3A_1242 : memref<1x32x128xf32, #tpu.memory_space<vmem>> -> memref<32x128xf32, #tpu.memory_space<vmem>>
      %dma_wait3A_1244 = arith.constant 0 : i32
      %dma_wait3A_1245 = tpu.memref_slice %arg7[%dma_wait3A_1244, %multiple_of3A_801] : memref<32x1000000xf32, #tpu.memory_space<hbm>> -> memref<32x128xf32, #tpu.memory_space<hbm>>
      %dma_wait3A_1246 = arith.constant 0 : i32
      %dma_wait3A_1247 = arith.constant 0 : i32
      %dma_wait3A_1248 = tpu.memref_slice %arg12[%dma_wait3A_1239, %dma_wait3A_1246, %dma_wait3A_1247] : memref<8x32x128xf32, #tpu.memory_space<vmem>> -> memref<1x32x128xf32, #tpu.memory_space<vmem>>
      %dma_wait3A_1249 = tpu.memref_squeeze %dma_wait3A_1248 : memref<1x32x128xf32, #tpu.memory_space<vmem>> -> memref<32x128xf32, #tpu.memory_space<vmem>>
      %dma_wait3A_1250 = arith.constant 0 : i32
      %dma_wait3A_1251 = tpu.memref_slice %arg7[%dma_wait3A_1250, %multiple_of3A_801] : memref<32x1000000xf32, #tpu.memory_space<hbm>> -> memref<32x128xf32, #tpu.memory_space<hbm>>
      tpu.wait_dma2 semaphore(%arg16 : memref<!tpu.dma_semaphore, #tpu.memory_space<semaphore_mem>>) src(%dma_wait3A_1251 : memref<32x128xf32, #tpu.memory_space<hbm>>) dst(%dma_wait3A_1249 : memref<32x128xf32, #tpu.memory_space<vmem>>)
      %dma_wait3A_1252 = arith.constant 2 : i32
      %dma_wait3A_1253 = arith.constant 0 : i32
      %dma_wait3A_1254 = arith.constant 0 : i32
      %dma_wait3A_1255 = tpu.memref_slice %arg11[%dma_wait3A_1252, %dma_wait3A_1253, %dma_wait3A_1254] : memref<8x32x128xf32, #tpu.memory_space<vmem>> -> memref<1x32x128xf32, #tpu.memory_space<vmem>>
      %dma_wait3A_1256 = tpu.memref_squeeze %dma_wait3A_1255 : memref<1x32x128xf32, #tpu.memory_space<vmem>> -> memref<32x128xf32, #tpu.memory_space<vmem>>
      %dma_wait3A_1257 = arith.constant 0 : i32
      %dma_wait3A_1258 = tpu.memref_slice %arg6[%dma_wait3A_1257, %multiple_of3A_830] : memref<32x1000000xf32, #tpu.memory_space<hbm>> -> memref<32x128xf32, #tpu.memory_space<hbm>>
      %dma_wait3A_1259 = arith.constant 0 : i32
      %dma_wait3A_1260 = arith.constant 0 : i32
      %dma_wait3A_1261 = tpu.memref_slice %arg11[%dma_wait3A_1252, %dma_wait3A_1259, %dma_wait3A_1260] : memref<8x32x128xf32, #tpu.memory_space<vmem>> -> memref<1x32x128xf32, #tpu.memory_space<vmem>>
      %dma_wait3A_1262 = tpu.memref_squeeze %dma_wait3A_1261 : memref<1x32x128xf32, #tpu.memory_space<vmem>> -> memref<32x128xf32, #tpu.memory_space<vmem>>
      %dma_wait3A_1263 = arith.constant 0 : i32
      %dma_wait3A_1264 = tpu.memref_slice %arg6[%dma_wait3A_1263, %multiple_of3A_830] : memref<32x1000000xf32, #tpu.memory_space<hbm>> -> memref<32x128xf32, #tpu.memory_space<hbm>>
      tpu.wait_dma2 semaphore(%arg16 : memref<!tpu.dma_semaphore, #tpu.memory_space<semaphore_mem>>) src(%dma_wait3A_1264 : memref<32x128xf32, #tpu.memory_space<hbm>>) dst(%dma_wait3A_1262 : memref<32x128xf32, #tpu.memory_space<vmem>>)
      %dma_wait3A_1265 = arith.constant 2 : i32
      %dma_wait3A_1266 = arith.constant 0 : i32
      %dma_wait3A_1267 = arith.constant 0 : i32
      %dma_wait3A_1268 = tpu.memref_slice %arg12[%dma_wait3A_1265, %dma_wait3A_1266, %dma_wait3A_1267] : memref<8x32x128xf32, #tpu.memory_space<vmem>> -> memref<1x32x128xf32, #tpu.memory_space<vmem>>
      %dma_wait3A_1269 = tpu.memref_squeeze %dma_wait3A_1268 : memref<1x32x128xf32, #tpu.memory_space<vmem>> -> memref<32x128xf32, #tpu.memory_space<vmem>>
      %dma_wait3A_1270 = arith.constant 0 : i32
      %dma_wait3A_1271 = tpu.memref_slice %arg7[%dma_wait3A_1270, %multiple_of3A_833] : memref<32x1000000xf32, #tpu.memory_space<hbm>> -> memref<32x128xf32, #tpu.memory_space<hbm>>
      %dma_wait3A_1272 = arith.constant 0 : i32
      %dma_wait3A_1273 = arith.constant 0 : i32
      %dma_wait3A_1274 = tpu.memref_slice %arg12[%dma_wait3A_1265, %dma_wait3A_1272, %dma_wait3A_1273] : memref<8x32x128xf32, #tpu.memory_space<vmem>> -> memref<1x32x128xf32, #tpu.memory_space<vmem>>
      %dma_wait3A_1275 = tpu.memref_squeeze %dma_wait3A_1274 : memref<1x32x128xf32, #tpu.memory_space<vmem>> -> memref<32x128xf32, #tpu.memory_space<vmem>>
      %dma_wait3A_1276 = arith.constant 0 : i32
      %dma_wait3A_1277 = tpu.memref_slice %arg7[%dma_wait3A_1276, %multiple_of3A_833] : memref<32x1000000xf32, #tpu.memory_space<hbm>> -> memref<32x128xf32, #tpu.memory_space<hbm>>
      tpu.wait_dma2 semaphore(%arg16 : memref<!tpu.dma_semaphore, #tpu.memory_space<semaphore_mem>>) src(%dma_wait3A_1277 : memref<32x128xf32, #tpu.memory_space<hbm>>) dst(%dma_wait3A_1275 : memref<32x128xf32, #tpu.memory_space<vmem>>)
      %dma_wait3A_1278 = arith.constant 3 : i32
      %dma_wait3A_1279 = arith.constant 0 : i32
      %dma_wait3A_1280 = arith.constant 0 : i32
      %dma_wait3A_1281 = tpu.memref_slice %arg11[%dma_wait3A_1278, %dma_wait3A_1279, %dma_wait3A_1280] : memref<8x32x128xf32, #tpu.memory_space<vmem>> -> memref<1x32x128xf32, #tpu.memory_space<vmem>>
      %dma_wait3A_1282 = tpu.memref_squeeze %dma_wait3A_1281 : memref<1x32x128xf32, #tpu.memory_space<vmem>> -> memref<32x128xf32, #tpu.memory_space<vmem>>
      %dma_wait3A_1283 = arith.constant 0 : i32
      %dma_wait3A_1284 = tpu.memref_slice %arg6[%dma_wait3A_1283, %multiple_of3A_862] : memref<32x1000000xf32, #tpu.memory_space<hbm>> -> memref<32x128xf32, #tpu.memory_space<hbm>>
      %dma_wait3A_1285 = arith.constant 0 : i32
      %dma_wait3A_1286 = arith.constant 0 : i32
      %dma_wait3A_1287 = tpu.memref_slice %arg11[%dma_wait3A_1278, %dma_wait3A_1285, %dma_wait3A_1286] : memref<8x32x128xf32, #tpu.memory_space<vmem>> -> memref<1x32x128xf32, #tpu.memory_space<vmem>>
      %dma_wait3A_1288 = tpu.memref_squeeze %dma_wait3A_1287 : memref<1x32x128xf32, #tpu.memory_space<vmem>> -> memref<32x128xf32, #tpu.memory_space<vmem>>
      %dma_wait3A_1289 = arith.constant 0 : i32
      %dma_wait3A_1290 = tpu.memref_slice %arg6[%dma_wait3A_1289, %multiple_of3A_862] : memref<32x1000000xf32, #tpu.memory_space<hbm>> -> memref<32x128xf32, #tpu.memory_space<hbm>>
      tpu.wait_dma2 semaphore(%arg16 : memref<!tpu.dma_semaphore, #tpu.memory_space<semaphore_mem>>) src(%dma_wait3A_1290 : memref<32x128xf32, #tpu.memory_space<hbm>>) dst(%dma_wait3A_1288 : memref<32x128xf32, #tpu.memory_space<vmem>>)
      %dma_wait3A_1291 = arith.constant 3 : i32
      %dma_wait3A_1292 = arith.constant 0 : i32
      %dma_wait3A_1293 = arith.constant 0 : i32
      %dma_wait3A_1294 = tpu.memref_slice %arg12[%dma_wait3A_1291, %dma_wait3A_1292, %dma_wait3A_1293] : memref<8x32x128xf32, #tpu.memory_space<vmem>> -> memref<1x32x128xf32, #tpu.memory_space<vmem>>
      %dma_wait3A_1295 = tpu.memref_squeeze %dma_wait3A_1294 : memref<1x32x128xf32, #tpu.memory_space<vmem>> -> memref<32x128xf32, #tpu.memory_space<vmem>>
      %dma_wait3A_1296 = arith.constant 0 : i32
      %dma_wait3A_1297 = tpu.memref_slice %arg7[%dma_wait3A_1296, %multiple_of3A_865] : memref<32x1000000xf32, #tpu.memory_space<hbm>> -> memref<32x128xf32, #tpu.memory_space<hbm>>
      %dma_wait3A_1298 = arith.constant 0 : i32
      %dma_wait3A_1299 = arith.constant 0 : i32
      %dma_wait3A_1300 = tpu.memref_slice %arg12[%dma_wait3A_1291, %dma_wait3A_1298, %dma_wait3A_1299] : memref<8x32x128xf32, #tpu.memory_space<vmem>> -> memref<1x32x128xf32, #tpu.memory_space<vmem>>
      %dma_wait3A_1301 = tpu.memref_squeeze %dma_wait3A_1300 : memref<1x32x128xf32, #tpu.memory_space<vmem>> -> memref<32x128xf32, #tpu.memory_space<vmem>>
      %dma_wait3A_1302 = arith.constant 0 : i32
      %dma_wait3A_1303 = tpu.memref_slice %arg7[%dma_wait3A_1302, %multiple_of3A_865] : memref<32x1000000xf32, #tpu.memory_space<hbm>> -> memref<32x128xf32, #tpu.memory_space<hbm>>
      tpu.wait_dma2 semaphore(%arg16 : memref<!tpu.dma_semaphore, #tpu.memory_space<semaphore_mem>>) src(%dma_wait3A_1303 : memref<32x128xf32, #tpu.memory_space<hbm>>) dst(%dma_wait3A_1301 : memref<32x128xf32, #tpu.memory_space<vmem>>)
      %broadcast_in_dim3A_1304 = arith.constant 0 : i32
      %broadcast_in_dim3A_1305 = vector.broadcast %broadcast_in_dim3A_1304 : i32 to vector<16xi32>
      %slice3A_1306 = vector.extract_strided_slice %and3A_28 {offsets = [8], sizes = [1], strides = [1]} : vector<16xi32> to vector<1xi32>
      %squeeze3A_1307 = vector.extract %slice3A_1306[0] : i32 from vector<1xi32>
      %broadcast_in_dim3A_1308 = vector.broadcast %squeeze3A_1307 : i32 to vector<16xi32>
      %slice3A_1309 = vector.extract_strided_slice %and3A_31 {offsets = [8], sizes = [1], strides = [1]} : vector<16xi32> to vector<1xi32>
      %squeeze3A_1310 = vector.extract %slice3A_1309[0] : i32 from vector<1xi32>
      %broadcast_in_dim3A_1311 = vector.broadcast %squeeze3A_1310 : i32 to vector<16xi32>
      %mul3A_1312 = arith.constant 16 : i32
      %mul3A_1313 = arith.muli %scan3A_10, %mul3A_1312 : i32
      %add3A_1314 = arith.constant 8 : i32
      %add3A_1315 = arith.addi %mul3A_1313, %add3A_1314 : i32
      %broadcast_in_dim3A_1316 = vector.broadcast %add3A_1315 : i32 to vector<16xi32>
      %gather3A_1317 = tpu.vector_load_idx %arg11[%broadcast_in_dim3A_1305, %iota3A, %broadcast_in_dim3A_1308] : memref<8x32x128xf32, #tpu.memory_space<vmem>>[vector<16xi32>, vector<16xi32>, vector<16xi32>], vector<16xf32>,
      %gather3A_1318 = tpu.vector_load_idx %arg11[%broadcast_in_dim3A_1305, %add3A_5, %broadcast_in_dim3A_1308] : memref<8x32x128xf32, #tpu.memory_space<vmem>>[vector<16xi32>, vector<16xi32>, vector<16xi32>], vector<16xf32>,
      %gather3A_1319 = tpu.vector_load_idx %arg12[%broadcast_in_dim3A_1305, %iota3A, %broadcast_in_dim3A_1311] : memref<8x32x128xf32, #tpu.memory_space<vmem>>[vector<16xi32>, vector<16xi32>, vector<16xi32>], vector<16xf32>,
      %gather3A_1320 = tpu.vector_load_idx %arg12[%broadcast_in_dim3A_1305, %add3A_5, %broadcast_in_dim3A_1311] : memref<8x32x128xf32, #tpu.memory_space<vmem>>[vector<16xi32>, vector<16xi32>, vector<16xi32>], vector<16xf32>,
      %mul3A_1321 = arith.mulf %gather3A_1317, %gather3A_1319 : vector<16xf32>
      tpu.vector_store_idx %arg15[%iota3A, %broadcast_in_dim3A_1316], %mul3A_1321 : memref<48x512xf32, #tpu.memory_space<vmem>>[vector<16xi32>, vector<16xi32>], vector<16xf32>,
      %mul3A_1322 = arith.mulf %gather3A_1318, %gather3A_1320 : vector<16xf32>
      tpu.vector_store_idx %arg15[%add3A_5, %broadcast_in_dim3A_1316], %mul3A_1322 : memref<48x512xf32, #tpu.memory_space<vmem>>[vector<16xi32>, vector<16xi32>], vector<16xf32>,
      %broadcast_in_dim3A_1323 = arith.constant 1 : i32
      %broadcast_in_dim3A_1324 = vector.broadcast %broadcast_in_dim3A_1323 : i32 to vector<16xi32>
      %slice3A_1325 = vector.extract_strided_slice %and3A_28 {offsets = [9], sizes = [1], strides = [1]} : vector<16xi32> to vector<1xi32>
      %squeeze3A_1326 = vector.extract %slice3A_1325[0] : i32 from vector<1xi32>
      %broadcast_in_dim3A_1327 = vector.broadcast %squeeze3A_1326 : i32 to vector<16xi32>
      %slice3A_1328 = vector.extract_strided_slice %and3A_31 {offsets = [9], sizes = [1], strides = [1]} : vector<16xi32> to vector<1xi32>
      %squeeze3A_1329 = vector.extract %slice3A_1328[0] : i32 from vector<1xi32>
      %broadcast_in_dim3A_1330 = vector.broadcast %squeeze3A_1329 : i32 to vector<16xi32>
      %mul3A_1331 = arith.constant 16 : i32
      %mul3A_1332 = arith.muli %scan3A_10, %mul3A_1331 : i32
      %add3A_1333 = arith.constant 9 : i32
      %add3A_1334 = arith.addi %mul3A_1332, %add3A_1333 : i32
      %broadcast_in_dim3A_1335 = vector.broadcast %add3A_1334 : i32 to vector<16xi32>
      %gather3A_1336 = tpu.vector_load_idx %arg11[%broadcast_in_dim3A_1324, %iota3A, %broadcast_in_dim3A_1327] : memref<8x32x128xf32, #tpu.memory_space<vmem>>[vector<16xi32>, vector<16xi32>, vector<16xi32>], vector<16xf32>,
      %gather3A_1337 = tpu.vector_load_idx %arg11[%broadcast_in_dim3A_1324, %add3A_5, %broadcast_in_dim3A_1327] : memref<8x32x128xf32, #tpu.memory_space<vmem>>[vector<16xi32>, vector<16xi32>, vector<16xi32>], vector<16xf32>,
      %gather3A_1338 = tpu.vector_load_idx %arg12[%broadcast_in_dim3A_1324, %iota3A, %broadcast_in_dim3A_1330] : memref<8x32x128xf32, #tpu.memory_space<vmem>>[vector<16xi32>, vector<16xi32>, vector<16xi32>], vector<16xf32>,
      %gather3A_1339 = tpu.vector_load_idx %arg12[%broadcast_in_dim3A_1324, %add3A_5, %broadcast_in_dim3A_1330] : memref<8x32x128xf32, #tpu.memory_space<vmem>>[vector<16xi32>, vector<16xi32>, vector<16xi32>], vector<16xf32>,
      %mul3A_1340 = arith.mulf %gather3A_1336, %gather3A_1338 : vector<16xf32>
      tpu.vector_store_idx %arg15[%iota3A, %broadcast_in_dim3A_1335], %mul3A_1340 : memref<48x512xf32, #tpu.memory_space<vmem>>[vector<16xi32>, vector<16xi32>], vector<16xf32>,
      %mul3A_1341 = arith.mulf %gather3A_1337, %gather3A_1339 : vector<16xf32>
      tpu.vector_store_idx %arg15[%add3A_5, %broadcast_in_dim3A_1335], %mul3A_1341 : memref<48x512xf32, #tpu.memory_space<vmem>>[vector<16xi32>, vector<16xi32>], vector<16xf32>,
      %broadcast_in_dim3A_1342 = arith.constant 2 : i32
      %broadcast_in_dim3A_1343 = vector.broadcast %broadcast_in_dim3A_1342 : i32 to vector<16xi32>
      %slice3A_1344 = vector.extract_strided_slice %and3A_28 {offsets = [10], sizes = [1], strides = [1]} : vector<16xi32> to vector<1xi32>
      %squeeze3A_1345 = vector.extract %slice3A_1344[0] : i32 from vector<1xi32>
      %broadcast_in_dim3A_1346 = vector.broadcast %squeeze3A_1345 : i32 to vector<16xi32>
      %slice3A_1347 = vector.extract_strided_slice %and3A_31 {offsets = [10], sizes = [1], strides = [1]} : vector<16xi32> to vector<1xi32>
      %squeeze3A_1348 = vector.extract %slice3A_1347[0] : i32 from vector<1xi32>
      %broadcast_in_dim3A_1349 = vector.broadcast %squeeze3A_1348 : i32 to vector<16xi32>
      %mul3A_1350 = arith.constant 16 : i32
      %mul3A_1351 = arith.muli %scan3A_10, %mul3A_1350 : i32
      %add3A_1352 = arith.constant 10 : i32
      %add3A_1353 = arith.addi %mul3A_1351, %add3A_1352 : i32
      %broadcast_in_dim3A_1354 = vector.broadcast %add3A_1353 : i32 to vector<16xi32>
      %gather3A_1355 = tpu.vector_load_idx %arg11[%broadcast_in_dim3A_1343, %iota3A, %broadcast_in_dim3A_1346] : memref<8x32x128xf32, #tpu.memory_space<vmem>>[vector<16xi32>, vector<16xi32>, vector<16xi32>], vector<16xf32>,
      %gather3A_1356 = tpu.vector_load_idx %arg11[%broadcast_in_dim3A_1343, %add3A_5, %broadcast_in_dim3A_1346] : memref<8x32x128xf32, #tpu.memory_space<vmem>>[vector<16xi32>, vector<16xi32>, vector<16xi32>], vector<16xf32>,
      %gather3A_1357 = tpu.vector_load_idx %arg12[%broadcast_in_dim3A_1343, %iota3A, %broadcast_in_dim3A_1349] : memref<8x32x128xf32, #tpu.memory_space<vmem>>[vector<16xi32>, vector<16xi32>, vector<16xi32>], vector<16xf32>,
      %gather3A_1358 = tpu.vector_load_idx %arg12[%broadcast_in_dim3A_1343, %add3A_5, %broadcast_in_dim3A_1349] : memref<8x32x128xf32, #tpu.memory_space<vmem>>[vector<16xi32>, vector<16xi32>, vector<16xi32>], vector<16xf32>,
      %mul3A_1359 = arith.mulf %gather3A_1355, %gather3A_1357 : vector<16xf32>
      tpu.vector_store_idx %arg15[%iota3A, %broadcast_in_dim3A_1354], %mul3A_1359 : memref<48x512xf32, #tpu.memory_space<vmem>>[vector<16xi32>, vector<16xi32>], vector<16xf32>,
      %mul3A_1360 = arith.mulf %gather3A_1356, %gather3A_1358 : vector<16xf32>
      tpu.vector_store_idx %arg15[%add3A_5, %broadcast_in_dim3A_1354], %mul3A_1360 : memref<48x512xf32, #tpu.memory_space<vmem>>[vector<16xi32>, vector<16xi32>], vector<16xf32>,
      %broadcast_in_dim3A_1361 = arith.constant 3 : i32
      %broadcast_in_dim3A_1362 = vector.broadcast %broadcast_in_dim3A_1361 : i32 to vector<16xi32>
      %slice3A_1363 = vector.extract_strided_slice %and3A_28 {offsets = [11], sizes = [1], strides = [1]} : vector<16xi32> to vector<1xi32>
      %squeeze3A_1364 = vector.extract %slice3A_1363[0] : i32 from vector<1xi32>
      %broadcast_in_dim3A_1365 = vector.broadcast %squeeze3A_1364 : i32 to vector<16xi32>
      %slice3A_1366 = vector.extract_strided_slice %and3A_31 {offsets = [11], sizes = [1], strides = [1]} : vector<16xi32> to vector<1xi32>
      %squeeze3A_1367 = vector.extract %slice3A_1366[0] : i32 from vector<1xi32>
      %broadcast_in_dim3A_1368 = vector.broadcast %squeeze3A_1367 : i32 to vector<16xi32>
      %mul3A_1369 = arith.constant 16 : i32
      %mul3A_1370 = arith.muli %scan3A_10, %mul3A_1369 : i32
      %add3A_1371 = arith.constant 11 : i32
      %add3A_1372 = arith.addi %mul3A_1370, %add3A_1371 : i32
      %broadcast_in_dim3A_1373 = vector.broadcast %add3A_1372 : i32 to vector<16xi32>
      %gather3A_1374 = tpu.vector_load_idx %arg11[%broadcast_in_dim3A_1362, %iota3A, %broadcast_in_dim3A_1365] : memref<8x32x128xf32, #tpu.memory_space<vmem>>[vector<16xi32>, vector<16xi32>, vector<16xi32>], vector<16xf32>,
      %gather3A_1375 = tpu.vector_load_idx %arg11[%broadcast_in_dim3A_1362, %add3A_5, %broadcast_in_dim3A_1365] : memref<8x32x128xf32, #tpu.memory_space<vmem>>[vector<16xi32>, vector<16xi32>, vector<16xi32>], vector<16xf32>,
      %gather3A_1376 = tpu.vector_load_idx %arg12[%broadcast_in_dim3A_1362, %iota3A, %broadcast_in_dim3A_1368] : memref<8x32x128xf32, #tpu.memory_space<vmem>>[vector<16xi32>, vector<16xi32>, vector<16xi32>], vector<16xf32>,
      %gather3A_1377 = tpu.vector_load_idx %arg12[%broadcast_in_dim3A_1362, %add3A_5, %broadcast_in_dim3A_1368] : memref<8x32x128xf32, #tpu.memory_space<vmem>>[vector<16xi32>, vector<16xi32>, vector<16xi32>], vector<16xf32>,
      %mul3A_1378 = arith.mulf %gather3A_1374, %gather3A_1376 : vector<16xf32>
      tpu.vector_store_idx %arg15[%iota3A, %broadcast_in_dim3A_1373], %mul3A_1378 : memref<48x512xf32, #tpu.memory_space<vmem>>[vector<16xi32>, vector<16xi32>], vector<16xf32>,
      %mul3A_1379 = arith.mulf %gather3A_1375, %gather3A_1377 : vector<16xf32>
      tpu.vector_store_idx %arg15[%add3A_5, %broadcast_in_dim3A_1373], %mul3A_1379 : memref<48x512xf32, #tpu.memory_space<vmem>>[vector<16xi32>, vector<16xi32>], vector<16xf32>,
      %dma_wait3A_1380 = arith.constant 4 : i32
      %dma_wait3A_1381 = arith.constant 0 : i32
      %dma_wait3A_1382 = arith.constant 0 : i32
      %dma_wait3A_1383 = tpu.memref_slice %arg11[%dma_wait3A_1380, %dma_wait3A_1381, %dma_wait3A_1382] : memref<8x32x128xf32, #tpu.memory_space<vmem>> -> memref<1x32x128xf32, #tpu.memory_space<vmem>>
      %dma_wait3A_1384 = tpu.memref_squeeze %dma_wait3A_1383 : memref<1x32x128xf32, #tpu.memory_space<vmem>> -> memref<32x128xf32, #tpu.memory_space<vmem>>
      %dma_wait3A_1385 = arith.constant 0 : i32
      %dma_wait3A_1386 = tpu.memref_slice %arg6[%dma_wait3A_1385, %multiple_of3A_1074] : memref<32x1000000xf32, #tpu.memory_space<hbm>> -> memref<32x128xf32, #tpu.memory_space<hbm>>
      %dma_wait3A_1387 = arith.constant 0 : i32
      %dma_wait3A_1388 = arith.constant 0 : i32
      %dma_wait3A_1389 = tpu.memref_slice %arg11[%dma_wait3A_1380, %dma_wait3A_1387, %dma_wait3A_1388] : memref<8x32x128xf32, #tpu.memory_space<vmem>> -> memref<1x32x128xf32, #tpu.memory_space<vmem>>
      %dma_wait3A_1390 = tpu.memref_squeeze %dma_wait3A_1389 : memref<1x32x128xf32, #tpu.memory_space<vmem>> -> memref<32x128xf32, #tpu.memory_space<vmem>>
      %dma_wait3A_1391 = arith.constant 0 : i32
      %dma_wait3A_1392 = tpu.memref_slice %arg6[%dma_wait3A_1391, %multiple_of3A_1074] : memref<32x1000000xf32, #tpu.memory_space<hbm>> -> memref<32x128xf32, #tpu.memory_space<hbm>>
      tpu.wait_dma2 semaphore(%arg17 : memref<!tpu.dma_semaphore, #tpu.memory_space<semaphore_mem>>) src(%dma_wait3A_1392 : memref<32x128xf32, #tpu.memory_space<hbm>>) dst(%dma_wait3A_1390 : memref<32x128xf32, #tpu.memory_space<vmem>>)
      %dma_wait3A_1393 = arith.constant 4 : i32
      %dma_wait3A_1394 = arith.constant 0 : i32
      %dma_wait3A_1395 = arith.constant 0 : i32
      %dma_wait3A_1396 = tpu.memref_slice %arg12[%dma_wait3A_1393, %dma_wait3A_1394, %dma_wait3A_1395] : memref<8x32x128xf32, #tpu.memory_space<vmem>> -> memref<1x32x128xf32, #tpu.memory_space<vmem>>
      %dma_wait3A_1397 = tpu.memref_squeeze %dma_wait3A_1396 : memref<1x32x128xf32, #tpu.memory_space<vmem>> -> memref<32x128xf32, #tpu.memory_space<vmem>>
      %dma_wait3A_1398 = arith.constant 0 : i32
      %dma_wait3A_1399 = tpu.memref_slice %arg7[%dma_wait3A_1398, %multiple_of3A_1077] : memref<32x1000000xf32, #tpu.memory_space<hbm>> -> memref<32x128xf32, #tpu.memory_space<hbm>>
      %dma_wait3A_1400 = arith.constant 0 : i32
      %dma_wait3A_1401 = arith.constant 0 : i32
      %dma_wait3A_1402 = tpu.memref_slice %arg12[%dma_wait3A_1393, %dma_wait3A_1400, %dma_wait3A_1401] : memref<8x32x128xf32, #tpu.memory_space<vmem>> -> memref<1x32x128xf32, #tpu.memory_space<vmem>>
      %dma_wait3A_1403 = tpu.memref_squeeze %dma_wait3A_1402 : memref<1x32x128xf32, #tpu.memory_space<vmem>> -> memref<32x128xf32, #tpu.memory_space<vmem>>
      %dma_wait3A_1404 = arith.constant 0 : i32
      %dma_wait3A_1405 = tpu.memref_slice %arg7[%dma_wait3A_1404, %multiple_of3A_1077] : memref<32x1000000xf32, #tpu.memory_space<hbm>> -> memref<32x128xf32, #tpu.memory_space<hbm>>
      tpu.wait_dma2 semaphore(%arg17 : memref<!tpu.dma_semaphore, #tpu.memory_space<semaphore_mem>>) src(%dma_wait3A_1405 : memref<32x128xf32, #tpu.memory_space<hbm>>) dst(%dma_wait3A_1403 : memref<32x128xf32, #tpu.memory_space<vmem>>)
      %dma_wait3A_1406 = arith.constant 5 : i32
      %dma_wait3A_1407 = arith.constant 0 : i32
      %dma_wait3A_1408 = arith.constant 0 : i32
      %dma_wait3A_1409 = tpu.memref_slice %arg11[%dma_wait3A_1406, %dma_wait3A_1407, %dma_wait3A_1408] : memref<8x32x128xf32, #tpu.memory_space<vmem>> -> memref<1x32x128xf32, #tpu.memory_space<vmem>>
      %dma_wait3A_1410 = tpu.memref_squeeze %dma_wait3A_1409 : memref<1x32x128xf32, #tpu.memory_space<vmem>> -> memref<32x128xf32, #tpu.memory_space<vmem>>
      %dma_wait3A_1411 = arith.constant 0 : i32
      %dma_wait3A_1412 = tpu.memref_slice %arg6[%dma_wait3A_1411, %multiple_of3A_1106] : memref<32x1000000xf32, #tpu.memory_space<hbm>> -> memref<32x128xf32, #tpu.memory_space<hbm>>
      %dma_wait3A_1413 = arith.constant 0 : i32
      %dma_wait3A_1414 = arith.constant 0 : i32
      %dma_wait3A_1415 = tpu.memref_slice %arg11[%dma_wait3A_1406, %dma_wait3A_1413, %dma_wait3A_1414] : memref<8x32x128xf32, #tpu.memory_space<vmem>> -> memref<1x32x128xf32, #tpu.memory_space<vmem>>
      %dma_wait3A_1416 = tpu.memref_squeeze %dma_wait3A_1415 : memref<1x32x128xf32, #tpu.memory_space<vmem>> -> memref<32x128xf32, #tpu.memory_space<vmem>>
      %dma_wait3A_1417 = arith.constant 0 : i32
      %dma_wait3A_1418 = tpu.memref_slice %arg6[%dma_wait3A_1417, %multiple_of3A_1106] : memref<32x1000000xf32, #tpu.memory_space<hbm>> -> memref<32x128xf32, #tpu.memory_space<hbm>>
      tpu.wait_dma2 semaphore(%arg17 : memref<!tpu.dma_semaphore, #tpu.memory_space<semaphore_mem>>) src(%dma_wait3A_1418 : memref<32x128xf32, #tpu.memory_space<hbm>>) dst(%dma_wait3A_1416 : memref<32x128xf32, #tpu.memory_space<vmem>>)
      %dma_wait3A_1419 = arith.constant 5 : i32
      %dma_wait3A_1420 = arith.constant 0 : i32
      %dma_wait3A_1421 = arith.constant 0 : i32
      %dma_wait3A_1422 = tpu.memref_slice %arg12[%dma_wait3A_1419, %dma_wait3A_1420, %dma_wait3A_1421] : memref<8x32x128xf32, #tpu.memory_space<vmem>> -> memref<1x32x128xf32, #tpu.memory_space<vmem>>
      %dma_wait3A_1423 = tpu.memref_squeeze %dma_wait3A_1422 : memref<1x32x128xf32, #tpu.memory_space<vmem>> -> memref<32x128xf32, #tpu.memory_space<vmem>>
      %dma_wait3A_1424 = arith.constant 0 : i32
      %dma_wait3A_1425 = tpu.memref_slice %arg7[%dma_wait3A_1424, %multiple_of3A_1109] : memref<32x1000000xf32, #tpu.memory_space<hbm>> -> memref<32x128xf32, #tpu.memory_space<hbm>>
      %dma_wait3A_1426 = arith.constant 0 : i32
      %dma_wait3A_1427 = arith.constant 0 : i32
      %dma_wait3A_1428 = tpu.memref_slice %arg12[%dma_wait3A_1419, %dma_wait3A_1426, %dma_wait3A_1427] : memref<8x32x128xf32, #tpu.memory_space<vmem>> -> memref<1x32x128xf32, #tpu.memory_space<vmem>>
      %dma_wait3A_1429 = tpu.memref_squeeze %dma_wait3A_1428 : memref<1x32x128xf32, #tpu.memory_space<vmem>> -> memref<32x128xf32, #tpu.memory_space<vmem>>
      %dma_wait3A_1430 = arith.constant 0 : i32
      %dma_wait3A_1431 = tpu.memref_slice %arg7[%dma_wait3A_1430, %multiple_of3A_1109] : memref<32x1000000xf32, #tpu.memory_space<hbm>> -> memref<32x128xf32, #tpu.memory_space<hbm>>
      tpu.wait_dma2 semaphore(%arg17 : memref<!tpu.dma_semaphore, #tpu.memory_space<semaphore_mem>>) src(%dma_wait3A_1431 : memref<32x128xf32, #tpu.memory_space<hbm>>) dst(%dma_wait3A_1429 : memref<32x128xf32, #tpu.memory_space<vmem>>)
      %dma_wait3A_1432 = arith.constant 6 : i32
      %dma_wait3A_1433 = arith.constant 0 : i32
      %dma_wait3A_1434 = arith.constant 0 : i32
      %dma_wait3A_1435 = tpu.memref_slice %arg11[%dma_wait3A_1432, %dma_wait3A_1433, %dma_wait3A_1434] : memref<8x32x128xf32, #tpu.memory_space<vmem>> -> memref<1x32x128xf32, #tpu.memory_space<vmem>>
      %dma_wait3A_1436 = tpu.memref_squeeze %dma_wait3A_1435 : memref<1x32x128xf32, #tpu.memory_space<vmem>> -> memref<32x128xf32, #tpu.memory_space<vmem>>
      %dma_wait3A_1437 = arith.constant 0 : i32
      %dma_wait3A_1438 = tpu.memref_slice %arg6[%dma_wait3A_1437, %multiple_of3A_1138] : memref<32x1000000xf32, #tpu.memory_space<hbm>> -> memref<32x128xf32, #tpu.memory_space<hbm>>
      %dma_wait3A_1439 = arith.constant 0 : i32
      %dma_wait3A_1440 = arith.constant 0 : i32
      %dma_wait3A_1441 = tpu.memref_slice %arg11[%dma_wait3A_1432, %dma_wait3A_1439, %dma_wait3A_1440] : memref<8x32x128xf32, #tpu.memory_space<vmem>> -> memref<1x32x128xf32, #tpu.memory_space<vmem>>
      %dma_wait3A_1442 = tpu.memref_squeeze %dma_wait3A_1441 : memref<1x32x128xf32, #tpu.memory_space<vmem>> -> memref<32x128xf32, #tpu.memory_space<vmem>>
      %dma_wait3A_1443 = arith.constant 0 : i32
      %dma_wait3A_1444 = tpu.memref_slice %arg6[%dma_wait3A_1443, %multiple_of3A_1138] : memref<32x1000000xf32, #tpu.memory_space<hbm>> -> memref<32x128xf32, #tpu.memory_space<hbm>>
      tpu.wait_dma2 semaphore(%arg17 : memref<!tpu.dma_semaphore, #tpu.memory_space<semaphore_mem>>) src(%dma_wait3A_1444 : memref<32x128xf32, #tpu.memory_space<hbm>>) dst(%dma_wait3A_1442 : memref<32x128xf32, #tpu.memory_space<vmem>>)
      %dma_wait3A_1445 = arith.constant 6 : i32
      %dma_wait3A_1446 = arith.constant 0 : i32
      %dma_wait3A_1447 = arith.constant 0 : i32
      %dma_wait3A_1448 = tpu.memref_slice %arg12[%dma_wait3A_1445, %dma_wait3A_1446, %dma_wait3A_1447] : memref<8x32x128xf32, #tpu.memory_space<vmem>> -> memref<1x32x128xf32, #tpu.memory_space<vmem>>
      %dma_wait3A_1449 = tpu.memref_squeeze %dma_wait3A_1448 : memref<1x32x128xf32, #tpu.memory_space<vmem>> -> memref<32x128xf32, #tpu.memory_space<vmem>>
      %dma_wait3A_1450 = arith.constant 0 : i32
      %dma_wait3A_1451 = tpu.memref_slice %arg7[%dma_wait3A_1450, %multiple_of3A_1141] : memref<32x1000000xf32, #tpu.memory_space<hbm>> -> memref<32x128xf32, #tpu.memory_space<hbm>>
      %dma_wait3A_1452 = arith.constant 0 : i32
      %dma_wait3A_1453 = arith.constant 0 : i32
      %dma_wait3A_1454 = tpu.memref_slice %arg12[%dma_wait3A_1445, %dma_wait3A_1452, %dma_wait3A_1453] : memref<8x32x128xf32, #tpu.memory_space<vmem>> -> memref<1x32x128xf32, #tpu.memory_space<vmem>>
      %dma_wait3A_1455 = tpu.memref_squeeze %dma_wait3A_1454 : memref<1x32x128xf32, #tpu.memory_space<vmem>> -> memref<32x128xf32, #tpu.memory_space<vmem>>
      %dma_wait3A_1456 = arith.constant 0 : i32
      %dma_wait3A_1457 = tpu.memref_slice %arg7[%dma_wait3A_1456, %multiple_of3A_1141] : memref<32x1000000xf32, #tpu.memory_space<hbm>> -> memref<32x128xf32, #tpu.memory_space<hbm>>
      tpu.wait_dma2 semaphore(%arg17 : memref<!tpu.dma_semaphore, #tpu.memory_space<semaphore_mem>>) src(%dma_wait3A_1457 : memref<32x128xf32, #tpu.memory_space<hbm>>) dst(%dma_wait3A_1455 : memref<32x128xf32, #tpu.memory_space<vmem>>)
      %dma_wait3A_1458 = arith.constant 7 : i32
      %dma_wait3A_1459 = arith.constant 0 : i32
      %dma_wait3A_1460 = arith.constant 0 : i32
      %dma_wait3A_1461 = tpu.memref_slice %arg11[%dma_wait3A_1458, %dma_wait3A_1459, %dma_wait3A_1460] : memref<8x32x128xf32, #tpu.memory_space<vmem>> -> memref<1x32x128xf32, #tpu.memory_space<vmem>>
      %dma_wait3A_1462 = tpu.memref_squeeze %dma_wait3A_1461 : memref<1x32x128xf32, #tpu.memory_space<vmem>> -> memref<32x128xf32, #tpu.memory_space<vmem>>
      %dma_wait3A_1463 = arith.constant 0 : i32
      %dma_wait3A_1464 = tpu.memref_slice %arg6[%dma_wait3A_1463, %multiple_of3A_1170] : memref<32x1000000xf32, #tpu.memory_space<hbm>> -> memref<32x128xf32, #tpu.memory_space<hbm>>
      %dma_wait3A_1465 = arith.constant 0 : i32
      %dma_wait3A_1466 = arith.constant 0 : i32
      %dma_wait3A_1467 = tpu.memref_slice %arg11[%dma_wait3A_1458, %dma_wait3A_1465, %dma_wait3A_1466] : memref<8x32x128xf32, #tpu.memory_space<vmem>> -> memref<1x32x128xf32, #tpu.memory_space<vmem>>
      %dma_wait3A_1468 = tpu.memref_squeeze %dma_wait3A_1467 : memref<1x32x128xf32, #tpu.memory_space<vmem>> -> memref<32x128xf32, #tpu.memory_space<vmem>>
      %dma_wait3A_1469 = arith.constant 0 : i32
      %dma_wait3A_1470 = tpu.memref_slice %arg6[%dma_wait3A_1469, %multiple_of3A_1170] : memref<32x1000000xf32, #tpu.memory_space<hbm>> -> memref<32x128xf32, #tpu.memory_space<hbm>>
      tpu.wait_dma2 semaphore(%arg17 : memref<!tpu.dma_semaphore, #tpu.memory_space<semaphore_mem>>) src(%dma_wait3A_1470 : memref<32x128xf32, #tpu.memory_space<hbm>>) dst(%dma_wait3A_1468 : memref<32x128xf32, #tpu.memory_space<vmem>>)
      %dma_wait3A_1471 = arith.constant 7 : i32
      %dma_wait3A_1472 = arith.constant 0 : i32
      %dma_wait3A_1473 = arith.constant 0 : i32
      %dma_wait3A_1474 = tpu.memref_slice %arg12[%dma_wait3A_1471, %dma_wait3A_1472, %dma_wait3A_1473] : memref<8x32x128xf32, #tpu.memory_space<vmem>> -> memref<1x32x128xf32, #tpu.memory_space<vmem>>
      %dma_wait3A_1475 = tpu.memref_squeeze %dma_wait3A_1474 : memref<1x32x128xf32, #tpu.memory_space<vmem>> -> memref<32x128xf32, #tpu.memory_space<vmem>>
      %dma_wait3A_1476 = arith.constant 0 : i32
      %dma_wait3A_1477 = tpu.memref_slice %arg7[%dma_wait3A_1476, %multiple_of3A_1173] : memref<32x1000000xf32, #tpu.memory_space<hbm>> -> memref<32x128xf32, #tpu.memory_space<hbm>>
      %dma_wait3A_1478 = arith.constant 0 : i32
      %dma_wait3A_1479 = arith.constant 0 : i32
      %dma_wait3A_1480 = tpu.memref_slice %arg12[%dma_wait3A_1471, %dma_wait3A_1478, %dma_wait3A_1479] : memref<8x32x128xf32, #tpu.memory_space<vmem>> -> memref<1x32x128xf32, #tpu.memory_space<vmem>>
      %dma_wait3A_1481 = tpu.memref_squeeze %dma_wait3A_1480 : memref<1x32x128xf32, #tpu.memory_space<vmem>> -> memref<32x128xf32, #tpu.memory_space<vmem>>
      %dma_wait3A_1482 = arith.constant 0 : i32
      %dma_wait3A_1483 = tpu.memref_slice %arg7[%dma_wait3A_1482, %multiple_of3A_1173] : memref<32x1000000xf32, #tpu.memory_space<hbm>> -> memref<32x128xf32, #tpu.memory_space<hbm>>
      tpu.wait_dma2 semaphore(%arg17 : memref<!tpu.dma_semaphore, #tpu.memory_space<semaphore_mem>>) src(%dma_wait3A_1483 : memref<32x128xf32, #tpu.memory_space<hbm>>) dst(%dma_wait3A_1481 : memref<32x128xf32, #tpu.memory_space<vmem>>)
      %broadcast_in_dim3A_1484 = arith.constant 4 : i32
      %broadcast_in_dim3A_1485 = vector.broadcast %broadcast_in_dim3A_1484 : i32 to vector<16xi32>
      %slice3A_1486 = vector.extract_strided_slice %and3A_28 {offsets = [12], sizes = [1], strides = [1]} : vector<16xi32> to vector<1xi32>
      %squeeze3A_1487 = vector.extract %slice3A_1486[0] : i32 from vector<1xi32>
      %broadcast_in_dim3A_1488 = vector.broadcast %squeeze3A_1487 : i32 to vector<16xi32>
      %slice3A_1489 = vector.extract_strided_slice %and3A_31 {offsets = [12], sizes = [1], strides = [1]} : vector<16xi32> to vector<1xi32>
      %squeeze3A_1490 = vector.extract %slice3A_1489[0] : i32 from vector<1xi32>
      %broadcast_in_dim3A_1491 = vector.broadcast %squeeze3A_1490 : i32 to vector<16xi32>
      %mul3A_1492 = arith.constant 16 : i32
      %mul3A_1493 = arith.muli %scan3A_10, %mul3A_1492 : i32
      %add3A_1494 = arith.constant 12 : i32
      %add3A_1495 = arith.addi %mul3A_1493, %add3A_1494 : i32
      %broadcast_in_dim3A_1496 = vector.broadcast %add3A_1495 : i32 to vector<16xi32>
      %gather3A_1497 = tpu.vector_load_idx %arg11[%broadcast_in_dim3A_1485, %iota3A, %broadcast_in_dim3A_1488] : memref<8x32x128xf32, #tpu.memory_space<vmem>>[vector<16xi32>, vector<16xi32>, vector<16xi32>], vector<16xf32>,
      %gather3A_1498 = tpu.vector_load_idx %arg11[%broadcast_in_dim3A_1485, %add3A_5, %broadcast_in_dim3A_1488] : memref<8x32x128xf32, #tpu.memory_space<vmem>>[vector<16xi32>, vector<16xi32>, vector<16xi32>], vector<16xf32>,
      %gather3A_1499 = tpu.vector_load_idx %arg12[%broadcast_in_dim3A_1485, %iota3A, %broadcast_in_dim3A_1491] : memref<8x32x128xf32, #tpu.memory_space<vmem>>[vector<16xi32>, vector<16xi32>, vector<16xi32>], vector<16xf32>,
      %gather3A_1500 = tpu.vector_load_idx %arg12[%broadcast_in_dim3A_1485, %add3A_5, %broadcast_in_dim3A_1491] : memref<8x32x128xf32, #tpu.memory_space<vmem>>[vector<16xi32>, vector<16xi32>, vector<16xi32>], vector<16xf32>,
      %mul3A_1501 = arith.mulf %gather3A_1497, %gather3A_1499 : vector<16xf32>
      tpu.vector_store_idx %arg15[%iota3A, %broadcast_in_dim3A_1496], %mul3A_1501 : memref<48x512xf32, #tpu.memory_space<vmem>>[vector<16xi32>, vector<16xi32>], vector<16xf32>,
      %mul3A_1502 = arith.mulf %gather3A_1498, %gather3A_1500 : vector<16xf32>
      tpu.vector_store_idx %arg15[%add3A_5, %broadcast_in_dim3A_1496], %mul3A_1502 : memref<48x512xf32, #tpu.memory_space<vmem>>[vector<16xi32>, vector<16xi32>], vector<16xf32>,
      %broadcast_in_dim3A_1503 = arith.constant 5 : i32
      %broadcast_in_dim3A_1504 = vector.broadcast %broadcast_in_dim3A_1503 : i32 to vector<16xi32>
      %slice3A_1505 = vector.extract_strided_slice %and3A_28 {offsets = [13], sizes = [1], strides = [1]} : vector<16xi32> to vector<1xi32>
      %squeeze3A_1506 = vector.extract %slice3A_1505[0] : i32 from vector<1xi32>
      %broadcast_in_dim3A_1507 = vector.broadcast %squeeze3A_1506 : i32 to vector<16xi32>
      %slice3A_1508 = vector.extract_strided_slice %and3A_31 {offsets = [13], sizes = [1], strides = [1]} : vector<16xi32> to vector<1xi32>
      %squeeze3A_1509 = vector.extract %slice3A_1508[0] : i32 from vector<1xi32>
      %broadcast_in_dim3A_1510 = vector.broadcast %squeeze3A_1509 : i32 to vector<16xi32>
      %mul3A_1511 = arith.constant 16 : i32
      %mul3A_1512 = arith.muli %scan3A_10, %mul3A_1511 : i32
      %add3A_1513 = arith.constant 13 : i32
      %add3A_1514 = arith.addi %mul3A_1512, %add3A_1513 : i32
      %broadcast_in_dim3A_1515 = vector.broadcast %add3A_1514 : i32 to vector<16xi32>
      %gather3A_1516 = tpu.vector_load_idx %arg11[%broadcast_in_dim3A_1504, %iota3A, %broadcast_in_dim3A_1507] : memref<8x32x128xf32, #tpu.memory_space<vmem>>[vector<16xi32>, vector<16xi32>, vector<16xi32>], vector<16xf32>,
      %gather3A_1517 = tpu.vector_load_idx %arg11[%broadcast_in_dim3A_1504, %add3A_5, %broadcast_in_dim3A_1507] : memref<8x32x128xf32, #tpu.memory_space<vmem>>[vector<16xi32>, vector<16xi32>, vector<16xi32>], vector<16xf32>,
      %gather3A_1518 = tpu.vector_load_idx %arg12[%broadcast_in_dim3A_1504, %iota3A, %broadcast_in_dim3A_1510] : memref<8x32x128xf32, #tpu.memory_space<vmem>>[vector<16xi32>, vector<16xi32>, vector<16xi32>], vector<16xf32>,
      %gather3A_1519 = tpu.vector_load_idx %arg12[%broadcast_in_dim3A_1504, %add3A_5, %broadcast_in_dim3A_1510] : memref<8x32x128xf32, #tpu.memory_space<vmem>>[vector<16xi32>, vector<16xi32>, vector<16xi32>], vector<16xf32>,
      %mul3A_1520 = arith.mulf %gather3A_1516, %gather3A_1518 : vector<16xf32>
      tpu.vector_store_idx %arg15[%iota3A, %broadcast_in_dim3A_1515], %mul3A_1520 : memref<48x512xf32, #tpu.memory_space<vmem>>[vector<16xi32>, vector<16xi32>], vector<16xf32>,
      %mul3A_1521 = arith.mulf %gather3A_1517, %gather3A_1519 : vector<16xf32>
      tpu.vector_store_idx %arg15[%add3A_5, %broadcast_in_dim3A_1515], %mul3A_1521 : memref<48x512xf32, #tpu.memory_space<vmem>>[vector<16xi32>, vector<16xi32>], vector<16xf32>,
      %broadcast_in_dim3A_1522 = arith.constant 6 : i32
      %broadcast_in_dim3A_1523 = vector.broadcast %broadcast_in_dim3A_1522 : i32 to vector<16xi32>
      %slice3A_1524 = vector.extract_strided_slice %and3A_28 {offsets = [14], sizes = [1], strides = [1]} : vector<16xi32> to vector<1xi32>
      %squeeze3A_1525 = vector.extract %slice3A_1524[0] : i32 from vector<1xi32>
      %broadcast_in_dim3A_1526 = vector.broadcast %squeeze3A_1525 : i32 to vector<16xi32>
      %slice3A_1527 = vector.extract_strided_slice %and3A_31 {offsets = [14], sizes = [1], strides = [1]} : vector<16xi32> to vector<1xi32>
      %squeeze3A_1528 = vector.extract %slice3A_1527[0] : i32 from vector<1xi32>
      %broadcast_in_dim3A_1529 = vector.broadcast %squeeze3A_1528 : i32 to vector<16xi32>
      %mul3A_1530 = arith.constant 16 : i32
      %mul3A_1531 = arith.muli %scan3A_10, %mul3A_1530 : i32
      %add3A_1532 = arith.constant 14 : i32
      %add3A_1533 = arith.addi %mul3A_1531, %add3A_1532 : i32
      %broadcast_in_dim3A_1534 = vector.broadcast %add3A_1533 : i32 to vector<16xi32>
      %gather3A_1535 = tpu.vector_load_idx %arg11[%broadcast_in_dim3A_1523, %iota3A, %broadcast_in_dim3A_1526] : memref<8x32x128xf32, #tpu.memory_space<vmem>>[vector<16xi32>, vector<16xi32>, vector<16xi32>], vector<16xf32>,
      %gather3A_1536 = tpu.vector_load_idx %arg11[%broadcast_in_dim3A_1523, %add3A_5, %broadcast_in_dim3A_1526] : memref<8x32x128xf32, #tpu.memory_space<vmem>>[vector<16xi32>, vector<16xi32>, vector<16xi32>], vector<16xf32>,
      %gather3A_1537 = tpu.vector_load_idx %arg12[%broadcast_in_dim3A_1523, %iota3A, %broadcast_in_dim3A_1529] : memref<8x32x128xf32, #tpu.memory_space<vmem>>[vector<16xi32>, vector<16xi32>, vector<16xi32>], vector<16xf32>,
      %gather3A_1538 = tpu.vector_load_idx %arg12[%broadcast_in_dim3A_1523, %add3A_5, %broadcast_in_dim3A_1529] : memref<8x32x128xf32, #tpu.memory_space<vmem>>[vector<16xi32>, vector<16xi32>, vector<16xi32>], vector<16xf32>,
      %mul3A_1539 = arith.mulf %gather3A_1535, %gather3A_1537 : vector<16xf32>
      tpu.vector_store_idx %arg15[%iota3A, %broadcast_in_dim3A_1534], %mul3A_1539 : memref<48x512xf32, #tpu.memory_space<vmem>>[vector<16xi32>, vector<16xi32>], vector<16xf32>,
      %mul3A_1540 = arith.mulf %gather3A_1536, %gather3A_1538 : vector<16xf32>
      tpu.vector_store_idx %arg15[%add3A_5, %broadcast_in_dim3A_1534], %mul3A_1540 : memref<48x512xf32, #tpu.memory_space<vmem>>[vector<16xi32>, vector<16xi32>], vector<16xf32>,
      %broadcast_in_dim3A_1541 = arith.constant 7 : i32
      %broadcast_in_dim3A_1542 = vector.broadcast %broadcast_in_dim3A_1541 : i32 to vector<16xi32>
      %slice3A_1543 = vector.extract_strided_slice %and3A_28 {offsets = [15], sizes = [1], strides = [1]} : vector<16xi32> to vector<1xi32>
      %squeeze3A_1544 = vector.extract %slice3A_1543[0] : i32 from vector<1xi32>
      %broadcast_in_dim3A_1545 = vector.broadcast %squeeze3A_1544 : i32 to vector<16xi32>
      %slice3A_1546 = vector.extract_strided_slice %and3A_31 {offsets = [15], sizes = [1], strides = [1]} : vector<16xi32> to vector<1xi32>
      %squeeze3A_1547 = vector.extract %slice3A_1546[0] : i32 from vector<1xi32>
      %broadcast_in_dim3A_1548 = vector.broadcast %squeeze3A_1547 : i32 to vector<16xi32>
      %mul3A_1549 = arith.constant 16 : i32
      %mul3A_1550 = arith.muli %scan3A_10, %mul3A_1549 : i32
      %add3A_1551 = arith.constant 15 : i32
      %add3A_1552 = arith.addi %mul3A_1550, %add3A_1551 : i32
      %broadcast_in_dim3A_1553 = vector.broadcast %add3A_1552 : i32 to vector<16xi32>
      %gather3A_1554 = tpu.vector_load_idx %arg11[%broadcast_in_dim3A_1542, %iota3A, %broadcast_in_dim3A_1545] : memref<8x32x128xf32, #tpu.memory_space<vmem>>[vector<16xi32>, vector<16xi32>, vector<16xi32>], vector<16xf32>,
      %gather3A_1555 = tpu.vector_load_idx %arg11[%broadcast_in_dim3A_1542, %add3A_5, %broadcast_in_dim3A_1545] : memref<8x32x128xf32, #tpu.memory_space<vmem>>[vector<16xi32>, vector<16xi32>, vector<16xi32>], vector<16xf32>,
      %gather3A_1556 = tpu.vector_load_idx %arg12[%broadcast_in_dim3A_1542, %iota3A, %broadcast_in_dim3A_1548] : memref<8x32x128xf32, #tpu.memory_space<vmem>>[vector<16xi32>, vector<16xi32>, vector<16xi32>], vector<16xf32>,
      %gather3A_1557 = tpu.vector_load_idx %arg12[%broadcast_in_dim3A_1542, %add3A_5, %broadcast_in_dim3A_1548] : memref<8x32x128xf32, #tpu.memory_space<vmem>>[vector<16xi32>, vector<16xi32>, vector<16xi32>], vector<16xf32>,
      %mul3A_1558 = arith.mulf %gather3A_1554, %gather3A_1556 : vector<16xf32>
      tpu.vector_store_idx %arg15[%iota3A, %broadcast_in_dim3A_1553], %mul3A_1558 : memref<48x512xf32, #tpu.memory_space<vmem>>[vector<16xi32>, vector<16xi32>], vector<16xf32>,
      %mul3A_1559 = arith.mulf %gather3A_1555, %gather3A_1557 : vector<16xf32>
      tpu.vector_store_idx %arg15[%add3A_5, %broadcast_in_dim3A_1553], %mul3A_1559 : memref<48x512xf32, #tpu.memory_space<vmem>>[vector<16xi32>, vector<16xi32>], vector<16xf32>,
    }
    %scan3A_9 = arith.constant 32 : i32
    "tpu.region"() ({
      %run_scoped3A = tpu.sem_alloc : memref<!tpu.dma_semaphore, #tpu.memory_space<semaphore_mem>>
      %dma_start3A = arith.constant 0 : i32
      %dma_start3A_10 = tpu.memref_slice %arg8[%dma_start3A, %mul3A_2] : memref<48x16384xf32, #tpu.memory_space<hbm>> -> memref<48x512xf32, #tpu.memory_space<hbm>>
      %dma_start3A_11 = arith.constant 0 : i32
      %dma_start3A_12 = tpu.memref_slice %arg8[%dma_start3A_11, %mul3A_2] : memref<48x16384xf32, #tpu.memory_space<hbm>> -> memref<48x512xf32, #tpu.memory_space<hbm>>
      tpu.enqueue_dma source(%arg15 : memref<48x512xf32, #tpu.memory_space<vmem>>) target(%dma_start3A_12 : memref<48x512xf32, #tpu.memory_space<hbm>>) target_semaphore(%run_scoped3A : memref<!tpu.dma_semaphore, #tpu.memory_space<semaphore_mem>>)
      %dma_wait3A = arith.constant 0 : i32
      %dma_wait3A_13 = tpu.memref_slice %arg8[%dma_wait3A, %mul3A_2] : memref<48x16384xf32, #tpu.memory_space<hbm>> -> memref<48x512xf32, #tpu.memory_space<hbm>>
      %dma_wait3A_14 = arith.constant 0 : i32
      %dma_wait3A_15 = tpu.memref_slice %arg8[%dma_wait3A_14, %mul3A_2] : memref<48x16384xf32, #tpu.memory_space<hbm>> -> memref<48x512xf32, #tpu.memory_space<hbm>>
      tpu.wait_dma2 semaphore(%run_scoped3A : memref<!tpu.dma_semaphore, #tpu.memory_space<semaphore_mem>>) src(%arg15 : memref<48x512xf32, #tpu.memory_space<vmem>>) dst(%dma_wait3A_15 : memref<48x512xf32, #tpu.memory_space<hbm>>)
      tpu.yield
    }) : () -> ()
    return
  }
}

</mosaic_0001>

<sc_bundles>
// kernel: kernel.3.cloned.1.call-start
scs
__scs_entry_jumppad:
0x0: {  	(pc) =	sbr.rel $0x88, $3  }
0x1: {  	(tag) =	ssettag $0x0;
	lr =	simm.s32 $0x1  }
0x2: {  	[smem:$0x3F9B] =	sst lr;
	_ =	strace $0xD0000000  }
0x3: {  	_ = 	snop  }
0x4: {  	_ = 	snop  }
0x5: {  	_ = 	snop  }
0x6: {  	_ = 	snop  }
0x7: {  	_ = 	snop  }
__scs_overlays_trampoline_lowered:
0x8: {  	[smem:$0x3FAA] =	sst s0  }
0x9: {  	[smem:$0x3FAB] =	sst s1  }
0xa: {  	[smem:$0x3FAC] =	sst s2  }
0xb: {  	[smem:$0x3FAD] =	sst s3  }
0xc: {  	[smem:$0x3FAE] =	sst s4  }
0xd: {  	[smem:$0x3FAF] =	sst s5  }
0xe: {  	[smem:$0x3FB0] =	sst s6  }
0xf: {  	[smem:$0x3FB1] =	sst s7  }
0x10: {  	[smem:$0x3FB2] =	sst s8  }
0x11: {  	[smem:$0x3FB3] =	sst s9;
	s0 =	simm.s32 @!p0 $0x0  }
0x12: {  	s1 =	sld [smem:$0x3F99];
	s0 =	simm.s32 @p0 $0x1  }
0x13: {  	[smem:$0x3FB4] =	sst s0;
	s0 =	simm.s32 @!p1 $0x0  }
0x14: {  	s2 =	sld [smem:$0x3F98];
	s0 =	simm.s32 @p1 $0x1  }
0x15: {  	[smem:$0x3FB5] =	sst s0;
	s0 =	simm.s32 @!p2 $0x0  }
0x16: {  	s3 =	sld [smem:$0x3FDB];
	s0 =	simm.s32 @p2 $0x1  }
0x17: {  	s4 =	simm.s32 $0x1BF5;
	[smem:$0x3FB7] =	sst s0  }
0x18: {  	s0 =	sld [smem:$0x3F9A];
	_ =	swait.ge [sflag:s4], $0x0  }
0x19: {  	s7 =	sld [smem:$0x3F9B]  }
0x1a: {  	s8 =	sadd.s32 $0xFFFFE003, lr  }
0x1b: {  	s9 =	sadd.s32 $0xFFFFFEF7, lr;
	s5 =	simm.s32 $0xFFFFFFFF;
	p2 =	slt.u32 s8, $0xFFFFF086  }
0x1c: {  	p1 =	slt.u32 s9, $0xF7A;
	s5 =	simm.s32 @!p2 $0x0  }
0x1d: {  	s5 =	simm.s32 @p1 $0x1;
	p0 =	seq.s32 s7, s2  }
0x1e: {  	s7 =	smul.u32 @!p0 $0xF7A, s2;
	p2 =	seq.s32 @!p0 s5, $0x0  }
0x1f: {  	s9 =	smul.u32 $0xF7A, s1;
	s8 =	simm.s32 @!p0 $0x1BF5;
	p2 =	por !p2, p0  }
0x20: {  	[sflag:s8] =	ssyncset.s32 @!p0 $0xFFFFF086;
	s6 =	sadd.s32 @!p0 s3, s7;
	s7 =	simm.s32 @!p0 $0x108  }
0x21: {  	s3 =	sadd.s32 s3, s9;
	s6 =	sadd.s32 @!p0 $0x88, s6;
	s7 =	simm.s32 @p2 $0x1082  }
0x22: {  	[simem:s7], [sflag:s8] =	dma.local @!p0 [hbm:s6], $0xF7A  }
0x23: {  	s9 =	sor.u32 $0xD0000000, s2;
	s6 =	simm.s32 $0x108;
	_ =	swait.ge @!p0 [sflag:s8], $0x0  }
0x24: {  	s3 =	sadd.s32 $0x88, s3;
	s6 =	simm.s32 @!p1 $0x1082;
	[sflag:s4] =	ssyncset.s32 $0xFFFFF086  }
0x25: {  	[simem:s6], [sflag:s4] =	dma.local [hbm:s3], $0xF7A  }
0x26: {  	[smem:$0x3F9B] =	sst s1;
	(tag) =	ssettag s2;
	_ =	strace s9  }
0x27: {  	s1 =	sld [smem:$0x3FAB]  }
0x28: {  	s2 =	sld [smem:$0x3FAC]  }
0x29: {  	s4 =	sld [smem:$0x3FAE]  }
0x2a: {  	p0 =	seq.s32 s5, $0x0;
	s5 =	sld [smem:$0x3FAF]  }
0x2b: {  	s6 =	sld [smem:$0x3FB0]  }
0x2c: {  	s7 =	sld [smem:$0x3FB1]  }
0x2d: {  	s3 =	simm.s32 $0x108;
	s8 =	sld [smem:$0x3FB2]  }
0x2e: {  	s3 =	simm.s32 @!p0 $0x1082;
	s9 =	sld [smem:$0x3FB3]  }
0x2f: {  	lr =	sadd.s32 s0, s3;
	s0 =	sld [smem:$0x3FAA]  }
0x30: {  	s3 =	sld [smem:$0x3FAD]  }
0x31: {  	[smem:$0x3FB6] =	sst s10  }
0x32: {  	s10 =	sld [smem:$0x3FB4];
	_ =	sdelay $0x3  }
0x33: {  	p0 =	seq.s32 s10, $0x1;
	s10 =	sld [smem:$0x3FB6];
	_ =	sdelay $0x3  }
0x34: {  	[smem:$0x3FB6] =	sst s10  }
0x35: {  	s10 =	sld [smem:$0x3FB5];
	_ =	sdelay $0x3  }
0x36: {  	p1 =	seq.s32 s10, $0x1;
	s10 =	sld [smem:$0x3FB6];
	_ =	sdelay $0x3  }
0x37: {  	[smem:$0x3FB6] =	sst s10  }
0x38: {  	s10 =	sld [smem:$0x3FB7]  }
0x39: {  	_ = 	snop;
	(pc) =	sbr.ind lr, $3  }
0x3a: {  	_ = 	snop  }
0x3b: {  	_ = 	snop  }
0x3c: {  	p2 =	seq.s32 s10, $0x1;
	s10 =	sld [smem:$0x3FB6]  }
0x3d: {  	_ =	shalt  }
0x3e: {  	_ =	shalt  }
0x3f: {  	_ =	shalt  }
0x40: {  	_ =	shalt  }
0x41: {  	_ =	shalt  }
0x42: {  	_ =	shalt  }
0x43: {  	_ =	shalt  }
0x44: {  	_ =	shalt  }
0x45: {  	_ =	shalt  }
0x46: {  	_ =	shalt  }
0x47: {  	_ =	shalt  }
0x48: {  	_ =	shalt  }
0x49: {  	_ =	shalt  }
0x4a: {  	_ =	shalt  }
0x4b: {  	_ =	shalt  }
0x4c: {  	_ =	shalt  }
0x4d: {  	_ =	shalt  }
0x4e: {  	_ =	shalt  }
0x4f: {  	_ =	shalt  }
0x50: {  	_ =	shalt  }
0x51: {  	_ =	shalt  }
0x52: {  	_ =	shalt  }
0x53: {  	_ =	shalt  }
0x54: {  	_ =	shalt  }
0x55: {  	_ =	shalt  }
0x56: {  	_ =	shalt  }
0x57: {  	_ =	shalt  }
0x58: {  	_ =	shalt  }
0x59: {  	_ =	shalt  }
0x5a: {  	_ =	shalt  }
0x5b: {  	_ =	shalt  }
0x5c: {  	_ =	shalt  }
0x5d: {  	_ =	shalt  }
0x5e: {  	_ =	shalt  }
0x5f: {  	_ =	shalt  }
0x60: {  	_ =	shalt  }
0x61: {  	_ =	shalt  }
0x62: {  	_ =	shalt  }
0x63: {  	_ =	shalt  }
0x64: {  	_ =	shalt  }
0x65: {  	_ =	shalt  }
0x66: {  	_ =	shalt  }
0x67: {  	_ =	shalt  }
0x68: {  	_ =	shalt  }
0x69: {  	_ =	shalt  }
0x6a: {  	_ =	shalt  }
0x6b: {  	_ =	shalt  }
0x6c: {  	_ =	shalt  }
0x6d: {  	_ =	shalt  }
0x6e: {  	_ =	shalt  }
0x6f: {  	_ =	shalt  }
0x70: {  	_ =	shalt  }
0x71: {  	_ =	shalt  }
0x72: {  	_ =	shalt  }
0x73: {  	_ =	shalt  }
0x74: {  	_ =	shalt  }
0x75: {  	_ =	shalt  }
0x76: {  	_ =	shalt  }
0x77: {  	_ =	shalt  }
0x78: {  	_ =	shalt  }
0x79: {  	_ =	shalt  }
0x7a: {  	_ =	shalt  }
0x7b: {  	_ =	shalt  }
0x7c: {  	_ =	shalt  }
0x7d: {  	_ =	shalt  }
0x7e: {  	_ =	shalt  }
0x7f: {  	_ =	shalt  }
0x80: {  	_ =	shalt  }
0x81: {  	_ =	shalt  }
0x82: {  	_ =	shalt  }
0x83: {  	_ =	shalt  }
0x84: {  	_ =	shalt  }
0x85: {  	_ =	shalt  }
0x86: {  	_ =	shalt  }
0x87: {  	_ =	shalt  }
.Lfunc_end0:
.L_simem_size_0:
called_computation_lowered:
.L_overlay_start_0:
0x88: {  	s2 =	sld [smem:$0x3FD9]  }
0x89: {  	s3 =	sld [smem:$0x3FFE];
	_ =	sdelay $0x1  }
0x8a: {  	s1 =	srdreg.scid  }
0x8b: {  	s0 =	sand.u32 $0x1, s1  }
0x8c: {  	s18 =	sshll.u32 s0, $0xA;
	s2 =	sadd.s32 s3, s2  }
0x8d: {  	s2 =	sadd.s32 s2, s18  }
0x8e: {  	[smem:$0x3FC2] =	sst s2  }
0x8f: {  	_ = 	snop  }
0x90: {  	s2 =	sld [smem:$0x3FC9]  }
0x91: {  	s19 =	sld [smem:$0x3FC8]  }
0x92: {  	s4 =	sld [smem:$0x3FC7]  }
0x93: {  	s5 =	sld [smem:$0x3FC6]  }
0x94: {  	s6 =	sld [smem:$0x3FC5]  }
0x95: {  	s7 =	sld [smem:$0x3FC4]  }
0x96: {  	s8 =	sld [smem:$0x3FD0];
	(tm) =	ssettm $0x1  }
0x97: {  	s9 =	sld [smem:$0x3FFB];
	_ =	sdelay $0x3  }
0x98: {  	_ =	strace s9  }
0x99: {  	s9 =	sld [smem:$0x3FFC];
	_ =	sdelay $0x3  }
0x9a: {  	_ =	strace s9  }
0x9b: {  	s9 =	sld [smem:$0x3FFD];
	_ =	sdelay $0x3  }
0x9c: {  	_ =	strace s9  }
0x9d: {  	_ =	strace $0x8FFFFFFF  }
0x9e: {  	s20 =	sld [smem:$0x3FDB];
	_ =	sdelay $0x1  }
0x9f: {  	s10 =	simm.s32 $_scs_section_size  }
0xa0: {  	s11 =	simm.s32 $_size__tile_overlayer_lowered;
	s12 =	simm.s32 $_tile_overlayer_lowered  }
0xa1: {  	s23 =	simm.s32 $0x1BFF;
	s22 =	sshll.u32 s12, $0x1;
	s9 =	sadd.s32 s10, s20  }
0xa2: {  	s13 =	simm.s32 $0x0;
	s21 =	sshll.u32 s11, $0x1;
	s11 =	sadd.s32 s22, s9  }
0xa3: {  	[timem:s13], [sflag:s23] =	dma.local [hbm:s11], s21  }
0xa4: {  	_ =	swait.ge [sflag:s23], s21  }
0xa5: {  	s10 =	ssub.s32 $0x0, s21;
	[sflag:s23] =	ssyncset.done $0x0  }
0xa6: {  	[sflag:s23] =	ssyncadd.s32 s10;
	_ =	sdelay $0x1  }
0xa7: {  	s24 =	simm.s32 $0x1B8B  }
0xa8: {  	_ =	swait.ge [sflag:s24], $0x1  }
0xa9: {  	[sflag:s24] =	ssyncset.done $0x0  }
0xaa: {  	s25 =	simm.s32 $0x1B8E;
	[sflag:s24] =	ssyncadd.s32 $0xFFFFFFFF  }
0xab: {  	s26 =	simm.s32 $execute0_lowered;
	[smem:$0x3FD2] =	sst s25  }
0xac: {  	s10 =	sshll.u32 s26, $0x1;
	_ =	strace $0x80000046;
	[dreg:$0x1] =	wrdreg $0xFFFFFFFF  }
0xad: {  	s28 =	simm.s32 $_size_execute0_lowered;
	s9 =	sadd.s32 s9, s10;
	[dreg:$0x0] =	wrdreg $0x0  }
0xae: {  	s10 =	sshll.u32 s28, $0x1;
	[dreg:$0x2] =	wrdreg s9  }
0xaf: {  	[dreg:$0x3] =	wrdreg s10  }
0xb0: {  	[dreg:$0x4] =	wrdreg $0xC0  }
0xb1: {  	_ =	task [dreg:s13], $0x5FFFF  }
0xb2: {  	[dreg:$0x1] =	wrdreg $0xFFFFFFFF  }
0xb3: {  	[dreg:$0x0] =	wrdreg $0x60  }
0xb4: {  	[dreg:$0x2] =	wrdreg s2  }
0xb5: {  	[dreg:$0x3] =	wrdreg s19  }
0xb6: {  	[dreg:$0x4] =	wrdreg s4  }
0xb7: {  	[dreg:$0x5] =	wrdreg s5  }
0xb8: {  	[dreg:$0x6] =	wrdreg s6  }
0xb9: {  	[dreg:$0x7] =	wrdreg s7  }
0xba: {  	[dreg:$0x8] =	wrdreg s8  }
0xbb: {  	[dreg:$0x9] =	wrdreg $0x9  }
0xbc: {  	_ =	task.clear_ibuf [dreg:s13], $0xAFFFF;
	_ =	strace $0x90000046  }
0xbd: {  	s29 =	simm.s32 $0x9;
	_ =	strace $0x80000048  }
0xbe: {  	_ =	swait.ge [sflag:s29], $0x1  }
0xbf: {  	[sflag:s29] =	ssyncadd.s32 $0xFFFFFFFF  }
0xc0: {  	_ =	strace $0x90000048  }
0xc1: {  	_ =	sfence  }
0xc2: {  	s30 =	sld [smem:$0x0];
	_ =	sdelay $0x2  }
0xc3: {  	s31 =	sshll.u32 s1, $0xD;
	s1 =	sshrl.u32 s1, $0x2  }
0xc4: {  	s3 =	sand.u32 $0x4000, s31;
	s1 =	sadd.s32 s1, s30  }
0xc5: {  	s0 =	sor.u32 s3, s0;
	s1 =	sshll.u32 s1, $0x11  }
0xc6: {  	s0 =	sor.u32 s1, s0  }
0xc7: {  	s0 =	sadd.s32 $0x8F2B, s0  }
0xc8: {  	[sflag:s0] =	ssyncadd.remote.s32 $0x1  }
0xc9: {  	_ =	sfence.sel $0xFFFF  }
0xca: {  	[dreg:$0x0] =	wrdreg $0xFFFFFFFF;
	(pc) =	sbr.abs _section_cstart, $3  }
0xcb: {  	[dreg:$0x1] =	wrdreg $0xFFFFFFFF  }
0xcc: {  	_ =	task.clear_ibuf [dreg:s13], $0x2FFFF;
	_ =	strace $0x9FFFFFFF  }
0xcd: {  	(tm) =	ssettm $0x7FFFFFFF  }
tec
execute0_lowered:
.L_overlay_start_1:
0x0: {  	(tag) =	ssettag $0x1  }
0x1: {  	s0 =	rddreg [dreg:$0x0]  }
0x2: {  	s1 =	rddreg [dreg:$0x1]  }
0x3: {  	s2 =	rddreg [dreg:$0x2];
	v0 =	vlaneseq.u32  }
0x4: {  	s3 =	rddreg [dreg:$0x3];
	v1 =	vimm.s32 $0x1380;
	vm0 =	vcmask $0x300;
	vm1 =	vcmask $0x704  }
0x5: {  	s4 =	rddreg [dreg:$0x4];
	v2 =	vimm.s32 $0x3380;
	vm2 =	vcmask $0xB08;
	vm4 =	vcmask $0xF0C  }
0x6: {  	s18 =	rddreg [dreg:$0x5];
	vm5 =	vcmask $0x1310;
	vm6 =	vcmask $0x1714;
	vm7 =	vcmask $0x1B18  }
0x7: {  	s19 =	rddreg [dreg:$0x6];
	vm8 =	vcmask $0x1F1C;
	vm9 =	vcmask $0x2320;
	vm10 =	vcmask $0x2724  }
0x8: {  	s5 =	srdreg.scid;
	s6 =	stileid.u32;
	s8 =	simm.s32 $0x0;
	vm11 =	vcmask $0x2B28;
	vm12 =	vcmask $0x2F2C;
	vm13 =	vcmask $0x3330  }
0x9: {  	s10 =	simm.s32 $0x20000;
	s11 =	simm.s32 $0x3;
	s13 =	simm.s32 $0x7A1400;
	vm14 =	vcmask $0x3734;
	v1 =	vsel vm0, $0x0, v1;
	v2 =	vsel vm0, $0x2000, v2  }
0xa: {  	s15 =	simm.s32 $0x400;
	s16 =	simm.s32 $0x8400;
	s17 =	simm.s32 $0x1400;
	v0 =	vmul.u32 $0x80, v0;
	v1 =	vsel vm1, $0x80, v1;
	v2 =	vsel vm1, $0x2080, v2  }
0xb: {  	vm15 =	vcmask $0x3B38;
	s28 =	simm.s32 $0x6400;
	s29 =	simm.s32 $0xE400;
	s30 =	simm.s32 $0x7400;
	v1 =	vsel vm2, $0x100, v1;
	v2 =	vsel vm2, $0x2100, v2  }
0xc: {  	s31 =	simm.s32 $0xF400;
	s12 =	simm.s32 $0x2;
	[dreg:$0x8] =	wrdreg s4;
	v5 =	vor.u32 $0x1800, v0;
	v6 =	vor.u32 $0x2000, v0;
	v1 =	vsel vm4, $0x180, v1  }
0xd: {  	s14 =	simm.s32 $0x0;
	[dreg:$0x9] =	wrdreg s18;
	s5 =	sand.u32 $0x1, s5;
	v7 =	vor.u32 $0x2800, v0;
	v2 =	vsel vm4, $0x2180, v2;
	v1 =	vsel vm5, $0x200, v1  }
0xe: {  	s6 =	sshll.u32 s6, $0xA;
	[smem:$0x7FF] =	sst s8;
	s7 =	sshll.u32 s5, $0x9;
	v8 =	vor.u32 $0x3000, v0;
	v2 =	vsel vm5, $0x2200, v2;
	v1 =	vsel vm6, $0x280, v1  }
0xf: {  	s18 =	simm.s32 $0x9400;
	s5 =	ssub.s32 $0x2, s5;
	s6 =	sor.u32 s7, s6;
	v9 =	vor.u32 $0x3800, v0;
	v2 =	vsel vm6, $0x2280, v2;
	v1 =	vsel vm7, $0x300, v1  }
0x10: {  	_ =	strace $0x80000047;
	s20 =	sshrl.u32 s5, $0x1;
	v10 =	vor.u32 $0x4000, v0;
	s21 =	sshrl.u32 s6, $0x3;
	v2 =	vsel vm7, $0x2300, v2;
	v1 =	vsel vm8, $0x380, v1  }
0x11: {  	v11 =	vor.u32 $0x4800, v0;
	s5 =	ssub.s32 s5, s20;
	s23 =	sadd.s32 s2, s6;
	s24 =	sadd.s32 s3, s6;
	v2 =	vsel vm8, $0x2380, v2;
	v1 =	vsel vm9, $0x1000, v1  }
0x12: {  	v12 =	vor.u32 $0x5000, v0;
	s25 =	sadd.s32 s19, s6;
	s19 =	simm.s32 $0x2400;
	[dreg:$0xc] =	wrdreg s23;
	v2 =	vsel vm9, $0x3000, v2;
	v1 =	vsel vm10, $0x1080, v1  }
0x13: {  	v13 =	vor.u32 $0x5800, v0;
	s20 =	simm.s32 $0xA400;
	s0 =	sadd.s32 s0, s21;
	[dreg:$0xd] =	wrdreg s24;
	v2 =	vsel vm10, $0x3080, v2;
	v1 =	vsel vm11, $0x1100, v1  }
0x14: {  	v14 =	vor.u32 $0x6000, v0;
	s22 =	sadd.s32 s1, s21;
	[dreg:$0xe] =	wrdreg s25;
	s26 =	smax.u32 s5, $0x1;
	v2 =	vsel vm11, $0x3100, v2;
	v1 =	vsel vm12, $0x1180, v1  }
0x15: {  	v15 =	vor.u32 $0x6800, v0;
	s5 =	simm.s32 $0x1000;
	s21 =	simm.s32 $0x3400;
	[dreg:$0xa] =	wrdreg s0;
	v2 =	vsel vm12, $0x3180, v2;
	v1 =	vsel vm13, $0x1200, v1  }
0x16: {  	v16 =	vor.u32 $0x7000, v0;
	s23 =	simm.s32 $0x4400;
	s24 =	simm.s32 $0xC400;
	[dreg:$0xb] =	wrdreg s22;
	v4 =	vsel vm13, $0x3200, v2;
	v3 =	vsel vm14, $0x1280, v1  }
0x17: {  	v17 =	vor.u32 $0x7800, v0;
	s25 =	simm.s32 $0x5400;
	s1 =	simm.s32 $0x14400;
	[dreg:$0xf] =	wrdreg s26;
	v2 =	vsel vm15, $0x1300, v3;
	v3 =	vsel vm14, $0x3280, v4  }
0x18: {  	s22 =	simm.s32 $0xB400;
	s26 =	simm.s32 $0xD400;
	s0 =	simm.s32 $0x1;
	v1 =	vor.u32 $0x800, v0;
	v4 =	vor.u32 $0x1000, v0;
	v3 =	vsel vm15, $0x3300, v3  }
.LBB2_1:
0x19: {  	s3 =	simm.s32 $0x0;
	s2 =	rddreg [dreg:$0xa]  }
0x1a: {  	[tilespmem:s3], [sflag:$0x3] =	stream.linear.gather [hbm4b:s2+s3], $0x200, $0x38;
	[tilespmem:$0x1A400] =	vst v63  }
0x1b: {  	_ =	swait.ge [sflag:s11], $0x200  }
0x1c: {  	[sflag:s11] =	ssyncset.done $0x0  }
0x1d: {  	s2 =	simm.s32 $0x200;
	s4 =	rddreg [dreg:$0xb];
	[sflag:s11] =	ssyncadd.s32 $0xFFFFFE00  }
0x1e: {  	[tilespmem:s2], [sflag:$0x3] =	stream.linear.gather [hbm4b:s4+s3], $0x200, $0x38;
	[tilespmem:$0x1A400] =	vst v63  }
0x1f: {  	_ =	swait.ge [sflag:s11], $0x200  }
0x20: {  	[sflag:s11] =	ssyncset.done $0x0  }
0x21: {  	s7 =	simm.s32 $0x10400;
	s6 =	rddreg [dreg:$0xc];
	[sflag:s11] =	ssyncadd.s32 $0xFFFFFE00  }
0x22: {  	[tilespmem:s7], [sflag:$0x3] =	stream.strided.gather [hbm4b:s6+s5], $0x2000, s10, s5, $0x38;
	[tilespmem:$0x1A400] =	vst v63  }
0x23: {  	_ =	swait.ge [sflag:s11], $0x2000  }
0x24: {  	[sflag:s11] =	ssyncset.done $0x0  }
0x25: {  	s9 =	simm.s32 $0x12400;
	s8 =	rddreg [dreg:$0xd];
	[sflag:s11] =	ssyncadd.s32 $0xFFFFE000  }
0x26: {  	[tilespmem:s9], [sflag:$0x3] =	stream.strided.gather [hbm4b:s8+s5], $0x2000, s10, s5, $0x38;
	[tilespmem:$0x1A400] =	vst v63  }
0x27: {  	_ =	swait.ge [sflag:s11], $0x2000  }
0x28: {  	s3 =	simm.s32 $0x0;
	[sflag:s11] =	ssyncset.done $0x0  }
0x29: {  	s4 =	simm.s32 $0x0;
	s5 =	simm.s32 $0x0;
	[sflag:s11] =	ssyncadd.s32 $0xFFFFE000  }
.LBB2_2:
0x2a: {  	v18 =	vld [tilespmem:s3+$0x0];
	_ =	sdelay $0x1  }
0x2b: {  	v19 =	vld [tilespmem:s2+$0x0];
	_ =	sdelay $0x2  }
0x2c: {  	s6 =	rddreg [dreg:$0x8];
	v20 =	vand.u32 $0xFFFFFF80, v18  }
0x2d: {  	v20 =	vadd.s32 s6, v20  }
0x2e: {  	s7 =	rddreg [dreg:$0x9];
	v21 =	vand.u32 $0xFFFFFF80, v19;
	(v2sf) =	vpush v20, $0x0  }
0x2f: {  	v21 =	vadd.s32 s7, v21  }
0x30: {  	(v2sf) =	vpush v21, $0x0;
	_ =	sdelay $0x1  }
0x31: {  	(v2sf) =	vpush v20, $0x1;
	_ =	sdelay $0x1  }
0x32: {  	(v2sf) =	vpush v21, $0x1;
	_ =	sdelay $0x1  }
0x33: {  	(v2sf) =	vpush v20, $0x2;
	_ =	sdelay $0x1  }
0x34: {  	(v2sf) =	vpush v21, $0x2;
	_ =	sdelay $0x1  }
0x35: {  	(v2sf) =	vpush v20, $0x3;
	_ =	sdelay $0x1  }
0x36: {  	(v2sf) =	vpush v21, $0x3  }
0x37: {  	s9 =	spop (v2sf)  }
0x38: {  	(v2sf) =	vpush v20, $0x4;
	[tilespmem:s15], [sflag:$0x1] =	stream.strided.gather [hbm4b:s9+s15], $0x1000, s13, s15, $0x38;
	[tilespmem:$0x1A400] =	vst v63  }
0x39: {  	s7 =	spop (v2sf)  }
0x3a: {  	(v2sf) =	vpush v21, $0x4;
	[tilespmem:s16], [sflag:$0x1] =	stream.strided.gather [hbm4b:s7+s15], $0x1000, s13, s15, $0x38;
	[tilespmem:$0x1A400] =	vst v63  }
0x3b: {  	s8 =	spop (v2sf)  }
0x3c: {  	(v2sf) =	vpush v20, $0x5;
	[tilespmem:s17], [sflag:$0x1] =	stream.strided.gather [hbm4b:s8+s15], $0x1000, s13, s15, $0x38;
	[tilespmem:$0x1A400] =	vst v63  }
0x3d: {  	s9 =	spop (v2sf)  }
0x3e: {  	(v2sf) =	vpush v21, $0x5;
	[tilespmem:s18], [sflag:$0x1] =	stream.strided.gather [hbm4b:s9+s15], $0x1000, s13, s15, $0x38;
	[tilespmem:$0x1A400] =	vst v63  }
0x3f: {  	s7 =	spop (v2sf)  }
0x40: {  	(v2sf) =	vpush v20, $0x6;
	[tilespmem:s19], [sflag:$0x1] =	stream.strided.gather [hbm4b:s7+s15], $0x1000, s13, s15, $0x38;
	[tilespmem:$0x1A400] =	vst v63  }
0x41: {  	s8 =	spop (v2sf)  }
0x42: {  	(v2sf) =	vpush v21, $0x6;
	[tilespmem:s20], [sflag:$0x1] =	stream.strided.gather [hbm4b:s8+s15], $0x1000, s13, s15, $0x38;
	[tilespmem:$0x1A400] =	vst v63  }
0x43: {  	s9 =	spop (v2sf)  }
0x44: {  	(v2sf) =	vpush v20, $0x7;
	[tilespmem:s21], [sflag:$0x1] =	stream.strided.gather [hbm4b:s9+s15], $0x1000, s13, s15, $0x38;
	[tilespmem:$0x1A400] =	vst v63  }
0x45: {  	s7 =	spop (v2sf)  }
0x46: {  	[tilespmem:s22], [sflag:$0x1] =	stream.strided.gather [hbm4b:s7+s15], $0x1000, s13, s15, $0x38;
	[tilespmem:$0x1A400] =	vst v63  }
0x47: {  	(v2sf) =	vpush v21, $0x7;
	s8 =	spop (v2sf)  }
0x48: {  	[tilespmem:s23], [sflag:$0x2] =	stream.strided.gather [hbm4b:s8+s15], $0x1000, s13, s15, $0x38;
	[tilespmem:$0x1A400] =	vst v63  }
0x49: {  	s9 =	spop (v2sf)  }
0x4a: {  	[tilespmem:s24], [sflag:$0x2] =	stream.strided.gather [hbm4b:s9+s15], $0x1000, s13, s15, $0x38;
	[tilespmem:$0x1A400] =	vst v63  }
0x4b: {  	s7 =	spop (v2sf)  }
0x4c: {  	[tilespmem:s25], [sflag:$0x2] =	stream.strided.gather [hbm4b:s7+s15], $0x1000, s13, s15, $0x38;
	[tilespmem:$0x1A400] =	vst v63  }
0x4d: {  	s8 =	spop (v2sf)  }
0x4e: {  	[tilespmem:s26], [sflag:$0x2] =	stream.strided.gather [hbm4b:s8+s15], $0x1000, s13, s15, $0x38;
	[tilespmem:$0x1A400] =	vst v63  }
0x4f: {  	s9 =	spop (v2sf)  }
0x50: {  	[tilespmem:s28], [sflag:$0x2] =	stream.strided.gather [hbm4b:s9+s15], $0x1000, s13, s15, $0x38;
	[tilespmem:$0x1A400] =	vst v63  }
0x51: {  	s7 =	spop (v2sf)  }
0x52: {  	[tilespmem:s29], [sflag:$0x2] =	stream.strided.gather [hbm4b:s7+s15], $0x1000, s13, s15, $0x38;
	[tilespmem:$0x1A400] =	vst v63  }
0x53: {  	s8 =	spop (v2sf)  }
0x54: {  	[tilespmem:s30], [sflag:$0x2] =	stream.strided.gather [hbm4b:s8+s15], $0x1000, s13, s15, $0x38;
	[tilespmem:$0x1A400] =	vst v63  }
0x55: {  	s7 =	sand.u32 $0x70, s5;
	s8 =	sand.u32 $0xC00, s4  }
0x56: {  	s9 =	spop (v2sf);
	s6 =	sor.u32 s7, s8  }
0x57: {  	[tilespmem:s31], [sflag:$0x2] =	stream.strided.gather [hbm4b:s9+s15], $0x1000, s13, s15, $0x38;
	[tilespmem:$0x1A400] =	vst v63  }
0x58: {  	v22 =	vld [tilespmem:s6+$0x10400]  }
0x59: {  	v23 =	vld [tilespmem:s6+$0x12400]  }
0x5a: {  	v24 =	vld [tilespmem:s6+$0x10480]  }
0x5b: {  	v25 =	vld [tilespmem:s6+$0x12480]  }
0x5c: {  	v26 =	vld [tilespmem:s6+$0x10500]  }
0x5d: {  	v27 =	vld [tilespmem:s6+$0x12500];
	_ =	sdelay $0x1  }
0x5e: {  	v51 =	vld [tilespmem:s6+$0x10600]  }
0x5f: {  	v52 =	vld [tilespmem:s6+$0x12600];
	v22 =	vmul.f32 v23, v22  }
0x60: {  	v53 =	vld [tilespmem:s6+$0x10680];
	v49 =	vmul.f32 v25, v24  }
0x61: {  	s9 =	sand.u32 $0xFFFFFC00, s4;
	v54 =	vld [tilespmem:s6+$0x12680];
	v50 =	vmul.f32 v27, v26;
	[tilespmem:s6+$0x18400] =	vst v22  }
0x62: {  	s7 =	sadd.s32 s9, s5;
	v28 =	vld [tilespmem:s6+$0x10700];
	[tilespmem:s6+$0x18480] =	vst v49  }
0x63: {  	v29 =	vld [tilespmem:s6+$0x12700];
	s8 =	sor.u32 $0x180, s7;
	[tilespmem:s6+$0x18500] =	vst v50  }
0x64: {  	v22 =	vld [tilespmem:s8+$0x10400]  }
0x65: {  	v23 =	vld [tilespmem:s8+$0x12400];
	_ =	sdelay $0x1  }
0x66: {  	v58 =	vld [tilespmem:s6+$0x11400];
	v55 =	vmul.f32 v52, v51  }
0x67: {  	v59 =	vld [tilespmem:s6+$0x13400];
	v56 =	vmul.f32 v54, v53  }
0x68: {  	v60 =	vld [tilespmem:s6+$0x11480];
	v57 =	vmul.f32 v29, v28;
	[tilespmem:s6+$0x18600] =	vst v55  }
0x69: {  	v61 =	vld [tilespmem:s6+$0x13480];
	[tilespmem:s6+$0x18680] =	vst v56;
	v22 =	vmul.f32 v23, v22  }
0x6a: {  	v62 =	vld [tilespmem:s6+$0x11500];
	s8 =	sor.u32 s5, s4;
	[tilespmem:s6+$0x18700] =	vst v57  }
0x6b: {  	v63 =	vld [tilespmem:s6+$0x13500];
	s9 =	sor.u32 $0x380, s8;
	[tilespmem:s6+$0x18580] =	vst v22  }
0x6c: {  	v22 =	vld [tilespmem:s9+$0x10400]  }
0x6d: {  	v23 =	vld [tilespmem:s9+$0x12400];
	_ =	sdelay $0x1  }
0x6e: {  	v33 =	vld [tilespmem:s6+$0x11600];
	v30 =	vmul.f32 v59, v58  }
0x6f: {  	v34 =	vld [tilespmem:s6+$0x13600];
	v31 =	vmul.f32 v61, v60  }
0x70: {  	v35 =	vld [tilespmem:s6+$0x11680];
	v32 =	vmul.f32 v63, v62;
	[tilespmem:s6+$0x19400] =	vst v30  }
0x71: {  	v36 =	vld [tilespmem:s6+$0x13680];
	[tilespmem:s6+$0x19480] =	vst v31;
	v22 =	vmul.f32 v23, v22  }
0x72: {  	v37 =	vld [tilespmem:s6+$0x11700];
	[tilespmem:s6+$0x19500] =	vst v32  }
0x73: {  	v38 =	vld [tilespmem:s6+$0x13700];
	s7 =	sor.u32 $0x1180, s7;
	[tilespmem:s6+$0x18780] =	vst v22  }
0x74: {  	v22 =	vld [tilespmem:s7+$0x10400]  }
0x75: {  	v23 =	vld [tilespmem:s7+$0x12400];
	_ =	sdelay $0x1  }
0x76: {  	v39 =	vmul.f32 v34, v33  }
0x77: {  	v40 =	vmul.f32 v36, v35  }
0x78: {  	v41 =	vmul.f32 v38, v37;
	[tilespmem:s6+$0x19600] =	vst v39  }
0x79: {  	[tilespmem:s6+$0x19680] =	vst v40;
	v22 =	vmul.f32 v23, v22  }
0x7a: {  	[tilespmem:s6+$0x19700] =	vst v41  }
0x7b: {  	s8 =	sor.u32 $0x1380, s8;
	[tilespmem:s6+$0x19580] =	vst v22  }
0x7c: {  	v22 =	vld [tilespmem:s8+$0x10400]  }
0x7d: {  	v23 =	vld [tilespmem:s8+$0x12400];
	_ =	sdelay $0x4  }
0x7e: {  	v22 =	vmul.f32 v23, v22;
	_ =	sdelay $0x1  }
0x7f: {  	[tilespmem:s6+$0x19780] =	vst v22  }
0x80: {  	_ =	swait.ge [sflag:s0], $0x1000  }
0x81: {  	[sflag:s0] =	ssyncset.done $0x0  }
0x82: {  	[sflag:s0] =	ssyncadd.s32 $0xFFFFF000  }
0x83: {  	_ =	swait.ge [sflag:s0], $0x1000  }
0x84: {  	[sflag:s0] =	ssyncset.done $0x0  }
0x85: {  	[sflag:s0] =	ssyncadd.s32 $0xFFFFF000  }
0x86: {  	_ =	swait.ge [sflag:s0], $0x1000  }
0x87: {  	[sflag:s0] =	ssyncset.done $0x0  }
0x88: {  	[sflag:s0] =	ssyncadd.s32 $0xFFFFF000  }
0x89: {  	_ =	swait.ge [sflag:s0], $0x1000  }
0x8a: {  	[sflag:s0] =	ssyncset.done $0x0  }
0x8b: {  	[sflag:s0] =	ssyncadd.s32 $0xFFFFF000  }
0x8c: {  	_ =	swait.ge [sflag:s0], $0x1000  }
0x8d: {  	[sflag:s0] =	ssyncset.done $0x0  }
0x8e: {  	[sflag:s0] =	ssyncadd.s32 $0xFFFFF000  }
0x8f: {  	_ =	swait.ge [sflag:s0], $0x1000  }
0x90: {  	v18 =	vand.u32 $0x7F, v18;
	[sflag:s0] =	ssyncset.done $0x0  }
0x91: {  	v42 =	vbroadcast v18, $0x0;
	[sflag:s0] =	ssyncadd.s32 $0xFFFFF000  }
0x92: {  	v19 =	vand.u32 $0x7F, v19;
	_ =	swait.ge [sflag:s0], $0x1000  }
0x93: {  	v43 =	vbroadcast v19, $0x0;
	v44 =	vor.u32 v0, v42;
	[sflag:s0] =	ssyncset.done $0x0  }
0x94: {  	v22 =	vor.u32 v1, v42;
	[sflag:s0] =	ssyncadd.s32 $0xFFFFF000  }
0x95: {  	v45 =	vor.u32 v0, v43;
	_ =	swait.ge [sflag:s0], $0x1000  }
0x96: {  	v23 =	vor.u32 v1, v43;
	[sflag:s0] =	ssyncset.done $0x0  }
0x97: {  	[sflag:s0] =	ssyncadd.s32 $0xFFFFF000  }
0x98: {  	v46 =	vmov s5;
	v24 =	vld.idx.msk [tilespmem:v44+s15+$0x0], $0xffff  }
0x99: {  	v47 =	vshll.u32 v46, $0x3;
	v22 =	vld.idx.msk [tilespmem:v22+s15+$0x0], $0xffff  }
0x9a: {  	v26 =	vand.u32 $0x70, v46;
	v27 =	vand.u32 $0xC00, v47;
	v25 =	vld.idx.msk [tilespmem:v45+s16+$0x0], $0xffff  }
0x9b: {  	v26 =	vor.u32 v26, v27;
	v23 =	vld.idx.msk [tilespmem:v23+s16+$0x0], $0xffff  }
0x9c: {  	v48 =	vbroadcast v18, $0x1;
	v27 =	vor.u32 v2, v26  }
0x9d: {  	v26 =	vor.u32 v3, v26  }
0x9e: {  	v49 =	vbroadcast v19, $0x1;
	v30 =	vor.u32 v4, v48  }
0x9f: {  	v50 =	vor.u32 v5, v48;
	v24 =	vmul.f32 v25, v24  }
0xa0: {  	v51 =	vor.u32 v4, v49;
	v22 =	vmul.f32 v23, v22  }
0xa1: {  	v52 =	vor.u32 v5, v49;
	[tilespmem:v27+s1+$0x0] =	vst.idx.msk $0xffff, v24  }
0xa2: {  	s9 =	sadd.s32 $0x1, s5;
	[tilespmem:v26+s1+$0x0] =	vst.idx.msk $0xffff, v22  }
0xa3: {  	v53 =	vmov s9;
	v26 =	vld.idx.msk [tilespmem:v30+s15+$0x0], $0xffff  }
0xa4: {  	v54 =	vshll.u32 v53, $0x3;
	v25 =	vld.idx.msk [tilespmem:v50+s15+$0x0], $0xffff  }
0xa5: {  	v27 =	vand.u32 $0xC00, v54;
	v22 =	vand.u32 $0x71, v53;
	v23 =	vld.idx.msk [tilespmem:v51+s16+$0x0], $0xffff  }
0xa6: {  	v24 =	vld.idx.msk [tilespmem:v52+s16+$0x0], $0xffff;
	v22 =	vor.u32 v22, v27  }
0xa7: {  	v55 =	vbroadcast v18, $0x2;
	v27 =	vor.u32 v2, v22  }
0xa8: {  	v22 =	vor.u32 v3, v22  }
0xa9: {  	v56 =	vbroadcast v19, $0x2;
	v57 =	vor.u32 v6, v55  }
0xaa: {  	v58 =	vor.u32 v7, v55;
	v23 =	vmul.f32 v23, v26  }
0xab: {  	v59 =	vor.u32 v6, v56;
	v24 =	vmul.f32 v24, v25  }
0xac: {  	v60 =	vor.u32 v7, v56;
	[tilespmem:v27+s1+$0x0] =	vst.idx.msk $0xffff, v23  }
0xad: {  	s7 =	sadd.s32 $0x2, s5;
	[tilespmem:v22+s1+$0x0] =	vst.idx.msk $0xffff, v24  }
0xae: {  	v61 =	vmov s7;
	v24 =	vld.idx.msk [tilespmem:v57+s15+$0x0], $0xffff  }
0xaf: {  	v62 =	vshll.u32 v61, $0x3;
	v26 =	vld.idx.msk [tilespmem:v58+s15+$0x0], $0xffff  }
0xb0: {  	v27 =	vand.u32 $0xC00, v62;
	v22 =	vand.u32 $0x72, v61;
	v25 =	vld.idx.msk [tilespmem:v59+s16+$0x0], $0xffff  }
0xb1: {  	v23 =	vld.idx.msk [tilespmem:v60+s16+$0x0], $0xffff;
	v22 =	vor.u32 v22, v27  }
0xb2: {  	v63 =	vbroadcast v18, $0x3;
	v27 =	vor.u32 v2, v22  }
0xb3: {  	v22 =	vor.u32 v3, v22  }
0xb4: {  	v33 =	vbroadcast v19, $0x3;
	v34 =	vor.u32 v8, v63;
	(v2sf) =	vpush v20, $0x8  }
0xb5: {  	v35 =	vor.u32 v9, v63;
	v24 =	vmul.f32 v25, v24  }
0xb6: {  	v36 =	vor.u32 v8, v33;
	(v2sf) =	vpush v21, $0x8;
	v23 =	vmul.f32 v23, v26  }
0xb7: {  	v37 =	vor.u32 v9, v33;
	[tilespmem:v27+s1+$0x0] =	vst.idx.msk $0xffff, v24  }
0xb8: {  	s8 =	sadd.s32 $0x3, s5;
	(v2sf) =	vpush v20, $0x9;
	[tilespmem:v22+s1+$0x0] =	vst.idx.msk $0xffff, v23  }
0xb9: {  	v38 =	vmov s8;
	v23 =	vld.idx.msk [tilespmem:v34+s15+$0x0], $0xffff  }
0xba: {  	v39 =	vshll.u32 v38, $0x3;
	(v2sf) =	vpush v21, $0x9;
	v25 =	vld.idx.msk [tilespmem:v35+s15+$0x0], $0xffff  }
0xbb: {  	v27 =	vand.u32 $0xC00, v39;
	v22 =	vand.u32 $0x73, v38;
	v26 =	vld.idx.msk [tilespmem:v36+s16+$0x0], $0xffff  }
0xbc: {  	(v2sf) =	vpush v20, $0xA;
	v24 =	vld.idx.msk [tilespmem:v37+s16+$0x0], $0xffff;
	v22 =	vor.u32 v22, v27  }
0xbd: {  	v27 =	vor.u32 v2, v22  }
0xbe: {  	(v2sf) =	vpush v21, $0xA;
	v22 =	vor.u32 v3, v22;
	_ =	sdelay $0x1  }
0xbf: {  	(v2sf) =	vpush v20, $0xB;
	v23 =	vmul.f32 v26, v23  }
0xc0: {  	v24 =	vmul.f32 v24, v25  }
0xc1: {  	(v2sf) =	vpush v21, $0xB;
	[tilespmem:v27+s1+$0x0] =	vst.idx.msk $0xffff, v23  }
0xc2: {  	s9 =	spop (v2sf);
	[tilespmem:v22+s1+$0x0] =	vst.idx.msk $0xffff, v24  }
0xc3: {  	[tilespmem:s15], [sflag:$0x1] =	stream.strided.gather [hbm4b:s9+s15], $0x1000, s13, s15, $0x38;
	[tilespmem:$0x1A400] =	vst v63  }
0xc4: {  	s7 =	spop (v2sf)  }
0xc5: {  	[tilespmem:s16], [sflag:$0x1] =	stream.strided.gather [hbm4b:s7+s15], $0x1000, s13, s15, $0x38;
	[tilespmem:$0x1A400] =	vst v63  }
0xc6: {  	s8 =	spop (v2sf)  }
0xc7: {  	[tilespmem:s17], [sflag:$0x1] =	stream.strided.gather [hbm4b:s8+s15], $0x1000, s13, s15, $0x38;
	[tilespmem:$0x1A400] =	vst v63  }
0xc8: {  	s9 =	spop (v2sf)  }
0xc9: {  	[tilespmem:s18], [sflag:$0x1] =	stream.strided.gather [hbm4b:s9+s15], $0x1000, s13, s15, $0x38;
	[tilespmem:$0x1A400] =	vst v63  }
0xca: {  	s7 =	spop (v2sf)  }
0xcb: {  	[tilespmem:s19], [sflag:$0x1] =	stream.strided.gather [hbm4b:s7+s15], $0x1000, s13, s15, $0x38;
	[tilespmem:$0x1A400] =	vst v63  }
0xcc: {  	s8 =	spop (v2sf)  }
0xcd: {  	[tilespmem:s20], [sflag:$0x1] =	stream.strided.gather [hbm4b:s8+s15], $0x1000, s13, s15, $0x38;
	[tilespmem:$0x1A400] =	vst v63  }
0xce: {  	s9 =	spop (v2sf)  }
0xcf: {  	[tilespmem:s21], [sflag:$0x1] =	stream.strided.gather [hbm4b:s9+s15], $0x1000, s13, s15, $0x38;
	[tilespmem:$0x1A400] =	vst v63  }
0xd0: {  	s7 =	spop (v2sf)  }
0xd1: {  	[tilespmem:s22], [sflag:$0x1] =	stream.strided.gather [hbm4b:s7+s15], $0x1000, s13, s15, $0x38;
	[tilespmem:$0x1A400] =	vst v63  }
0xd2: {  	_ =	swait.ge [sflag:s12], $0x1000  }
0xd3: {  	[sflag:s12] =	ssyncset.done $0x0  }
0xd4: {  	[sflag:s12] =	ssyncadd.s32 $0xFFFFF000  }
0xd5: {  	_ =	swait.ge [sflag:s12], $0x1000  }
0xd6: {  	[sflag:s12] =	ssyncset.done $0x0  }
0xd7: {  	[sflag:s12] =	ssyncadd.s32 $0xFFFFF000  }
0xd8: {  	_ =	swait.ge [sflag:s12], $0x1000  }
0xd9: {  	[sflag:s12] =	ssyncset.done $0x0  }
0xda: {  	[sflag:s12] =	ssyncadd.s32 $0xFFFFF000  }
0xdb: {  	_ =	swait.ge [sflag:s12], $0x1000  }
0xdc: {  	[sflag:s12] =	ssyncset.done $0x0  }
0xdd: {  	[sflag:s12] =	ssyncadd.s32 $0xFFFFF000  }
0xde: {  	_ =	swait.ge [sflag:s12], $0x1000  }
0xdf: {  	[sflag:s12] =	ssyncset.done $0x0  }
0xe0: {  	[sflag:s12] =	ssyncadd.s32 $0xFFFFF000  }
0xe1: {  	_ =	swait.ge [sflag:s12], $0x1000  }
0xe2: {  	[sflag:s12] =	ssyncset.done $0x0  }
0xe3: {  	v40 =	vbroadcast v18, $0x4;
	[sflag:s12] =	ssyncadd.s32 $0xFFFFF000  }
0xe4: {  	_ =	swait.ge [sflag:s12], $0x1000  }
0xe5: {  	v41 =	vbroadcast v19, $0x4;
	v42 =	vor.u32 v10, v40;
	[sflag:s12] =	ssyncset.done $0x0  }
0xe6: {  	v22 =	vor.u32 v11, v40;
	[sflag:s12] =	ssyncadd.s32 $0xFFFFF000  }
0xe7: {  	v43 =	vor.u32 v10, v41;
	_ =	swait.ge [sflag:s12], $0x1000  }
0xe8: {  	v23 =	vor.u32 v11, v41;
	[sflag:s12] =	ssyncset.done $0x0  }
0xe9: {  	s8 =	sadd.s32 $0x4, s5;
	[sflag:s12] =	ssyncadd.s32 $0xFFFFF000  }
0xea: {  	v44 =	vmov s8;
	v24 =	vld.idx.msk [tilespmem:v42+s15+$0x0], $0xffff  }
0xeb: {  	v45 =	vshll.u32 v44, $0x3;
	v22 =	vld.idx.msk [tilespmem:v22+s15+$0x0], $0xffff  }
0xec: {  	v26 =	vand.u32 $0x74, v44;
	v27 =	vand.u32 $0xC00, v45;
	v25 =	vld.idx.msk [tilespmem:v43+s16+$0x0], $0xffff  }
0xed: {  	v26 =	vor.u32 v26, v27;
	v23 =	vld.idx.msk [tilespmem:v23+s16+$0x0], $0xffff  }
0xee: {  	v46 =	vbroadcast v18, $0x5;
	v27 =	vor.u32 v2, v26  }
0xef: {  	v26 =	vor.u32 v3, v26  }
0xf0: {  	v47 =	vbroadcast v19, $0x5;
	v48 =	vor.u32 v12, v46  }
0xf1: {  	v49 =	vor.u32 v13, v46;
	v24 =	vmul.f32 v25, v24  }
0xf2: {  	v50 =	vor.u32 v12, v47;
	v22 =	vmul.f32 v23, v22  }
0xf3: {  	v51 =	vor.u32 v13, v47;
	[tilespmem:v27+s1+$0x0] =	vst.idx.msk $0xffff, v24  }
0xf4: {  	s9 =	sadd.s32 $0x5, s5;
	[tilespmem:v26+s1+$0x0] =	vst.idx.msk $0xffff, v22  }
0xf5: {  	v52 =	vmov s9;
	v26 =	vld.idx.msk [tilespmem:v48+s15+$0x0], $0xffff  }
0xf6: {  	v53 =	vshll.u32 v52, $0x3;
	v25 =	vld.idx.msk [tilespmem:v49+s15+$0x0], $0xffff  }
0xf7: {  	v27 =	vand.u32 $0xC00, v53;
	v22 =	vand.u32 $0x75, v52;
	v23 =	vld.idx.msk [tilespmem:v50+s16+$0x0], $0xffff  }
0xf8: {  	v24 =	vld.idx.msk [tilespmem:v51+s16+$0x0], $0xffff;
	v22 =	vor.u32 v22, v27  }
0xf9: {  	v54 =	vbroadcast v18, $0x6;
	v27 =	vor.u32 v2, v22  }
0xfa: {  	v22 =	vor.u32 v3, v22  }
0xfb: {  	v55 =	vbroadcast v19, $0x6;
	v56 =	vor.u32 v14, v54  }
0xfc: {  	v57 =	vor.u32 v15, v54;
	v23 =	vmul.f32 v23, v26  }
0xfd: {  	v58 =	vor.u32 v14, v55;
	v24 =	vmul.f32 v24, v25  }
0xfe: {  	v59 =	vor.u32 v15, v55;
	[tilespmem:v27+s1+$0x0] =	vst.idx.msk $0xffff, v23  }
0xff: {  	s7 =	sadd.s32 $0x6, s5;
	[tilespmem:v22+s1+$0x0] =	vst.idx.msk $0xffff, v24  }
0x100: {  	v60 =	vmov s7;
	v24 =	vld.idx.msk [tilespmem:v56+s15+$0x0], $0xffff  }
0x101: {  	v61 =	vshll.u32 v60, $0x3;
	v26 =	vld.idx.msk [tilespmem:v57+s15+$0x0], $0xffff  }
0x102: {  	v27 =	vand.u32 $0xC00, v61;
	v22 =	vand.u32 $0x76, v60;
	v25 =	vld.idx.msk [tilespmem:v58+s16+$0x0], $0xffff  }
0x103: {  	v23 =	vld.idx.msk [tilespmem:v59+s16+$0x0], $0xffff;
	v22 =	vor.u32 v22, v27  }
0x104: {  	v62 =	vbroadcast v18, $0x7;
	v27 =	vor.u32 v2, v22  }
0x105: {  	v22 =	vor.u32 v3, v22  }
0x106: {  	v63 =	vbroadcast v19, $0x7;
	v33 =	vor.u32 v16, v62;
	(v2sf) =	vpush v20, $0xC  }
0x107: {  	v34 =	vor.u32 v17, v62;
	v24 =	vmul.f32 v25, v24  }
0x108: {  	v35 =	vor.u32 v16, v63;
	(v2sf) =	vpush v21, $0xC;
	v23 =	vmul.f32 v23, v26  }
0x109: {  	v36 =	vor.u32 v17, v63;
	[tilespmem:v27+s1+$0x0] =	vst.idx.msk $0xffff, v24  }
0x10a: {  	s8 =	sadd.s32 $0x7, s5;
	(v2sf) =	vpush v20, $0xD;
	[tilespmem:v22+s1+$0x0] =	vst.idx.msk $0xffff, v23  }
0x10b: {  	v37 =	vmov s8;
	v23 =	vld.idx.msk [tilespmem:v33+s15+$0x0], $0xffff  }
0x10c: {  	v38 =	vshll.u32 v37, $0x3;
	(v2sf) =	vpush v21, $0xD;
	v25 =	vld.idx.msk [tilespmem:v34+s15+$0x0], $0xffff  }
0x10d: {  	v27 =	vand.u32 $0xC00, v38;
	v22 =	vand.u32 $0x77, v37;
	v26 =	vld.idx.msk [tilespmem:v35+s16+$0x0], $0xffff  }
0x10e: {  	(v2sf) =	vpush v20, $0xE;
	v24 =	vld.idx.msk [tilespmem:v36+s16+$0x0], $0xffff;
	v22 =	vor.u32 v22, v27  }
0x10f: {  	v27 =	vor.u32 v2, v22  }
0x110: {  	(v2sf) =	vpush v21, $0xE;
	v22 =	vor.u32 v3, v22;
	_ =	sdelay $0x1  }
0x111: {  	(v2sf) =	vpush v20, $0xF;
	v23 =	vmul.f32 v26, v23  }
0x112: {  	v39 =	vmul.f32 v24, v25  }
0x113: {  	(v2sf) =	vpush v21, $0xF;
	[tilespmem:v27+s1+$0x0] =	vst.idx.msk $0xffff, v23  }
0x114: {  	s9 =	spop (v2sf);
	[tilespmem:v22+s1+$0x0] =	vst.idx.msk $0xffff, v39  }
0x115: {  	[tilespmem:s23], [sflag:$0x2] =	stream.strided.gather [hbm4b:s9+s15], $0x1000, s13, s15, $0x38;
	[tilespmem:$0x1A400] =	vst v63  }
0x116: {  	s7 =	spop (v2sf)  }
0x117: {  	[tilespmem:s24], [sflag:$0x2] =	stream.strided.gather [hbm4b:s7+s15], $0x1000, s13, s15, $0x38;
	[tilespmem:$0x1A400] =	vst v63  }
0x118: {  	s8 =	spop (v2sf)  }
0x119: {  	[tilespmem:s25], [sflag:$0x2] =	stream.strided.gather [hbm4b:s8+s15], $0x1000, s13, s15, $0x38;
	[tilespmem:$0x1A400] =	vst v63  }
0x11a: {  	s9 =	spop (v2sf)  }
0x11b: {  	[tilespmem:s26], [sflag:$0x2] =	stream.strided.gather [hbm4b:s9+s15], $0x1000, s13, s15, $0x38;
	[tilespmem:$0x1A400] =	vst v63  }
0x11c: {  	s7 =	spop (v2sf)  }
0x11d: {  	[tilespmem:s28], [sflag:$0x2] =	stream.strided.gather [hbm4b:s7+s15], $0x1000, s13, s15, $0x38;
	[tilespmem:$0x1A400] =	vst v63  }
0x11e: {  	s8 =	spop (v2sf)  }
0x11f: {  	[tilespmem:s29], [sflag:$0x2] =	stream.strided.gather [hbm4b:s8+s15], $0x1000, s13, s15, $0x38;
	[tilespmem:$0x1A400] =	vst v63  }
0x120: {  	s9 =	spop (v2sf)  }
0x121: {  	[tilespmem:s30], [sflag:$0x2] =	stream.strided.gather [hbm4b:s9+s15], $0x1000, s13, s15, $0x38;
	[tilespmem:$0x1A400] =	vst v63  }
0x122: {  	s7 =	spop (v2sf)  }
0x123: {  	[tilespmem:s31], [sflag:$0x2] =	stream.strided.gather [hbm4b:s7+s15], $0x1000, s13, s15, $0x38;
	[tilespmem:$0x1A400] =	vst v63  }
0x124: {  	_ =	swait.ge [sflag:s0], $0x1000  }
0x125: {  	[sflag:s0] =	ssyncset.done $0x0  }
0x126: {  	[sflag:s0] =	ssyncadd.s32 $0xFFFFF000  }
0x127: {  	_ =	swait.ge [sflag:s0], $0x1000  }
0x128: {  	[sflag:s0] =	ssyncset.done $0x0  }
0x129: {  	[sflag:s0] =	ssyncadd.s32 $0xFFFFF000  }
0x12a: {  	_ =	swait.ge [sflag:s0], $0x1000  }
0x12b: {  	[sflag:s0] =	ssyncset.done $0x0  }
0x12c: {  	[sflag:s0] =	ssyncadd.s32 $0xFFFFF000  }
0x12d: {  	_ =	swait.ge [sflag:s0], $0x1000  }
0x12e: {  	[sflag:s0] =	ssyncset.done $0x0  }
0x12f: {  	[sflag:s0] =	ssyncadd.s32 $0xFFFFF000  }
0x130: {  	_ =	swait.ge [sflag:s0], $0x1000  }
0x131: {  	[sflag:s0] =	ssyncset.done $0x0  }
0x132: {  	[sflag:s0] =	ssyncadd.s32 $0xFFFFF000  }
0x133: {  	_ =	swait.ge [sflag:s0], $0x1000  }
0x134: {  	[sflag:s0] =	ssyncset.done $0x0  }
0x135: {  	v40 =	vbroadcast v18, $0x8;
	[sflag:s0] =	ssyncadd.s32 $0xFFFFF000  }
0x136: {  	_ =	swait.ge [sflag:s0], $0x1000  }
0x137: {  	v41 =	vbroadcast v19, $0x8;
	v42 =	vor.u32 v0, v40;
	[sflag:s0] =	ssyncset.done $0x0  }
0x138: {  	v20 =	vor.u32 v1, v40;
	[sflag:s0] =	ssyncadd.s32 $0xFFFFF000  }
0x139: {  	v43 =	vor.u32 v0, v41;
	_ =	swait.ge [sflag:s0], $0x1000  }
0x13a: {  	v21 =	vor.u32 v1, v41;
	[sflag:s0] =	ssyncset.done $0x0  }
0x13b: {  	s8 =	sadd.s32 $0x8, s5;
	[sflag:s0] =	ssyncadd.s32 $0xFFFFF000  }
0x13c: {  	v44 =	vmov s8;
	v22 =	vld.idx.msk [tilespmem:v42+s15+$0x0], $0xffff  }
0x13d: {  	v45 =	vshll.u32 v44, $0x3;
	v20 =	vld.idx.msk [tilespmem:v20+s15+$0x0], $0xffff  }
0x13e: {  	v24 =	vand.u32 $0x78, v44;
	v25 =	vand.u32 $0xC00, v45;
	v23 =	vld.idx.msk [tilespmem:v43+s16+$0x0], $0xffff  }
0x13f: {  	v24 =	vor.u32 v24, v25;
	v21 =	vld.idx.msk [tilespmem:v21+s16+$0x0], $0xffff  }
0x140: {  	v46 =	vbroadcast v18, $0x9;
	v25 =	vor.u32 v2, v24  }
0x141: {  	v24 =	vor.u32 v3, v24  }
0x142: {  	v47 =	vbroadcast v19, $0x9;
	v48 =	vor.u32 v4, v46  }
0x143: {  	v49 =	vor.u32 v5, v46;
	v22 =	vmul.f32 v23, v22  }
0x144: {  	v50 =	vor.u32 v4, v47;
	v20 =	vmul.f32 v21, v20  }
0x145: {  	v51 =	vor.u32 v5, v47;
	[tilespmem:v25+s1+$0x0] =	vst.idx.msk $0xffff, v22  }
0x146: {  	s9 =	sadd.s32 $0x9, s5;
	[tilespmem:v24+s1+$0x0] =	vst.idx.msk $0xffff, v20  }
0x147: {  	v52 =	vmov s9;
	v24 =	vld.idx.msk [tilespmem:v48+s15+$0x0], $0xffff  }
0x148: {  	v53 =	vshll.u32 v52, $0x3;
	v23 =	vld.idx.msk [tilespmem:v49+s15+$0x0], $0xffff  }
0x149: {  	v25 =	vand.u32 $0xC00, v53;
	v20 =	vand.u32 $0x79, v52;
	v21 =	vld.idx.msk [tilespmem:v50+s16+$0x0], $0xffff  }
0x14a: {  	v22 =	vld.idx.msk [tilespmem:v51+s16+$0x0], $0xffff;
	v20 =	vor.u32 v20, v25  }
0x14b: {  	v54 =	vbroadcast v18, $0xA;
	v25 =	vor.u32 v2, v20  }
0x14c: {  	v20 =	vor.u32 v3, v20  }
0x14d: {  	v55 =	vbroadcast v19, $0xA;
	v56 =	vor.u32 v6, v54  }
0x14e: {  	v57 =	vor.u32 v7, v54;
	v21 =	vmul.f32 v21, v24  }
0x14f: {  	v58 =	vor.u32 v6, v55;
	v22 =	vmul.f32 v22, v23  }
0x150: {  	v59 =	vor.u32 v7, v55;
	[tilespmem:v25+s1+$0x0] =	vst.idx.msk $0xffff, v21  }
0x151: {  	s7 =	sadd.s32 $0xA, s5;
	[tilespmem:v20+s1+$0x0] =	vst.idx.msk $0xffff, v22  }
0x152: {  	v60 =	vmov s7;
	v22 =	vld.idx.msk [tilespmem:v56+s15+$0x0], $0xffff  }
0x153: {  	v61 =	vshll.u32 v60, $0x3;
	v24 =	vld.idx.msk [tilespmem:v57+s15+$0x0], $0xffff  }
0x154: {  	v25 =	vand.u32 $0xC00, v61;
	v20 =	vand.u32 $0x7A, v60;
	v23 =	vld.idx.msk [tilespmem:v58+s16+$0x0], $0xffff  }
0x155: {  	v21 =	vld.idx.msk [tilespmem:v59+s16+$0x0], $0xffff;
	v20 =	vor.u32 v20, v25  }
0x156: {  	v62 =	vbroadcast v18, $0xB;
	v25 =	vor.u32 v2, v20  }
0x157: {  	v20 =	vor.u32 v3, v20  }
0x158: {  	v63 =	vbroadcast v19, $0xB;
	v32 =	vor.u32 v8, v62  }
0x159: {  	v33 =	vor.u32 v9, v62;
	v22 =	vmul.f32 v23, v22  }
0x15a: {  	v34 =	vor.u32 v8, v63;
	v21 =	vmul.f32 v21, v24  }
0x15b: {  	v35 =	vor.u32 v9, v63;
	[tilespmem:v25+s1+$0x0] =	vst.idx.msk $0xffff, v22  }
0x15c: {  	s8 =	sadd.s32 $0xB, s5;
	[tilespmem:v20+s1+$0x0] =	vst.idx.msk $0xffff, v21  }
0x15d: {  	v36 =	vmov s8;
	v21 =	vld.idx.msk [tilespmem:v32+s15+$0x0], $0xffff  }
0x15e: {  	v37 =	vshll.u32 v36, $0x3;
	v23 =	vld.idx.msk [tilespmem:v33+s15+$0x0], $0xffff  }
0x15f: {  	v25 =	vand.u32 $0xC00, v37;
	v20 =	vand.u32 $0x7B, v36;
	v24 =	vld.idx.msk [tilespmem:v34+s16+$0x0], $0xffff  }
0x160: {  	v22 =	vld.idx.msk [tilespmem:v35+s16+$0x0], $0xffff;
	v20 =	vor.u32 v20, v25  }
0x161: {  	v25 =	vor.u32 v2, v20  }
0x162: {  	v20 =	vor.u32 v3, v20;
	_ =	sdelay $0x1  }
0x163: {  	v21 =	vmul.f32 v24, v21  }
0x164: {  	v22 =	vmul.f32 v22, v23  }
0x165: {  	[tilespmem:v25+s1+$0x0] =	vst.idx.msk $0xffff, v21  }
0x166: {  	[tilespmem:v20+s1+$0x0] =	vst.idx.msk $0xffff, v22  }
0x167: {  	_ =	swait.ge [sflag:s12], $0x1000  }
0x168: {  	[sflag:s12] =	ssyncset.done $0x0  }
0x169: {  	[sflag:s12] =	ssyncadd.s32 $0xFFFFF000  }
0x16a: {  	_ =	swait.ge [sflag:s12], $0x1000  }
0x16b: {  	[sflag:s12] =	ssyncset.done $0x0  }
0x16c: {  	[sflag:s12] =	ssyncadd.s32 $0xFFFFF000  }
0x16d: {  	_ =	swait.ge [sflag:s12], $0x1000  }
0x16e: {  	[sflag:s12] =	ssyncset.done $0x0  }
0x16f: {  	[sflag:s12] =	ssyncadd.s32 $0xFFFFF000  }
0x170: {  	_ =	swait.ge [sflag:s12], $0x1000  }
0x171: {  	[sflag:s12] =	ssyncset.done $0x0  }
0x172: {  	[sflag:s12] =	ssyncadd.s32 $0xFFFFF000  }
0x173: {  	_ =	swait.ge [sflag:s12], $0x1000  }
0x174: {  	[sflag:s12] =	ssyncset.done $0x0  }
0x175: {  	[sflag:s12] =	ssyncadd.s32 $0xFFFFF000  }
0x176: {  	_ =	swait.ge [sflag:s12], $0x1000  }
0x177: {  	[sflag:s12] =	ssyncset.done $0x0  }
0x178: {  	v38 =	vbroadcast v18, $0xC;
	[sflag:s12] =	ssyncadd.s32 $0xFFFFF000  }
0x179: {  	_ =	swait.ge [sflag:s12], $0x1000  }
0x17a: {  	v40 =	vor.u32 v10, v38;
	v39 =	vbroadcast v19, $0xC;
	[sflag:s12] =	ssyncset.done $0x0  }
0x17b: {  	v20 =	vor.u32 v11, v38;
	[sflag:s12] =	ssyncadd.s32 $0xFFFFF000  }
0x17c: {  	v41 =	vor.u32 v10, v39;
	_ =	swait.ge [sflag:s12], $0x1000  }
0x17d: {  	v21 =	vor.u32 v11, v39;
	[sflag:s12] =	ssyncset.done $0x0  }
0x17e: {  	s9 =	sadd.s32 $0xC, s5;
	[sflag:s12] =	ssyncadd.s32 $0xFFFFF000  }
0x17f: {  	v42 =	vmov s9;
	v22 =	vld.idx.msk [tilespmem:v40+s15+$0x0], $0xffff  }
0x180: {  	v43 =	vshll.u32 v42, $0x3;
	v20 =	vld.idx.msk [tilespmem:v20+s15+$0x0], $0xffff  }
0x181: {  	v24 =	vand.u32 $0x7C, v42;
	v25 =	vand.u32 $0xC00, v43;
	v23 =	vld.idx.msk [tilespmem:v41+s16+$0x0], $0xffff  }
0x182: {  	v24 =	vor.u32 v24, v25;
	v21 =	vld.idx.msk [tilespmem:v21+s16+$0x0], $0xffff  }
0x183: {  	v44 =	vbroadcast v18, $0xD;
	v25 =	vor.u32 v2, v24  }
0x184: {  	v24 =	vor.u32 v3, v24  }
0x185: {  	v45 =	vbroadcast v19, $0xD;
	v46 =	vor.u32 v12, v44  }
0x186: {  	v47 =	vor.u32 v13, v44;
	v22 =	vmul.f32 v23, v22  }
0x187: {  	v48 =	vor.u32 v12, v45;
	v20 =	vmul.f32 v21, v20  }
0x188: {  	v49 =	vor.u32 v13, v45;
	[tilespmem:v25+s1+$0x0] =	vst.idx.msk $0xffff, v22  }
0x189: {  	s7 =	sadd.s32 $0xD, s5;
	[tilespmem:v24+s1+$0x0] =	vst.idx.msk $0xffff, v20  }
0x18a: {  	v50 =	vmov s7;
	v24 =	vld.idx.msk [tilespmem:v46+s15+$0x0], $0xffff  }
0x18b: {  	v51 =	vshll.u32 v50, $0x3;
	v23 =	vld.idx.msk [tilespmem:v47+s15+$0x0], $0xffff  }
0x18c: {  	v25 =	vand.u32 $0xC00, v51;
	v20 =	vand.u32 $0x7D, v50;
	v21 =	vld.idx.msk [tilespmem:v48+s16+$0x0], $0xffff  }
0x18d: {  	v22 =	vld.idx.msk [tilespmem:v49+s16+$0x0], $0xffff;
	v20 =	vor.u32 v20, v25  }
0x18e: {  	v52 =	vbroadcast v18, $0xE;
	v25 =	vor.u32 v2, v20  }
0x18f: {  	v20 =	vor.u32 v3, v20  }
0x190: {  	v53 =	vbroadcast v19, $0xE;
	v54 =	vor.u32 v14, v52  }
0x191: {  	v55 =	vor.u32 v15, v52;
	v21 =	vmul.f32 v21, v24  }
0x192: {  	v56 =	vor.u32 v14, v53;
	v22 =	vmul.f32 v22, v23  }
0x193: {  	v57 =	vor.u32 v15, v53;
	[tilespmem:v25+s1+$0x0] =	vst.idx.msk $0xffff, v21  }
0x194: {  	s8 =	sadd.s32 $0xE, s5;
	[tilespmem:v20+s1+$0x0] =	vst.idx.msk $0xffff, v22  }
0x195: {  	v58 =	vmov s8;
	v22 =	vld.idx.msk [tilespmem:v54+s15+$0x0], $0xffff  }
0x196: {  	v59 =	vshll.u32 v58, $0x3;
	v24 =	vld.idx.msk [tilespmem:v55+s15+$0x0], $0xffff  }
0x197: {  	v25 =	vand.u32 $0xC00, v59;
	v20 =	vand.u32 $0x7E, v58;
	v23 =	vld.idx.msk [tilespmem:v56+s16+$0x0], $0xffff  }
0x198: {  	v21 =	vld.idx.msk [tilespmem:v57+s16+$0x0], $0xffff;
	v20 =	vor.u32 v20, v25  }
0x199: {  	v18 =	vbroadcast v18, $0xF;
	v25 =	vor.u32 v2, v20  }
0x19a: {  	v20 =	vor.u32 v3, v20  }
0x19b: {  	v19 =	vbroadcast v19, $0xF;
	v60 =	vor.u32 v16, v18  }
0x19c: {  	v18 =	vor.u32 v17, v18;
	v22 =	vmul.f32 v23, v22  }
0x19d: {  	v61 =	vor.u32 v16, v19;
	v21 =	vmul.f32 v21, v24  }
0x19e: {  	v19 =	vor.u32 v17, v19;
	[tilespmem:v25+s1+$0x0] =	vst.idx.msk $0xffff, v22  }
0x19f: {  	s9 =	sadd.s32 $0xF, s5;
	[tilespmem:v20+s1+$0x0] =	vst.idx.msk $0xffff, v21  }
0x1a0: {  	v62 =	vmov s9;
	v21 =	vld.idx.msk [tilespmem:v60+s15+$0x0], $0xffff  }
0x1a1: {  	v63 =	vshll.u32 v62, $0x3;
	v18 =	vld.idx.msk [tilespmem:v18+s15+$0x0], $0xffff  }
0x1a2: {  	v22 =	vand.u32 $0xC00, v63;
	v20 =	vand.u32 $0x7F, v62;
	v23 =	vld.idx.msk [tilespmem:v61+s16+$0x0], $0xffff  }
0x1a3: {  	v19 =	vld.idx.msk [tilespmem:v19+s16+$0x0], $0xffff;
	v20 =	vor.u32 v20, v22  }
0x1a4: {  	v22 =	vor.u32 v2, v20  }
0x1a5: {  	p0 =	sne.s32 s5, $0x1F0;
	v20 =	vor.u32 v3, v20  }
.Ltmp0:
0x1a6: {  	_ = 	snop;
	(pc) =	sbr.rel @p0 .LBB2_2-.Ltmp0, $4  }
0x1a7: {  	v21 =	vmul.f32 v23, v21  }
0x1a8: {  	v18 =	vmul.f32 v19, v18  }
0x1a9: {  	s3 =	sadd.s32 $0x10, s3;
	[tilespmem:v22+s1+$0x0] =	vst.idx.msk $0xffff, v21  }
0x1aa: {  	s2 =	sadd.s32 $0x10, s2;
	s4 =	sadd.s32 $0x80, s4;
	s5 =	sadd.s32 $0x10, s5;
	[tilespmem:v20+s1+$0x0] =	vst.idx.msk $0xffff, v18  }
0x1ab: {  	s2 =	rddreg [dreg:$0xe];
	s5 =	simm.s32 $0x1000  }
0x1ac: {  	[hbm4b:s2+s5] =	stream.strided.scatter [tilespmem:s1], [sflag:$0x3], $0x6000, s10, s5, $0x38;
	[tilespmem:$0x1A400] =	vst v63  }
0x1ad: {  	_ =	swait.ge [sflag:s11], $0x6000  }
0x1ae: {  	s14 =	sadd.s32 $0x1, s14;
	s9 =	rddreg [dreg:$0xf]  }
0x1af: {  	p0 =	sne.s32 s14, s9  }
.Ltmp1:
0x1b0: {  	_ = 	snop;
	(pc) =	sbr.rel @p0 .LBB2_1-.Ltmp1, $3  }
0x1b1: {  	_ =	sdelay $0x1  }
0x1b2: {  	[sflag:s11] =	ssyncset.done $0x0  }
0x1b3: {  	[sflag:s11] =	ssyncadd.s32 $0xFFFFA000  }
0x1b4: {  	_ =	sfence.sel $0x180000  }
0x1b5: {  	[bflag:$0x0] =	sbarrier.arrive $0xFFFF  }
0x1b6: {  	_ =	strace $0x90000047  }
0x1b7: {  	s0 =	stileid.u32;
	[bflag:$0x2] =	sbarrier.arrive $0xFFFF  }
0x1b8: {  	p0 =	sne.s32 s0, $0x0;
	s0 =	rddreg [dreg:$0x7]  }
0x1b9: {  	s0 =	sadd.s32 @!p0 $0x100000, s0  }
0x1ba: {  	[sflag:s0] =	ssyncadd.tile.s32 @!p0 $0x1;
	_ =	shalt  }
.Lfunc_end2:
_tile_overlayer_lowered:
.L_overlay_start_2:
0x1bb: {  	(tag) =	ssettag $0x2  }
0x1bc: {  	s0 =	rddreg [dreg:$0x0];
	s2 =	stileid.u32  }
0x1bd: {  	s1 =	rddreg [dreg:$0x1];
	p0 =	sne.s32 s2, $0x0  }
0x1be: {  	s3 =	rddreg [dreg:$0x2];
	[bflag:$0x3] =	sbarrier.arrive $0xFFFF;
	s2 =	simm.s32 @!p0 $0x1C03  }
0x1bf: {  	[timem:s3], [sflag:s2] =	dma.local @!p0 [hbm:s0], s1  }
0x1c0: {  	s0 =	simm.s32 @!p0 $0x3  }
0x1c1: {  	_ =	swait.ge @!p0 [sflag:s0], s1  }
0x1c2: {  	s1 =	ssub.s32 @!p0 $0x0, s1;
	[sflag:s0] =	ssyncset.done @!p0 $0x0  }
0x1c3: {  	[sflag:s0] =	ssyncadd.s32 @!p0 s1  }
0x1c4: {  	[bflag:$0x3] =	sbarrier.arrive $0xFFFF  }
0x1c5: {  	_ =	shalt  }

</sc_bundles>
